<compile_context>
chip_gen: v7x
topology: tpu7x:2x2x1
jax: 0.10.2.dev20260603
libtpu: 0.0.44.dev20260713+nightly
codegen_flags: <defaults>
</compile_context>

<pallas_src>
import functools

import jax
import jax.numpy as jnp
from jax import lax
from jax.experimental import pallas as pl
from jax.experimental.pallas import tpu as pltpu
from jax.experimental.pallas import tpu_sc as plsc

N = 10000
E = 320000
D = 128

NC = 2
NS = 16
NW = NC * NS
CH = 80
EPW = E // NW
NITER = EPW // CH
NBC = 25
NBLK = NITER // NBC
N_PAD = 10240
RPS = N_PAD // NS
ZB = 32


def _make_sc_agg():
    mesh = plsc.VectorSubcoreMesh(core_axis_name="c", subcore_axis_name="s")
    out_type = [jax.ShapeDtypeStruct((NC, N_PAD, D), jnp.float32),
                jax.ShapeDtypeStruct((NC, N_PAD, 16), jnp.float32)]
    scratch = [
        pltpu.VMEM((2, NBC, CH), jnp.int32),
        pltpu.VMEM((2, NBC, CH), jnp.int32),
        pltpu.VMEM((2, CH, D), jnp.float32),
        pltpu.VMEM((ZB, D), jnp.float32),
        pltpu.VMEM_SHARED((N_PAD, D), jnp.float32),
        pltpu.SemaphoreType.DMA,
        pltpu.SemaphoreType.DMA,
        pltpu.SemaphoreType.DMA,
        pltpu.VMEM((16,), jnp.int32),
    ]
    scratch += [
        pltpu.VMEM((CH, 16), jnp.float32),
        pltpu.VMEM((ZB, 16), jnp.float32),
        pltpu.VMEM_SHARED((N_PAD, 16), jnp.float32),
    ]

    @functools.partial(pl.kernel, out_type=tuple(out_type), mesh=mesh,
                       scratch_types=scratch,
                       compiler_params=pltpu.CompilerParams(
                           use_tc_tiling_on_sc=False,
                           needs_layout_passes=False))
    def sc_kernel(src_hbm, dst_hbm, x_hbm, dflag_hbm, *refs):
        (agg_out, deg_out, src_b, dst_b, rows_v, zrow_v, agg_sh,
         semg, semi, semz, flag_s, ones_v, zdeg_v, deg_sh) = refs
        c = lax.axis_index("c")
        s = lax.axis_index("s")
        wid = s * NC + c
        zero16 = jnp.zeros((16,), jnp.float32)

        pltpu.sync_copy(src_hbm.at[wid, pl.ds(0, NBC)], src_b.at[0])
        pltpu.sync_copy(dst_hbm.at[wid, pl.ds(0, NBC)], dst_b.at[0])
        pltpu.async_copy(src_hbm.at[wid, pl.ds(NBC, NBC)], src_b.at[1], semi)
        pltpu.async_copy(dst_hbm.at[wid, pl.ds(NBC, NBC)], dst_b.at[1], semi)
        pltpu.sync_copy(dflag_hbm, flag_s)
        want_deg = jax.lax.reduce_max(flag_s[...], axes=(0,)) == 1
        pltpu.async_copy(x_hbm.at[src_b.at[0, 0]], rows_v.at[0], semg)

        @pl.loop(0, ZB)
        def _(i):
            @pl.loop(0, D, step=16)
            def _(j):
                zrow_v[i, pl.ds(j, 16)] = zero16

        @pl.when(want_deg)
        def _():
            @pl.loop(0, ZB)
            def _(i):
                zdeg_v[i, pl.ds(0, 16)] = zero16

            @pl.loop(0, CH)
            def _(i):
                ones_v[i, pl.ds(0, 16)] = jnp.ones((16,), jnp.float32)

        @pl.loop(0, RPS, step=ZB)
        def _(k):
            pltpu.async_copy(zrow_v, agg_sh.at[pl.ds(s * RPS + k, ZB)], semz)
        @pl.when(want_deg)
        def _():
            @pl.loop(0, RPS, step=ZB)
            def _(k):
                pltpu.async_copy(zdeg_v, deg_sh.at[pl.ds(s * RPS + k, ZB)],
                                 semz)

        @pl.loop(0, RPS, step=ZB)
        def _(k):
            pltpu.make_async_copy(
                zrow_v, agg_sh.at[pl.ds(s * RPS + k, ZB)], semz).wait()
        @pl.when(want_deg)
        def _():
            @pl.loop(0, RPS, step=ZB)
            def _(k):
                pltpu.make_async_copy(
                    zdeg_v, deg_sh.at[pl.ds(s * RPS + k, ZB)], semz).wait()
        plsc.subcore_barrier()

        @pl.loop(0, NITER)
        def _(i):
            p = lax.rem(i, 2)
            q = 1 - p
            lb = lax.div(i, NBC)
            j = lax.rem(i, NBC)
            m = lax.rem(lb, 2)
            i1 = i + 1
            lb1 = lax.div(i1, NBC)
            j1 = lax.rem(i1, NBC)
            m1 = lax.rem(lb1, 2)

            @pl.when(i1 < NITER)
            def _():
                @pl.when(j1 == 0)
                def _():
                    pltpu.make_async_copy(
                        src_hbm.at[wid, pl.ds(lb1 * NBC, NBC)],
                        src_b.at[m1], semi).wait()
                    pltpu.make_async_copy(
                        dst_hbm.at[wid, pl.ds(lb1 * NBC, NBC)],
                        dst_b.at[m1], semi).wait()

                pltpu.async_copy(x_hbm.at[src_b.at[m1, j1]], rows_v.at[q],
                                 semg)

            pltpu.make_async_copy(x_hbm.at[src_b.at[m, j]], rows_v.at[p],
                                  semg).wait()
            pltpu.sync_copy(rows_v.at[p], agg_sh.at[dst_b.at[m, j]], add=True)

            @pl.when(want_deg)
            def _():
                pltpu.sync_copy(ones_v, deg_sh.at[dst_b.at[m, j]], add=True)

            @pl.when(jnp.logical_and(j1 == 0, lb1 + 1 < NBLK))
            def _():
                pltpu.async_copy(src_hbm.at[wid, pl.ds((lb1 + 1) * NBC, NBC)],
                                 src_b.at[1 - m1], semi)
                pltpu.async_copy(dst_hbm.at[wid, pl.ds((lb1 + 1) * NBC, NBC)],
                                 dst_b.at[1 - m1], semi)

        plsc.subcore_barrier()
        pltpu.async_copy(agg_sh.at[pl.ds(s * RPS, RPS)],
                         agg_out.at[c, pl.ds(s * RPS, RPS)], semz)

        @pl.when(want_deg)
        def _():
            pltpu.async_copy(deg_sh.at[pl.ds(s * RPS, RPS)],
                             deg_out.at[c, pl.ds(s * RPS, RPS)], semz)
            pltpu.make_async_copy(deg_sh.at[pl.ds(s * RPS, RPS)],
                                  deg_out.at[c, pl.ds(s * RPS, RPS)],
                                  semz).wait()
        pltpu.make_async_copy(agg_sh.at[pl.ds(s * RPS, RPS)],
                              agg_out.at[c, pl.ds(s * RPS, RPS)], semz).wait()

    return sc_kernel


_sc_agg = _make_sc_agg()

_BR = 2000


def _tc_layer1_body(aggp, degp, x, wl, bl, wr, h):
    agg = aggp[0] + aggp[1]
    deg = degp[0] + degp[1]
    mean = agg / jnp.maximum(deg[:, 0:1], 1.0)
    acc = lax.dot_general(mean, wl[...], (((1,), (1,)), ((), ())),
                          preferred_element_type=jnp.float32)
    acc += lax.dot_general(x[...], wr[...], (((1,), (1,)), ((), ())),
                           preferred_element_type=jnp.float32)
    h[...] = jnp.maximum(acc + bl[...], 0.0)


def _tc_layer2_body(aggp, degp, x, wl, bl, wr, out):
    agg = aggp[0] + aggp[1]
    deg = degp[0] + degp[1]
    mean = agg / jnp.maximum(deg[:, 0:1], 1.0)
    acc = lax.dot_general(mean, wl[...], (((1,), (1,)), ((), ())),
                          preferred_element_type=jnp.float32)
    acc += lax.dot_general(x[...], wr[...], (((1,), (1,)), ((), ())),
                           preferred_element_type=jnp.float32)
    o = acc + bl[...]
    m = jnp.max(o, axis=1, keepdims=True)
    lse = jnp.log(jnp.sum(jnp.exp(o - m), axis=1, keepdims=True)) + m
    out[...] = o - lse


def _tc_layer(body, aggp, degp, x, wl, bl, wr):
    def wrapped(aggp_ref, degp_ref, x_ref, wl_ref, bl_ref, wr_ref, o_ref):
        body(aggp_ref, degp_ref, x_ref, wl_ref, bl_ref, wr_ref, o_ref)

    return pl.pallas_call(
        wrapped,
        grid=(N // _BR,),
        in_specs=[
            pl.BlockSpec((NC, _BR, D), lambda i: (0, i, 0)),
            pl.BlockSpec((NC, _BR, 16), lambda i: (0, i, 0)),
            pl.BlockSpec((_BR, D), lambda i: (i, 0)),
            pl.BlockSpec((D, D), lambda i: (0, 0)),
            pl.BlockSpec((1, D), lambda i: (0, 0)),
            pl.BlockSpec((D, D), lambda i: (0, 0)),
        ],
        out_specs=pl.BlockSpec((_BR, D), lambda i: (i, 0)),
        out_shape=jax.ShapeDtypeStruct((N, D), jnp.float32),
    )(aggp, degp, x, wl, bl, wr)


def kernel(x, edge_index, Wl1, bl1, Wr1, Wl2, bl2, Wr2):
    src = edge_index[0].astype(jnp.int32).reshape(NW, NITER, CH)
    dst = edge_index[1].astype(jnp.int32).reshape(NW, NITER, CH)
    flag1 = jnp.ones((16,), jnp.int32)
    flag0 = jnp.zeros((16,), jnp.int32)
    aggp1, degp = _sc_agg(src, dst, x, flag1)
    h = _tc_layer(_tc_layer1_body, aggp1, degp, x, Wl1,
                  bl1.reshape(1, D), Wr1)
    aggp2, _ = _sc_agg(src, dst, h, flag0)
    out = _tc_layer(_tc_layer2_body, aggp2, degp, h, Wl2,
                    bl2.reshape(1, D), Wr2)
    return out

# --- scband reference (transcript-rebuilt; emitter-appended) ---
"""Pipeline reference for scband-graph-sage-20469814133412 (READ-ONLY COPY).

The authoritative reference and input builder live on the scoring server;
editing this copy changes nothing except your own understanding.
"""

import jax, jax.numpy as jnp
import numpy as np

N = 10000
E = 320000
D_IN = 128
D_HID = 128
D_OUT = 128


def setup_inputs(seed: int = 0) -> dict:
    key = jax.random.key(seed)
    ks = jax.random.split(key, 9)
    x = jax.random.normal(ks[0], (N, D_IN), dtype=jnp.float32)
    edge_index = jax.random.randint(ks[1], (2, E), 0, N, dtype=jnp.int64)
    # SAGEConv params: lin_l (applied to mean-aggregated neighbors, has bias),
    # lin_r (applied to root node, no bias) -- PyG defaults with root_weight=True.
    s1 = 1.0 / np.sqrt(D_IN)
    Wl1 = jax.random.uniform(ks[2], (D_HID, D_IN), jnp.float32, -s1, s1)
    bl1 = jax.random.uniform(ks[3], (D_HID,), jnp.float32, -s1, s1)
    Wr1 = jax.random.uniform(ks[4], (D_HID, D_IN), jnp.float32, -s1, s1)
    s2 = 1.0 / np.sqrt(D_HID)
    Wl2 = jax.random.uniform(ks[5], (D_OUT, D_HID), jnp.float32, -s2, s2)
    bl2 = jax.random.uniform(ks[6], (D_OUT,), jnp.float32, -s2, s2)
    Wr2 = jax.random.uniform(ks[7], (D_OUT, D_HID), jnp.float32, -s2, s2)
    return {"x": x, "edge_index": edge_index, "Wl1": Wl1, "bl1": bl1, "Wr1": Wr1,
            "Wl2": Wl2, "bl2": bl2, "Wr2": Wr2}


def _sage_conv(x, edge_index, Wl, bl, Wr):
    src = edge_index[0]
    dst = edge_index[1]
    msg = jnp.take(x, src, axis=0)                      # gather source features [E, d]
    agg = jax.ops.segment_sum(msg, dst, num_segments=N)  # scatter-add to dst [N, d]
    deg = jax.ops.segment_sum(jnp.ones((edge_index.shape[1],), dtype=x.dtype), dst, num_segments=N)
    mean = agg / jnp.maximum(deg, 1.0)[:, None]          # mean aggregation
    return mean @ Wl.T + bl + x @ Wr.T


def reference(x, edge_index, Wl1, bl1, Wr1, Wl2, bl2, Wr2):
    h = jax.nn.relu(_sage_conv(x, edge_index, Wl1, bl1, Wr1))
    # dropout is identity in eval mode (training=False)
    h = _sage_conv(h, edge_index, Wl2, bl2, Wr2)
    return jax.nn.log_softmax(h, axis=1)

if __name__ == "__main__":
    import jax
    _d = setup_inputs()
    print(jax.jit(kernel)(*tuple(_d.values())))

</pallas_src>

<mosaic_0001>
#map = affine_map<(d0, d1) -> (0, 0, 0)>
#map1 = affine_map<(d0, d1) -> (0, 0)>
#map2 = affine_map<(d0, d1) -> (0)>
module attributes {stable_mosaic.version = 14 : i64} {
  func.func @sc_kernel(%arg0: i32, %arg1: i32, %arg2: memref<32x125x80xi32, #tpu.memory_space<hbm>>, %arg3: memref<32x125x80xi32, #tpu.memory_space<hbm>>, %arg4: memref<10000x128xf32, #tpu.memory_space<hbm>>, %arg5: memref<16xi32, #tpu.memory_space<hbm>>, %arg6: memref<2x10240x128xf32, #tpu.memory_space<hbm>>, %arg7: memref<2x10240x16xf32, #tpu.memory_space<hbm>>, %arg8: memref<2x25x80xi32, #tpu.memory_space<vmem>>, %arg9: memref<2x25x80xi32, #tpu.memory_space<vmem>>, %arg10: memref<2x80x128xf32, #tpu.memory_space<vmem>>, %arg11: memref<32x128xf32, #tpu.memory_space<vmem>>, %arg12: memref<10240x128xf32, #tpu.memory_space<vmem_shared>>, %arg13: memref<!tpu.dma_semaphore, #tpu.memory_space<semaphore_mem>>, %arg14: memref<!tpu.dma_semaphore, #tpu.memory_space<semaphore_mem>>, %arg15: memref<!tpu.dma_semaphore, #tpu.memory_space<semaphore_mem>>, %arg16: memref<16xi32, #tpu.memory_space<vmem>>, %arg17: memref<80x16xf32, #tpu.memory_space<vmem>>, %arg18: memref<32x16xf32, #tpu.memory_space<vmem>>, %arg19: memref<10240x16xf32, #tpu.memory_space<vmem_shared>>) attributes {dimension_semantics = [#tpu.dimension_semantics<core_parallel>, #tpu.dimension_semantics<subcore_parallel>], iteration_bounds = array<i64: 2, 16>, scalar_prefetch = 0 : i64, scratch_operands = 12 : i64, tpu.core_type = #tpu.core_type<sc_vector_subcore>, window_params = [{transform_indices = #map}, {transform_indices = #map}, {transform_indices = #map1}, {transform_indices = #map2}, {transform_indices = #map}, {transform_indices = #map}]} {
    %mul3A = arith.constant 2 : i32
    %mul3A_0 = arith.muli %arg1, %mul3A : i32
    %add3A = arith.addi %mul3A_0, %arg0 : i32
    %broadcast_in_dim3A = arith.constant 0.000000e+00 : f32
    %broadcast_in_dim3A_1 = vector.broadcast %broadcast_in_dim3A : f32 to vector<16xf32>
    %run_scoped3A = arith.constant 0 : i32
    "tpu.region"() ({
      %run_scoped3A_105 = tpu.sem_alloc : memref<!tpu.dma_semaphore, #tpu.memory_space<semaphore_mem>>
      %dma_start3A_106 = arith.constant 0 : i32
      %dma_start3A_107 = arith.constant 0 : i32
      %dma_start3A_108 = tpu.memref_slice %arg8[%run_scoped3A, %dma_start3A_106, %dma_start3A_107] : memref<2x25x80xi32, #tpu.memory_space<vmem>> -> memref<1x25x80xi32, #tpu.memory_space<vmem>>
      %dma_start3A_109 = tpu.memref_squeeze %dma_start3A_108 : memref<1x25x80xi32, #tpu.memory_space<vmem>> -> memref<25x80xi32, #tpu.memory_space<vmem>>
      %dma_start3A_110 = arith.constant 0 : i32
      %dma_start3A_111 = arith.constant 0 : i32
      %dma_start3A_112 = tpu.memref_slice %arg2[%add3A, %dma_start3A_110, %dma_start3A_111] : memref<32x125x80xi32, #tpu.memory_space<hbm>> -> memref<1x25x80xi32, #tpu.memory_space<hbm>>
      %dma_start3A_113 = tpu.memref_squeeze %dma_start3A_112 : memref<1x25x80xi32, #tpu.memory_space<hbm>> -> memref<25x80xi32, #tpu.memory_space<hbm>>
      %dma_start3A_114 = arith.constant 0 : i32
      %dma_start3A_115 = arith.constant 0 : i32
      %dma_start3A_116 = tpu.memref_slice %arg8[%run_scoped3A, %dma_start3A_114, %dma_start3A_115] : memref<2x25x80xi32, #tpu.memory_space<vmem>> -> memref<1x25x80xi32, #tpu.memory_space<vmem>>
      %dma_start3A_117 = tpu.memref_squeeze %dma_start3A_116 : memref<1x25x80xi32, #tpu.memory_space<vmem>> -> memref<25x80xi32, #tpu.memory_space<vmem>>
      %dma_start3A_118 = arith.constant 0 : i32
      %dma_start3A_119 = arith.constant 0 : i32
      %dma_start3A_120 = tpu.memref_slice %arg2[%add3A, %dma_start3A_118, %dma_start3A_119] : memref<32x125x80xi32, #tpu.memory_space<hbm>> -> memref<1x25x80xi32, #tpu.memory_space<hbm>>
      %dma_start3A_121 = tpu.memref_squeeze %dma_start3A_120 : memref<1x25x80xi32, #tpu.memory_space<hbm>> -> memref<25x80xi32, #tpu.memory_space<hbm>>
      tpu.enqueue_dma source(%dma_start3A_121 : memref<25x80xi32, #tpu.memory_space<hbm>>) target(%dma_start3A_117 : memref<25x80xi32, #tpu.memory_space<vmem>>) target_semaphore(%run_scoped3A_105 : memref<!tpu.dma_semaphore, #tpu.memory_space<semaphore_mem>>)
      %dma_wait3A_122 = arith.constant 0 : i32
      %dma_wait3A_123 = arith.constant 0 : i32
      %dma_wait3A_124 = tpu.memref_slice %arg8[%run_scoped3A, %dma_wait3A_122, %dma_wait3A_123] : memref<2x25x80xi32, #tpu.memory_space<vmem>> -> memref<1x25x80xi32, #tpu.memory_space<vmem>>
      %dma_wait3A_125 = tpu.memref_squeeze %dma_wait3A_124 : memref<1x25x80xi32, #tpu.memory_space<vmem>> -> memref<25x80xi32, #tpu.memory_space<vmem>>
      %dma_wait3A_126 = arith.constant 0 : i32
      %dma_wait3A_127 = arith.constant 0 : i32
      %dma_wait3A_128 = tpu.memref_slice %arg2[%add3A, %dma_wait3A_126, %dma_wait3A_127] : memref<32x125x80xi32, #tpu.memory_space<hbm>> -> memref<1x25x80xi32, #tpu.memory_space<hbm>>
      %dma_wait3A_129 = tpu.memref_squeeze %dma_wait3A_128 : memref<1x25x80xi32, #tpu.memory_space<hbm>> -> memref<25x80xi32, #tpu.memory_space<hbm>>
      %dma_wait3A_130 = arith.constant 0 : i32
      %dma_wait3A_131 = arith.constant 0 : i32
      %dma_wait3A_132 = tpu.memref_slice %arg8[%run_scoped3A, %dma_wait3A_130, %dma_wait3A_131] : memref<2x25x80xi32, #tpu.memory_space<vmem>> -> memref<1x25x80xi32, #tpu.memory_space<vmem>>
      %dma_wait3A_133 = tpu.memref_squeeze %dma_wait3A_132 : memref<1x25x80xi32, #tpu.memory_space<vmem>> -> memref<25x80xi32, #tpu.memory_space<vmem>>
      %dma_wait3A_134 = arith.constant 0 : i32
      %dma_wait3A_135 = arith.constant 0 : i32
      %dma_wait3A_136 = tpu.memref_slice %arg2[%add3A, %dma_wait3A_134, %dma_wait3A_135] : memref<32x125x80xi32, #tpu.memory_space<hbm>> -> memref<1x25x80xi32, #tpu.memory_space<hbm>>
      %dma_wait3A_137 = tpu.memref_squeeze %dma_wait3A_136 : memref<1x25x80xi32, #tpu.memory_space<hbm>> -> memref<25x80xi32, #tpu.memory_space<hbm>>
      tpu.wait_dma2 semaphore(%run_scoped3A_105 : memref<!tpu.dma_semaphore, #tpu.memory_space<semaphore_mem>>) src(%dma_wait3A_137 : memref<25x80xi32, #tpu.memory_space<hbm>>) dst(%dma_wait3A_133 : memref<25x80xi32, #tpu.memory_space<vmem>>)
      tpu.yield
    }) : () -> ()
    %run_scoped3A_2 = arith.constant 0 : i32
    "tpu.region"() ({
      %run_scoped3A_105 = tpu.sem_alloc : memref<!tpu.dma_semaphore, #tpu.memory_space<semaphore_mem>>
      %dma_start3A_106 = arith.constant 0 : i32
      %dma_start3A_107 = arith.constant 0 : i32
      %dma_start3A_108 = tpu.memref_slice %arg9[%run_scoped3A_2, %dma_start3A_106, %dma_start3A_107] : memref<2x25x80xi32, #tpu.memory_space<vmem>> -> memref<1x25x80xi32, #tpu.memory_space<vmem>>
      %dma_start3A_109 = tpu.memref_squeeze %dma_start3A_108 : memref<1x25x80xi32, #tpu.memory_space<vmem>> -> memref<25x80xi32, #tpu.memory_space<vmem>>
      %dma_start3A_110 = arith.constant 0 : i32
      %dma_start3A_111 = arith.constant 0 : i32
      %dma_start3A_112 = tpu.memref_slice %arg3[%add3A, %dma_start3A_110, %dma_start3A_111] : memref<32x125x80xi32, #tpu.memory_space<hbm>> -> memref<1x25x80xi32, #tpu.memory_space<hbm>>
      %dma_start3A_113 = tpu.memref_squeeze %dma_start3A_112 : memref<1x25x80xi32, #tpu.memory_space<hbm>> -> memref<25x80xi32, #tpu.memory_space<hbm>>
      %dma_start3A_114 = arith.constant 0 : i32
      %dma_start3A_115 = arith.constant 0 : i32
      %dma_start3A_116 = tpu.memref_slice %arg9[%run_scoped3A_2, %dma_start3A_114, %dma_start3A_115] : memref<2x25x80xi32, #tpu.memory_space<vmem>> -> memref<1x25x80xi32, #tpu.memory_space<vmem>>
      %dma_start3A_117 = tpu.memref_squeeze %dma_start3A_116 : memref<1x25x80xi32, #tpu.memory_space<vmem>> -> memref<25x80xi32, #tpu.memory_space<vmem>>
      %dma_start3A_118 = arith.constant 0 : i32
      %dma_start3A_119 = arith.constant 0 : i32
      %dma_start3A_120 = tpu.memref_slice %arg3[%add3A, %dma_start3A_118, %dma_start3A_119] : memref<32x125x80xi32, #tpu.memory_space<hbm>> -> memref<1x25x80xi32, #tpu.memory_space<hbm>>
      %dma_start3A_121 = tpu.memref_squeeze %dma_start3A_120 : memref<1x25x80xi32, #tpu.memory_space<hbm>> -> memref<25x80xi32, #tpu.memory_space<hbm>>
      tpu.enqueue_dma source(%dma_start3A_121 : memref<25x80xi32, #tpu.memory_space<hbm>>) target(%dma_start3A_117 : memref<25x80xi32, #tpu.memory_space<vmem>>) target_semaphore(%run_scoped3A_105 : memref<!tpu.dma_semaphore, #tpu.memory_space<semaphore_mem>>)
      %dma_wait3A_122 = arith.constant 0 : i32
      %dma_wait3A_123 = arith.constant 0 : i32
      %dma_wait3A_124 = tpu.memref_slice %arg9[%run_scoped3A_2, %dma_wait3A_122, %dma_wait3A_123] : memref<2x25x80xi32, #tpu.memory_space<vmem>> -> memref<1x25x80xi32, #tpu.memory_space<vmem>>
      %dma_wait3A_125 = tpu.memref_squeeze %dma_wait3A_124 : memref<1x25x80xi32, #tpu.memory_space<vmem>> -> memref<25x80xi32, #tpu.memory_space<vmem>>
      %dma_wait3A_126 = arith.constant 0 : i32
      %dma_wait3A_127 = arith.constant 0 : i32
      %dma_wait3A_128 = tpu.memref_slice %arg3[%add3A, %dma_wait3A_126, %dma_wait3A_127] : memref<32x125x80xi32, #tpu.memory_space<hbm>> -> memref<1x25x80xi32, #tpu.memory_space<hbm>>
      %dma_wait3A_129 = tpu.memref_squeeze %dma_wait3A_128 : memref<1x25x80xi32, #tpu.memory_space<hbm>> -> memref<25x80xi32, #tpu.memory_space<hbm>>
      %dma_wait3A_130 = arith.constant 0 : i32
      %dma_wait3A_131 = arith.constant 0 : i32
      %dma_wait3A_132 = tpu.memref_slice %arg9[%run_scoped3A_2, %dma_wait3A_130, %dma_wait3A_131] : memref<2x25x80xi32, #tpu.memory_space<vmem>> -> memref<1x25x80xi32, #tpu.memory_space<vmem>>
      %dma_wait3A_133 = tpu.memref_squeeze %dma_wait3A_132 : memref<1x25x80xi32, #tpu.memory_space<vmem>> -> memref<25x80xi32, #tpu.memory_space<vmem>>
      %dma_wait3A_134 = arith.constant 0 : i32
      %dma_wait3A_135 = arith.constant 0 : i32
      %dma_wait3A_136 = tpu.memref_slice %arg3[%add3A, %dma_wait3A_134, %dma_wait3A_135] : memref<32x125x80xi32, #tpu.memory_space<hbm>> -> memref<1x25x80xi32, #tpu.memory_space<hbm>>
      %dma_wait3A_137 = tpu.memref_squeeze %dma_wait3A_136 : memref<1x25x80xi32, #tpu.memory_space<hbm>> -> memref<25x80xi32, #tpu.memory_space<hbm>>
      tpu.wait_dma2 semaphore(%run_scoped3A_105 : memref<!tpu.dma_semaphore, #tpu.memory_space<semaphore_mem>>) src(%dma_wait3A_137 : memref<25x80xi32, #tpu.memory_space<hbm>>) dst(%dma_wait3A_133 : memref<25x80xi32, #tpu.memory_space<vmem>>)
      tpu.yield
    }) : () -> ()
    %dma_start3A = arith.constant 1 : i32
    %dma_start3A_3 = arith.constant 0 : i32
    %dma_start3A_4 = arith.constant 0 : i32
    %dma_start3A_5 = tpu.memref_slice %arg8[%dma_start3A, %dma_start3A_3, %dma_start3A_4] : memref<2x25x80xi32, #tpu.memory_space<vmem>> -> memref<1x25x80xi32, #tpu.memory_space<vmem>>
    %dma_start3A_6 = tpu.memref_squeeze %dma_start3A_5 : memref<1x25x80xi32, #tpu.memory_space<vmem>> -> memref<25x80xi32, #tpu.memory_space<vmem>>
    %dma_start3A_7 = arith.constant 25 : i32
    %dma_start3A_8 = arith.constant 0 : i32
    %dma_start3A_9 = tpu.memref_slice %arg2[%add3A, %dma_start3A_7, %dma_start3A_8] : memref<32x125x80xi32, #tpu.memory_space<hbm>> -> memref<1x25x80xi32, #tpu.memory_space<hbm>>
    %dma_start3A_10 = tpu.memref_squeeze %dma_start3A_9 : memref<1x25x80xi32, #tpu.memory_space<hbm>> -> memref<25x80xi32, #tpu.memory_space<hbm>>
    %dma_start3A_11 = arith.constant 0 : i32
    %dma_start3A_12 = arith.constant 0 : i32
    %dma_start3A_13 = tpu.memref_slice %arg8[%dma_start3A, %dma_start3A_11, %dma_start3A_12] : memref<2x25x80xi32, #tpu.memory_space<vmem>> -> memref<1x25x80xi32, #tpu.memory_space<vmem>>
    %dma_start3A_14 = tpu.memref_squeeze %dma_start3A_13 : memref<1x25x80xi32, #tpu.memory_space<vmem>> -> memref<25x80xi32, #tpu.memory_space<vmem>>
    %dma_start3A_15 = arith.constant 25 : i32
    %dma_start3A_16 = arith.constant 0 : i32
    %dma_start3A_17 = tpu.memref_slice %arg2[%add3A, %dma_start3A_15, %dma_start3A_16] : memref<32x125x80xi32, #tpu.memory_space<hbm>> -> memref<1x25x80xi32, #tpu.memory_space<hbm>>
    %dma_start3A_18 = tpu.memref_squeeze %dma_start3A_17 : memref<1x25x80xi32, #tpu.memory_space<hbm>> -> memref<25x80xi32, #tpu.memory_space<hbm>>
    tpu.enqueue_dma source(%dma_start3A_18 : memref<25x80xi32, #tpu.memory_space<hbm>>) target(%dma_start3A_14 : memref<25x80xi32, #tpu.memory_space<vmem>>) target_semaphore(%arg14 : memref<!tpu.dma_semaphore, #tpu.memory_space<semaphore_mem>>)
    %dma_start3A_19 = arith.constant 1 : i32
    %dma_start3A_20 = arith.constant 0 : i32
    %dma_start3A_21 = arith.constant 0 : i32
    %dma_start3A_22 = tpu.memref_slice %arg9[%dma_start3A_19, %dma_start3A_20, %dma_start3A_21] : memref<2x25x80xi32, #tpu.memory_space<vmem>> -> memref<1x25x80xi32, #tpu.memory_space<vmem>>
    %dma_start3A_23 = tpu.memref_squeeze %dma_start3A_22 : memref<1x25x80xi32, #tpu.memory_space<vmem>> -> memref<25x80xi32, #tpu.memory_space<vmem>>
    %dma_start3A_24 = arith.constant 25 : i32
    %dma_start3A_25 = arith.constant 0 : i32
    %dma_start3A_26 = tpu.memref_slice %arg3[%add3A, %dma_start3A_24, %dma_start3A_25] : memref<32x125x80xi32, #tpu.memory_space<hbm>> -> memref<1x25x80xi32, #tpu.memory_space<hbm>>
    %dma_start3A_27 = tpu.memref_squeeze %dma_start3A_26 : memref<1x25x80xi32, #tpu.memory_space<hbm>> -> memref<25x80xi32, #tpu.memory_space<hbm>>
    %dma_start3A_28 = arith.constant 0 : i32
    %dma_start3A_29 = arith.constant 0 : i32
    %dma_start3A_30 = tpu.memref_slice %arg9[%dma_start3A_19, %dma_start3A_28, %dma_start3A_29] : memref<2x25x80xi32, #tpu.memory_space<vmem>> -> memref<1x25x80xi32, #tpu.memory_space<vmem>>
    %dma_start3A_31 = tpu.memref_squeeze %dma_start3A_30 : memref<1x25x80xi32, #tpu.memory_space<vmem>> -> memref<25x80xi32, #tpu.memory_space<vmem>>
    %dma_start3A_32 = arith.constant 25 : i32
    %dma_start3A_33 = arith.constant 0 : i32
    %dma_start3A_34 = tpu.memref_slice %arg3[%add3A, %dma_start3A_32, %dma_start3A_33] : memref<32x125x80xi32, #tpu.memory_space<hbm>> -> memref<1x25x80xi32, #tpu.memory_space<hbm>>
    %dma_start3A_35 = tpu.memref_squeeze %dma_start3A_34 : memref<1x25x80xi32, #tpu.memory_space<hbm>> -> memref<25x80xi32, #tpu.memory_space<hbm>>
    tpu.enqueue_dma source(%dma_start3A_35 : memref<25x80xi32, #tpu.memory_space<hbm>>) target(%dma_start3A_31 : memref<25x80xi32, #tpu.memory_space<vmem>>) target_semaphore(%arg14 : memref<!tpu.dma_semaphore, #tpu.memory_space<semaphore_mem>>)
    "tpu.region"() ({
      %run_scoped3A_105 = tpu.sem_alloc : memref<!tpu.dma_semaphore, #tpu.memory_space<semaphore_mem>>
      tpu.enqueue_dma source(%arg5 : memref<16xi32, #tpu.memory_space<hbm>>) target(%arg16 : memref<16xi32, #tpu.memory_space<vmem>>) target_semaphore(%run_scoped3A_105 : memref<!tpu.dma_semaphore, #tpu.memory_space<semaphore_mem>>)
      tpu.wait_dma2 semaphore(%run_scoped3A_105 : memref<!tpu.dma_semaphore, #tpu.memory_space<semaphore_mem>>) src(%arg5 : memref<16xi32, #tpu.memory_space<hbm>>) dst(%arg16 : memref<16xi32, #tpu.memory_space<vmem>>)
      tpu.yield
    }) : () -> ()
    %get3A = arith.constant 0 : index
    %get3A_36 = tpu.vector_load %arg16[%get3A] {strides = array<i32>} : memref<16xi32, #tpu.memory_space<vmem>>, vector<16xi32>,
    %reduce_max3A = arith.constant true
    %reduce_max3A_37 = vector.broadcast %reduce_max3A : i1 to vector<16xi1>
    %reduce_max3A_38 = arith.constant -2147483648 : i32
    %reduce_max3A_39 = vector.broadcast %reduce_max3A_38 : i32 to vector<16xi32>
    %reduce_max3A_40 = arith.xori %get3A_36, %reduce_max3A_39 : vector<16xi32>
    %reduce_max3A_41 = tpu.scan <max>, %reduce_max3A_40 masked %reduce_max3A_37 : vector<16xi32>, vector<16xi1> -> vector<16xi32>
    %reduce_max3A_42 = arith.xori %reduce_max3A_41, %reduce_max3A_39 : vector<16xi32>
    %reduce_max3A_43 = vector.extract %reduce_max3A_42[15] : i32 from vector<16xi32>
    %eq3A = arith.constant 1 : i32
    %eq3A_44 = arith.cmpi eq, %reduce_max3A_43, %eq3A : i32
    %dma_start3A_45 = arith.constant 0 : i32
    %dma_start3A_46 = arith.constant 0 : i32
    %dma_start3A_47 = arith.constant 0 : i32
    %dma_start3A_48 = arith.constant 0 : i32
    %dma_start3A_49 = arith.constant 0 : i32
    %dma_start3A_50 = tpu.memref_slice %arg10[%dma_start3A_47, %dma_start3A_48, %dma_start3A_49] : memref<2x80x128xf32, #tpu.memory_space<vmem>> -> memref<1x80x128xf32, #tpu.memory_space<vmem>>
    %dma_start3A_51 = tpu.memref_squeeze %dma_start3A_50 : memref<1x80x128xf32, #tpu.memory_space<vmem>> -> memref<80x128xf32, #tpu.memory_space<vmem>>
    %dma_start3A_52 = arith.constant 0 : i32
    %dma_start3A_53 = tpu.memref_slice %arg8[%dma_start3A_45, %dma_start3A_46, %dma_start3A_52] : memref<2x25x80xi32, #tpu.memory_space<vmem>> -> memref<1x1x80xi32, #tpu.memory_space<vmem>>
    %dma_start3A_54 = tpu.memref_squeeze %dma_start3A_53 : memref<1x1x80xi32, #tpu.memory_space<vmem>> -> memref<80xi32, #tpu.memory_space<vmem>>
    %dma_start3A_55 = arith.constant 0 : i32
    %dma_start3A_56 = arith.constant 0 : i32
    %dma_start3A_57 = tpu.memref_slice %arg4[%dma_start3A_55, %dma_start3A_56] : memref<10000x128xf32, #tpu.memory_space<hbm>> -> memref<10000x128xf32, #tpu.memory_space<hbm>>
    tpu.enqueue_indirect_dma source(%dma_start3A_57 : memref<10000x128xf32, #tpu.memory_space<hbm>>) target(%dma_start3A_51 : memref<80x128xf32, #tpu.memory_space<vmem>>) offsets(%dma_start3A_54 : memref<80xi32, #tpu.memory_space<vmem>>) semaphore(%arg13 : memref<!tpu.dma_semaphore, #tpu.memory_space<semaphore_mem>>)
    %scan3A = arith.constant 0 : i32
    %scan3A_58 = arith.constant 32 : i32
    %scan3A_59 = arith.addi %scan3A, %scan3A_58 : i32
    %scan3A_60 = arith.constant 1 : i32
    scf.for %scan3A_105 = %scan3A to %scan3A_59 step %scan3A_60  : i32 {
      %mul3A_106 = arith.constant 1 : i32
      %mul3A_107 = arith.muli %scan3A_105, %mul3A_106 : i32
      %add3A_108 = arith.constant 0 : i32
      %add3A_109 = arith.addi %add3A_108, %mul3A_107 : i32
      %scan3A_110 = arith.constant 0 : i32
      %scan3A_111 = arith.constant 8 : i32
      %scan3A_112 = arith.addi %scan3A_110, %scan3A_111 : i32
      %scan3A_113 = arith.constant 1 : i32
      scf.for %scan3A_115 = %scan3A_110 to %scan3A_112 step %scan3A_113  : i32 {
        %mul3A_116 = arith.constant 16 : i32
        %mul3A_117 = arith.muli %scan3A_115, %mul3A_116 : i32
        %add3A_118 = arith.constant 0 : i32
        %add3A_119 = arith.addi %add3A_118, %mul3A_117 : i32
        %swap3A = arith.index_cast %add3A_109 : i32 to index
        %swap3A_120 = arith.index_cast %add3A_119 : i32 to index
        %swap3A_121 = tpu.vector_load %arg11[%swap3A, %swap3A_120] {strides = array<i32>} : memref<32x128xf32, #tpu.memory_space<vmem>>, vector<16xf32>,
        tpu.vector_store %arg11[%swap3A, %swap3A_120], %broadcast_in_dim3A_1 {strides = array<i32>} : memref<32x128xf32, #tpu.memory_space<vmem>>, vector<16xf32>,
      }
      %scan3A_114 = arith.constant 8 : i32
    }
    %scan3A_61 = arith.constant 32 : i32
    %convert_element_type3A = arith.extui %eq3A_44 : i1 to i32
    %cond3A = arith.constant 0 : i32
    %cond3A_62 = arith.cmpi ne, %convert_element_type3A, %cond3A : i32
    scf.if %cond3A_62 {
      %scan3A_105 = arith.constant 0 : i32
      %scan3A_106 = arith.constant 32 : i32
      %scan3A_107 = arith.addi %scan3A_105, %scan3A_106 : i32
      %scan3A_108 = arith.constant 1 : i32
      scf.for %scan3A_115 = %scan3A_105 to %scan3A_107 step %scan3A_108  : i32 {
        %mul3A_116 = arith.constant 1 : i32
        %mul3A_117 = arith.muli %scan3A_115, %mul3A_116 : i32
        %add3A_118 = arith.constant 0 : i32
        %add3A_119 = arith.addi %add3A_118, %mul3A_117 : i32
        %swap3A = arith.index_cast %add3A_119 : i32 to index
        %swap3A_120 = arith.constant 0 : index
        %swap3A_121 = tpu.vector_load %arg18[%swap3A, %swap3A_120] {strides = array<i32>} : memref<32x16xf32, #tpu.memory_space<vmem>>, vector<16xf32>,
        tpu.vector_store %arg18[%swap3A, %swap3A_120], %broadcast_in_dim3A_1 {strides = array<i32>} : memref<32x16xf32, #tpu.memory_space<vmem>>, vector<16xf32>,
      }
      %scan3A_109 = arith.constant 32 : i32
      %scan3A_110 = arith.constant 0 : i32
      %scan3A_111 = arith.constant 80 : i32
      %scan3A_112 = arith.addi %scan3A_110, %scan3A_111 : i32
      %scan3A_113 = arith.constant 1 : i32
      scf.for %scan3A_115 = %scan3A_110 to %scan3A_112 step %scan3A_113  : i32 {
        %mul3A_116 = arith.constant 1 : i32
        %mul3A_117 = arith.muli %scan3A_115, %mul3A_116 : i32
        %add3A_118 = arith.constant 0 : i32
        %add3A_119 = arith.addi %add3A_118, %mul3A_117 : i32
        %broadcast_in_dim3A_120 = arith.constant 1.000000e+00 : f32
        %broadcast_in_dim3A_121 = vector.broadcast %broadcast_in_dim3A_120 : f32 to vector<16xf32>
        %swap3A = arith.index_cast %add3A_119 : i32 to index
        %swap3A_122 = arith.constant 0 : index
        %swap3A_123 = tpu.vector_load %arg17[%swap3A, %swap3A_122] {strides = array<i32>} : memref<80x16xf32, #tpu.memory_space<vmem>>, vector<16xf32>,
        tpu.vector_store %arg17[%swap3A, %swap3A_122], %broadcast_in_dim3A_121 {strides = array<i32>} : memref<80x16xf32, #tpu.memory_space<vmem>>, vector<16xf32>,
      }
      %scan3A_114 = arith.constant 80 : i32
    } else {
    }
    %scan3A_63 = arith.constant 0 : i32
    %scan3A_64 = arith.constant 20 : i32
    %scan3A_65 = arith.addi %scan3A_63, %scan3A_64 : i32
    %scan3A_66 = arith.constant 1 : i32
    scf.for %scan3A_105 = %scan3A_63 to %scan3A_65 step %scan3A_66  : i32 {
      %mul3A_106 = arith.constant 32 : i32
      %mul3A_107 = arith.muli %scan3A_105, %mul3A_106 : i32
      %add3A_108 = arith.constant 0 : i32
      %add3A_109 = arith.addi %add3A_108, %mul3A_107 : i32
      %mul3A_110 = arith.constant 640 : i32
      %mul3A_111 = arith.muli %arg1, %mul3A_110 : i32
      %add3A_112 = arith.addi %mul3A_111, %add3A_109 : i32
      %dma_start3A_113 = arith.constant 0 : i32
      %dma_start3A_114 = tpu.memref_slice %arg12[%add3A_112, %dma_start3A_113] : memref<10240x128xf32, #tpu.memory_space<vmem_shared>> -> memref<32x128xf32, #tpu.memory_space<vmem_shared>>
      %dma_start3A_115 = arith.constant 0 : i32
      %dma_start3A_116 = tpu.memref_slice %arg12[%add3A_112, %dma_start3A_115] : memref<10240x128xf32, #tpu.memory_space<vmem_shared>> -> memref<32x128xf32, #tpu.memory_space<vmem_shared>>
      tpu.enqueue_dma source(%arg11 : memref<32x128xf32, #tpu.memory_space<vmem>>) target(%dma_start3A_116 : memref<32x128xf32, #tpu.memory_space<vmem_shared>>) target_semaphore(%arg15 : memref<!tpu.dma_semaphore, #tpu.memory_space<semaphore_mem>>)
    }
    %scan3A_67 = arith.constant 20 : i32
    %convert_element_type3A_68 = arith.extui %eq3A_44 : i1 to i32
    %cond3A_69 = arith.constant 0 : i32
    %cond3A_70 = arith.cmpi ne, %convert_element_type3A_68, %cond3A_69 : i32
    scf.if %cond3A_70 {
      %scan3A_105 = arith.constant 0 : i32
      %scan3A_106 = arith.constant 20 : i32
      %scan3A_107 = arith.addi %scan3A_105, %scan3A_106 : i32
      %scan3A_108 = arith.constant 1 : i32
      scf.for %scan3A_110 = %scan3A_105 to %scan3A_107 step %scan3A_108  : i32 {
        %mul3A_111 = arith.constant 32 : i32
        %mul3A_112 = arith.muli %scan3A_110, %mul3A_111 : i32
        %add3A_113 = arith.constant 0 : i32
        %add3A_114 = arith.addi %add3A_113, %mul3A_112 : i32
        %mul3A_115 = arith.constant 640 : i32
        %mul3A_116 = arith.muli %arg1, %mul3A_115 : i32
        %add3A_117 = arith.addi %mul3A_116, %add3A_114 : i32
        %dma_start3A_118 = arith.constant 0 : i32
        %dma_start3A_119 = tpu.memref_slice %arg19[%add3A_117, %dma_start3A_118] : memref<10240x16xf32, #tpu.memory_space<vmem_shared>> -> memref<32x16xf32, #tpu.memory_space<vmem_shared>>
        %dma_start3A_120 = arith.constant 0 : i32
        %dma_start3A_121 = tpu.memref_slice %arg19[%add3A_117, %dma_start3A_120] : memref<10240x16xf32, #tpu.memory_space<vmem_shared>> -> memref<32x16xf32, #tpu.memory_space<vmem_shared>>
        tpu.enqueue_dma source(%arg18 : memref<32x16xf32, #tpu.memory_space<vmem>>) target(%dma_start3A_121 : memref<32x16xf32, #tpu.memory_space<vmem_shared>>) target_semaphore(%arg15 : memref<!tpu.dma_semaphore, #tpu.memory_space<semaphore_mem>>)
      }
      %scan3A_109 = arith.constant 20 : i32
    } else {
    }
    %scan3A_71 = arith.constant 0 : i32
    %scan3A_72 = arith.constant 20 : i32
    %scan3A_73 = arith.addi %scan3A_71, %scan3A_72 : i32
    %scan3A_74 = arith.constant 1 : i32
    scf.for %scan3A_105 = %scan3A_71 to %scan3A_73 step %scan3A_74  : i32 {
      %mul3A_106 = arith.constant 32 : i32
      %mul3A_107 = arith.muli %scan3A_105, %mul3A_106 : i32
      %add3A_108 = arith.constant 0 : i32
      %add3A_109 = arith.addi %add3A_108, %mul3A_107 : i32
      %mul3A_110 = arith.constant 640 : i32
      %mul3A_111 = arith.muli %arg1, %mul3A_110 : i32
      %add3A_112 = arith.addi %mul3A_111, %add3A_109 : i32
      %dma_wait3A_113 = arith.constant 0 : i32
      %dma_wait3A_114 = tpu.memref_slice %arg12[%add3A_112, %dma_wait3A_113] : memref<10240x128xf32, #tpu.memory_space<vmem_shared>> -> memref<32x128xf32, #tpu.memory_space<vmem_shared>>
      %dma_wait3A_115 = arith.constant 0 : i32
      %dma_wait3A_116 = tpu.memref_slice %arg12[%add3A_112, %dma_wait3A_115] : memref<10240x128xf32, #tpu.memory_space<vmem_shared>> -> memref<32x128xf32, #tpu.memory_space<vmem_shared>>
      tpu.wait_dma2 semaphore(%arg15 : memref<!tpu.dma_semaphore, #tpu.memory_space<semaphore_mem>>) src(%arg11 : memref<32x128xf32, #tpu.memory_space<vmem>>) dst(%dma_wait3A_116 : memref<32x128xf32, #tpu.memory_space<vmem_shared>>)
    }
    %scan3A_75 = arith.constant 20 : i32
    %convert_element_type3A_76 = arith.extui %eq3A_44 : i1 to i32
    %cond3A_77 = arith.constant 0 : i32
    %cond3A_78 = arith.cmpi ne, %convert_element_type3A_76, %cond3A_77 : i32
    scf.if %cond3A_78 {
      %scan3A_105 = arith.constant 0 : i32
      %scan3A_106 = arith.constant 20 : i32
      %scan3A_107 = arith.addi %scan3A_105, %scan3A_106 : i32
      %scan3A_108 = arith.constant 1 : i32
      scf.for %scan3A_110 = %scan3A_105 to %scan3A_107 step %scan3A_108  : i32 {
        %mul3A_111 = arith.constant 32 : i32
        %mul3A_112 = arith.muli %scan3A_110, %mul3A_111 : i32
        %add3A_113 = arith.constant 0 : i32
        %add3A_114 = arith.addi %add3A_113, %mul3A_112 : i32
        %mul3A_115 = arith.constant 640 : i32
        %mul3A_116 = arith.muli %arg1, %mul3A_115 : i32
        %add3A_117 = arith.addi %mul3A_116, %add3A_114 : i32
        %dma_wait3A_118 = arith.constant 0 : i32
        %dma_wait3A_119 = tpu.memref_slice %arg19[%add3A_117, %dma_wait3A_118] : memref<10240x16xf32, #tpu.memory_space<vmem_shared>> -> memref<32x16xf32, #tpu.memory_space<vmem_shared>>
        %dma_wait3A_120 = arith.constant 0 : i32
        %dma_wait3A_121 = tpu.memref_slice %arg19[%add3A_117, %dma_wait3A_120] : memref<10240x16xf32, #tpu.memory_space<vmem_shared>> -> memref<32x16xf32, #tpu.memory_space<vmem_shared>>
        tpu.wait_dma2 semaphore(%arg15 : memref<!tpu.dma_semaphore, #tpu.memory_space<semaphore_mem>>) src(%arg18 : memref<32x16xf32, #tpu.memory_space<vmem>>) dst(%dma_wait3A_121 : memref<32x16xf32, #tpu.memory_space<vmem_shared>>)
      }
      %scan3A_109 = arith.constant 20 : i32
    } else {
    }
    %barrier3A = arith.constant 0 : index
    tpu.barrier barrier_id(%barrier3A)
    %scan3A_79 = arith.constant 0 : i32
    %scan3A_80 = arith.constant 125 : i32
    %scan3A_81 = arith.addi %scan3A_79, %scan3A_80 : i32
    %scan3A_82 = arith.constant 1 : i32
    scf.for %scan3A_105 = %scan3A_79 to %scan3A_81 step %scan3A_82  : i32 {
      %mul3A_106 = arith.constant 1 : i32
      %mul3A_107 = arith.muli %scan3A_105, %mul3A_106 : i32
      %add3A_108 = arith.constant 0 : i32
      %add3A_109 = arith.addi %add3A_108, %mul3A_107 : i32
      %rem3A = arith.constant 2 : i32
      %rem3A_110 = arith.remsi %add3A_109, %rem3A : i32
      %sub3A = arith.constant 1 : i32
      %sub3A_111 = arith.subi %sub3A, %rem3A_110 : i32
      %div3A = arith.constant 25 : i32
      %div3A_112 = arith.divsi %add3A_109, %div3A : i32
      %rem3A_113 = arith.constant 25 : i32
      %rem3A_114 = arith.remsi %add3A_109, %rem3A_113 : i32
      %rem3A_115 = arith.constant 2 : i32
      %rem3A_116 = arith.remsi %div3A_112, %rem3A_115 : i32
      %add3A_117 = arith.constant 1 : i32
      %add3A_118 = arith.addi %add3A_109, %add3A_117 : i32
      %div3A_119 = arith.constant 25 : i32
      %div3A_120 = arith.divsi %add3A_118, %div3A_119 : i32
      %rem3A_121 = arith.constant 25 : i32
      %rem3A_122 = arith.remsi %add3A_118, %rem3A_121 : i32
      %rem3A_123 = arith.constant 2 : i32
      %rem3A_124 = arith.remsi %div3A_120, %rem3A_123 : i32
      %lt3A = arith.constant 125 : i32
      %lt3A_125 = arith.cmpi slt, %add3A_118, %lt3A : i32
      %convert_element_type3A_126 = arith.extui %lt3A_125 : i1 to i32
      %cond3A_127 = arith.constant 0 : i32
      %cond3A_128 = arith.cmpi ne, %convert_element_type3A_126, %cond3A_127 : i32
      scf.if %cond3A_128 {
        %eq3A_151 = arith.constant 0 : i32
        %eq3A_152 = arith.cmpi eq, %rem3A_122, %eq3A_151 : i32
        %convert_element_type3A_153 = arith.extui %eq3A_152 : i1 to i32
        %cond3A_154 = arith.constant 0 : i32
        %cond3A_155 = arith.cmpi ne, %convert_element_type3A_153, %cond3A_154 : i32
        scf.if %cond3A_155 {
          %mul3A_166 = arith.constant 25 : i32
          %mul3A_167 = arith.muli %div3A_120, %mul3A_166 : i32
          %dma_wait3A_168 = arith.constant 0 : i32
          %dma_wait3A_169 = arith.constant 0 : i32
          %dma_wait3A_170 = tpu.memref_slice %arg8[%rem3A_124, %dma_wait3A_168, %dma_wait3A_169] : memref<2x25x80xi32, #tpu.memory_space<vmem>> -> memref<1x25x80xi32, #tpu.memory_space<vmem>>
          %dma_wait3A_171 = tpu.memref_squeeze %dma_wait3A_170 : memref<1x25x80xi32, #tpu.memory_space<vmem>> -> memref<25x80xi32, #tpu.memory_space<vmem>>
          %dma_wait3A_172 = arith.constant 0 : i32
          %dma_wait3A_173 = tpu.memref_slice %arg2[%add3A, %mul3A_167, %dma_wait3A_172] : memref<32x125x80xi32, #tpu.memory_space<hbm>> -> memref<1x25x80xi32, #tpu.memory_space<hbm>>
          %dma_wait3A_174 = tpu.memref_squeeze %dma_wait3A_173 : memref<1x25x80xi32, #tpu.memory_space<hbm>> -> memref<25x80xi32, #tpu.memory_space<hbm>>
          %dma_wait3A_175 = arith.constant 0 : i32
          %dma_wait3A_176 = arith.constant 0 : i32
          %dma_wait3A_177 = tpu.memref_slice %arg8[%rem3A_124, %dma_wait3A_175, %dma_wait3A_176] : memref<2x25x80xi32, #tpu.memory_space<vmem>> -> memref<1x25x80xi32, #tpu.memory_space<vmem>>
          %dma_wait3A_178 = tpu.memref_squeeze %dma_wait3A_177 : memref<1x25x80xi32, #tpu.memory_space<vmem>> -> memref<25x80xi32, #tpu.memory_space<vmem>>
          %dma_wait3A_179 = arith.constant 0 : i32
          %dma_wait3A_180 = tpu.memref_slice %arg2[%add3A, %mul3A_167, %dma_wait3A_179] : memref<32x125x80xi32, #tpu.memory_space<hbm>> -> memref<1x25x80xi32, #tpu.memory_space<hbm>>
          %dma_wait3A_181 = tpu.memref_squeeze %dma_wait3A_180 : memref<1x25x80xi32, #tpu.memory_space<hbm>> -> memref<25x80xi32, #tpu.memory_space<hbm>>
          tpu.wait_dma2 semaphore(%arg14 : memref<!tpu.dma_semaphore, #tpu.memory_space<semaphore_mem>>) src(%dma_wait3A_181 : memref<25x80xi32, #tpu.memory_space<hbm>>) dst(%dma_wait3A_178 : memref<25x80xi32, #tpu.memory_space<vmem>>)
          %mul3A_182 = arith.constant 25 : i32
          %mul3A_183 = arith.muli %div3A_120, %mul3A_182 : i32
          %dma_wait3A_184 = arith.constant 0 : i32
          %dma_wait3A_185 = arith.constant 0 : i32
          %dma_wait3A_186 = tpu.memref_slice %arg9[%rem3A_124, %dma_wait3A_184, %dma_wait3A_185] : memref<2x25x80xi32, #tpu.memory_space<vmem>> -> memref<1x25x80xi32, #tpu.memory_space<vmem>>
          %dma_wait3A_187 = tpu.memref_squeeze %dma_wait3A_186 : memref<1x25x80xi32, #tpu.memory_space<vmem>> -> memref<25x80xi32, #tpu.memory_space<vmem>>
          %dma_wait3A_188 = arith.constant 0 : i32
          %dma_wait3A_189 = tpu.memref_slice %arg3[%add3A, %mul3A_183, %dma_wait3A_188] : memref<32x125x80xi32, #tpu.memory_space<hbm>> -> memref<1x25x80xi32, #tpu.memory_space<hbm>>
          %dma_wait3A_190 = tpu.memref_squeeze %dma_wait3A_189 : memref<1x25x80xi32, #tpu.memory_space<hbm>> -> memref<25x80xi32, #tpu.memory_space<hbm>>
          %dma_wait3A_191 = arith.constant 0 : i32
          %dma_wait3A_192 = arith.constant 0 : i32
          %dma_wait3A_193 = tpu.memref_slice %arg9[%rem3A_124, %dma_wait3A_191, %dma_wait3A_192] : memref<2x25x80xi32, #tpu.memory_space<vmem>> -> memref<1x25x80xi32, #tpu.memory_space<vmem>>
          %dma_wait3A_194 = tpu.memref_squeeze %dma_wait3A_193 : memref<1x25x80xi32, #tpu.memory_space<vmem>> -> memref<25x80xi32, #tpu.memory_space<vmem>>
          %dma_wait3A_195 = arith.constant 0 : i32
          %dma_wait3A_196 = tpu.memref_slice %arg3[%add3A, %mul3A_183, %dma_wait3A_195] : memref<32x125x80xi32, #tpu.memory_space<hbm>> -> memref<1x25x80xi32, #tpu.memory_space<hbm>>
          %dma_wait3A_197 = tpu.memref_squeeze %dma_wait3A_196 : memref<1x25x80xi32, #tpu.memory_space<hbm>> -> memref<25x80xi32, #tpu.memory_space<hbm>>
          tpu.wait_dma2 semaphore(%arg14 : memref<!tpu.dma_semaphore, #tpu.memory_space<semaphore_mem>>) src(%dma_wait3A_197 : memref<25x80xi32, #tpu.memory_space<hbm>>) dst(%dma_wait3A_194 : memref<25x80xi32, #tpu.memory_space<vmem>>)
        } else {
        }
        %dma_start3A_156 = arith.constant 0 : i32
        %dma_start3A_157 = arith.constant 0 : i32
        %dma_start3A_158 = tpu.memref_slice %arg10[%sub3A_111, %dma_start3A_156, %dma_start3A_157] : memref<2x80x128xf32, #tpu.memory_space<vmem>> -> memref<1x80x128xf32, #tpu.memory_space<vmem>>
        %dma_start3A_159 = tpu.memref_squeeze %dma_start3A_158 : memref<1x80x128xf32, #tpu.memory_space<vmem>> -> memref<80x128xf32, #tpu.memory_space<vmem>>
        %dma_start3A_160 = arith.constant 0 : i32
        %dma_start3A_161 = tpu.memref_slice %arg8[%rem3A_124, %rem3A_122, %dma_start3A_160] : memref<2x25x80xi32, #tpu.memory_space<vmem>> -> memref<1x1x80xi32, #tpu.memory_space<vmem>>
        %dma_start3A_162 = tpu.memref_squeeze %dma_start3A_161 : memref<1x1x80xi32, #tpu.memory_space<vmem>> -> memref<80xi32, #tpu.memory_space<vmem>>
        %dma_start3A_163 = arith.constant 0 : i32
        %dma_start3A_164 = arith.constant 0 : i32
        %dma_start3A_165 = tpu.memref_slice %arg4[%dma_start3A_163, %dma_start3A_164] : memref<10000x128xf32, #tpu.memory_space<hbm>> -> memref<10000x128xf32, #tpu.memory_space<hbm>>
        tpu.enqueue_indirect_dma source(%dma_start3A_165 : memref<10000x128xf32, #tpu.memory_space<hbm>>) target(%dma_start3A_159 : memref<80x128xf32, #tpu.memory_space<vmem>>) offsets(%dma_start3A_162 : memref<80xi32, #tpu.memory_space<vmem>>) semaphore(%arg13 : memref<!tpu.dma_semaphore, #tpu.memory_space<semaphore_mem>>)
      } else {
      }
      %dma_wait3A_129 = arith.constant 0 : i32
      %dma_wait3A_130 = arith.constant 0 : i32
      %dma_wait3A_131 = tpu.memref_slice %arg10[%rem3A_110, %dma_wait3A_129, %dma_wait3A_130] : memref<2x80x128xf32, #tpu.memory_space<vmem>> -> memref<1x80x128xf32, #tpu.memory_space<vmem>>
      %dma_wait3A_132 = tpu.memref_squeeze %dma_wait3A_131 : memref<1x80x128xf32, #tpu.memory_space<vmem>> -> memref<80x128xf32, #tpu.memory_space<vmem>>
      %dma_wait3A_133 = arith.constant 0 : i32
      %dma_wait3A_134 = tpu.memref_slice %arg8[%rem3A_116, %rem3A_114, %dma_wait3A_133] : memref<2x25x80xi32, #tpu.memory_space<vmem>> -> memref<1x1x80xi32, #tpu.memory_space<vmem>>
      %dma_wait3A_135 = tpu.memref_squeeze %dma_wait3A_134 : memref<1x1x80xi32, #tpu.memory_space<vmem>> -> memref<80xi32, #tpu.memory_space<vmem>>
      %dma_wait3A_136 = arith.constant 0 : i32
      %dma_wait3A_137 = arith.constant 0 : i32
      %dma_wait3A_138 = tpu.memref_slice %arg4[%dma_wait3A_136, %dma_wait3A_137] : memref<10000x128xf32, #tpu.memory_space<hbm>> -> memref<10000x128xf32, #tpu.memory_space<hbm>>
      tpu.wait_indirect_dma semaphore(%arg13 : memref<!tpu.dma_semaphore, #tpu.memory_space<semaphore_mem>>) src(%dma_wait3A_138 : memref<10000x128xf32, #tpu.memory_space<hbm>>) dst(%dma_wait3A_132 : memref<80x128xf32, #tpu.memory_space<vmem>>)
      "tpu.region"() ({
        %run_scoped3A_151 = tpu.sem_alloc : memref<!tpu.dma_semaphore, #tpu.memory_space<semaphore_mem>>
        %dma_start3A_152 = arith.constant 0 : i32
        %dma_start3A_153 = arith.constant 0 : i32
        %dma_start3A_154 = tpu.memref_slice %arg10[%rem3A_110, %dma_start3A_152, %dma_start3A_153] : memref<2x80x128xf32, #tpu.memory_space<vmem>> -> memref<1x80x128xf32, #tpu.memory_space<vmem>>
        %dma_start3A_155 = tpu.memref_squeeze %dma_start3A_154 : memref<1x80x128xf32, #tpu.memory_space<vmem>> -> memref<80x128xf32, #tpu.memory_space<vmem>>
        %dma_start3A_156 = arith.constant 0 : i32
        %dma_start3A_157 = tpu.memref_slice %arg9[%rem3A_116, %rem3A_114, %dma_start3A_156] : memref<2x25x80xi32, #tpu.memory_space<vmem>> -> memref<1x1x80xi32, #tpu.memory_space<vmem>>
        %dma_start3A_158 = tpu.memref_squeeze %dma_start3A_157 : memref<1x1x80xi32, #tpu.memory_space<vmem>> -> memref<80xi32, #tpu.memory_space<vmem>>
        %dma_start3A_159 = arith.constant 0 : i32
        %dma_start3A_160 = arith.constant 0 : i32
        %dma_start3A_161 = tpu.memref_slice %arg12[%dma_start3A_159, %dma_start3A_160] : memref<10240x128xf32, #tpu.memory_space<vmem_shared>> -> memref<10240x128xf32, #tpu.memory_space<vmem_shared>>
        tpu.enqueue_indirect_dma source(%dma_start3A_155 : memref<80x128xf32, #tpu.memory_space<vmem>>) target(%dma_start3A_161 : memref<10240x128xf32, #tpu.memory_space<vmem_shared>>) offsets(%dma_start3A_158 : memref<80xi32, #tpu.memory_space<vmem>>) semaphore(%run_scoped3A_151 : memref<!tpu.dma_semaphore, #tpu.memory_space<semaphore_mem>>) {add = true}
        %dma_wait3A_162 = arith.constant 0 : i32
        %dma_wait3A_163 = arith.constant 0 : i32
        %dma_wait3A_164 = tpu.memref_slice %arg10[%rem3A_110, %dma_wait3A_162, %dma_wait3A_163] : memref<2x80x128xf32, #tpu.memory_space<vmem>> -> memref<1x80x128xf32, #tpu.memory_space<vmem>>
        %dma_wait3A_165 = tpu.memref_squeeze %dma_wait3A_164 : memref<1x80x128xf32, #tpu.memory_space<vmem>> -> memref<80x128xf32, #tpu.memory_space<vmem>>
        %dma_wait3A_166 = arith.constant 0 : i32
        %dma_wait3A_167 = tpu.memref_slice %arg9[%rem3A_116, %rem3A_114, %dma_wait3A_166] : memref<2x25x80xi32, #tpu.memory_space<vmem>> -> memref<1x1x80xi32, #tpu.memory_space<vmem>>
        %dma_wait3A_168 = tpu.memref_squeeze %dma_wait3A_167 : memref<1x1x80xi32, #tpu.memory_space<vmem>> -> memref<80xi32, #tpu.memory_space<vmem>>
        %dma_wait3A_169 = arith.constant 0 : i32
        %dma_wait3A_170 = arith.constant 0 : i32
        %dma_wait3A_171 = tpu.memref_slice %arg12[%dma_wait3A_169, %dma_wait3A_170] : memref<10240x128xf32, #tpu.memory_space<vmem_shared>> -> memref<10240x128xf32, #tpu.memory_space<vmem_shared>>
        tpu.wait_indirect_dma semaphore(%run_scoped3A_151 : memref<!tpu.dma_semaphore, #tpu.memory_space<semaphore_mem>>) src(%dma_wait3A_165 : memref<80x128xf32, #tpu.memory_space<vmem>>) dst(%dma_wait3A_171 : memref<10240x128xf32, #tpu.memory_space<vmem_shared>>)
        tpu.yield
      }) : () -> ()
      %convert_element_type3A_139 = arith.extui %eq3A_44 : i1 to i32
      %cond3A_140 = arith.constant 0 : i32
      %cond3A_141 = arith.cmpi ne, %convert_element_type3A_139, %cond3A_140 : i32
      scf.if %cond3A_141 {
        "tpu.region"() ({
          %run_scoped3A_151 = tpu.sem_alloc : memref<!tpu.dma_semaphore, #tpu.memory_space<semaphore_mem>>
          %dma_start3A_152 = arith.constant 0 : i32
          %dma_start3A_153 = tpu.memref_slice %arg9[%rem3A_116, %rem3A_114, %dma_start3A_152] : memref<2x25x80xi32, #tpu.memory_space<vmem>> -> memref<1x1x80xi32, #tpu.memory_space<vmem>>
          %dma_start3A_154 = tpu.memref_squeeze %dma_start3A_153 : memref<1x1x80xi32, #tpu.memory_space<vmem>> -> memref<80xi32, #tpu.memory_space<vmem>>
          %dma_start3A_155 = arith.constant 0 : i32
          %dma_start3A_156 = arith.constant 0 : i32
          %dma_start3A_157 = tpu.memref_slice %arg19[%dma_start3A_155, %dma_start3A_156] : memref<10240x16xf32, #tpu.memory_space<vmem_shared>> -> memref<10240x16xf32, #tpu.memory_space<vmem_shared>>
          tpu.enqueue_indirect_dma source(%arg17 : memref<80x16xf32, #tpu.memory_space<vmem>>) target(%dma_start3A_157 : memref<10240x16xf32, #tpu.memory_space<vmem_shared>>) offsets(%dma_start3A_154 : memref<80xi32, #tpu.memory_space<vmem>>) semaphore(%run_scoped3A_151 : memref<!tpu.dma_semaphore, #tpu.memory_space<semaphore_mem>>) {add = true}
          %dma_wait3A_158 = arith.constant 0 : i32
          %dma_wait3A_159 = tpu.memref_slice %arg9[%rem3A_116, %rem3A_114, %dma_wait3A_158] : memref<2x25x80xi32, #tpu.memory_space<vmem>> -> memref<1x1x80xi32, #tpu.memory_space<vmem>>
          %dma_wait3A_160 = tpu.memref_squeeze %dma_wait3A_159 : memref<1x1x80xi32, #tpu.memory_space<vmem>> -> memref<80xi32, #tpu.memory_space<vmem>>
          %dma_wait3A_161 = arith.constant 0 : i32
          %dma_wait3A_162 = arith.constant 0 : i32
          %dma_wait3A_163 = tpu.memref_slice %arg19[%dma_wait3A_161, %dma_wait3A_162] : memref<10240x16xf32, #tpu.memory_space<vmem_shared>> -> memref<10240x16xf32, #tpu.memory_space<vmem_shared>>
          tpu.wait_indirect_dma semaphore(%run_scoped3A_151 : memref<!tpu.dma_semaphore, #tpu.memory_space<semaphore_mem>>) src(%arg17 : memref<80x16xf32, #tpu.memory_space<vmem>>) dst(%dma_wait3A_163 : memref<10240x16xf32, #tpu.memory_space<vmem_shared>>)
          tpu.yield
        }) : () -> ()
      } else {
      }
      %eq3A_142 = arith.constant 0 : i32
      %eq3A_143 = arith.cmpi eq, %rem3A_122, %eq3A_142 : i32
      %add3A_144 = arith.constant 1 : i32
      %add3A_145 = arith.addi %div3A_120, %add3A_144 : i32
      %lt3A_146 = arith.constant 5 : i32
      %lt3A_147 = arith.cmpi slt, %add3A_145, %lt3A_146 : i32
      %and3A = arith.andi %eq3A_143, %lt3A_147 : i1
      %convert_element_type3A_148 = arith.extui %and3A : i1 to i32
      %cond3A_149 = arith.constant 0 : i32
      %cond3A_150 = arith.cmpi ne, %convert_element_type3A_148, %cond3A_149 : i32
      scf.if %cond3A_150 {
        %add3A_151 = arith.constant 1 : i32
        %add3A_152 = arith.addi %div3A_120, %add3A_151 : i32
        %mul3A_153 = arith.constant 25 : i32
        %mul3A_154 = arith.muli %add3A_152, %mul3A_153 : i32
        %sub3A_155 = arith.constant 1 : i32
        %sub3A_156 = arith.subi %sub3A_155, %rem3A_124 : i32
        %dma_start3A_157 = arith.constant 0 : i32
        %dma_start3A_158 = arith.constant 0 : i32
        %dma_start3A_159 = tpu.memref_slice %arg8[%sub3A_156, %dma_start3A_157, %dma_start3A_158] : memref<2x25x80xi32, #tpu.memory_space<vmem>> -> memref<1x25x80xi32, #tpu.memory_space<vmem>>
        %dma_start3A_160 = tpu.memref_squeeze %dma_start3A_159 : memref<1x25x80xi32, #tpu.memory_space<vmem>> -> memref<25x80xi32, #tpu.memory_space<vmem>>
        %dma_start3A_161 = arith.constant 0 : i32
        %dma_start3A_162 = tpu.memref_slice %arg2[%add3A, %mul3A_154, %dma_start3A_161] : memref<32x125x80xi32, #tpu.memory_space<hbm>> -> memref<1x25x80xi32, #tpu.memory_space<hbm>>
        %dma_start3A_163 = tpu.memref_squeeze %dma_start3A_162 : memref<1x25x80xi32, #tpu.memory_space<hbm>> -> memref<25x80xi32, #tpu.memory_space<hbm>>
        %dma_start3A_164 = arith.constant 0 : i32
        %dma_start3A_165 = arith.constant 0 : i32
        %dma_start3A_166 = tpu.memref_slice %arg8[%sub3A_156, %dma_start3A_164, %dma_start3A_165] : memref<2x25x80xi32, #tpu.memory_space<vmem>> -> memref<1x25x80xi32, #tpu.memory_space<vmem>>
        %dma_start3A_167 = tpu.memref_squeeze %dma_start3A_166 : memref<1x25x80xi32, #tpu.memory_space<vmem>> -> memref<25x80xi32, #tpu.memory_space<vmem>>
        %dma_start3A_168 = arith.constant 0 : i32
        %dma_start3A_169 = tpu.memref_slice %arg2[%add3A, %mul3A_154, %dma_start3A_168] : memref<32x125x80xi32, #tpu.memory_space<hbm>> -> memref<1x25x80xi32, #tpu.memory_space<hbm>>
        %dma_start3A_170 = tpu.memref_squeeze %dma_start3A_169 : memref<1x25x80xi32, #tpu.memory_space<hbm>> -> memref<25x80xi32, #tpu.memory_space<hbm>>
        tpu.enqueue_dma source(%dma_start3A_170 : memref<25x80xi32, #tpu.memory_space<hbm>>) target(%dma_start3A_167 : memref<25x80xi32, #tpu.memory_space<vmem>>) target_semaphore(%arg14 : memref<!tpu.dma_semaphore, #tpu.memory_space<semaphore_mem>>)
        %add3A_171 = arith.constant 1 : i32
        %add3A_172 = arith.addi %div3A_120, %add3A_171 : i32
        %mul3A_173 = arith.constant 25 : i32
        %mul3A_174 = arith.muli %add3A_172, %mul3A_173 : i32
        %sub3A_175 = arith.constant 1 : i32
        %sub3A_176 = arith.subi %sub3A_175, %rem3A_124 : i32
        %dma_start3A_177 = arith.constant 0 : i32
        %dma_start3A_178 = arith.constant 0 : i32
        %dma_start3A_179 = tpu.memref_slice %arg9[%sub3A_176, %dma_start3A_177, %dma_start3A_178] : memref<2x25x80xi32, #tpu.memory_space<vmem>> -> memref<1x25x80xi32, #tpu.memory_space<vmem>>
        %dma_start3A_180 = tpu.memref_squeeze %dma_start3A_179 : memref<1x25x80xi32, #tpu.memory_space<vmem>> -> memref<25x80xi32, #tpu.memory_space<vmem>>
        %dma_start3A_181 = arith.constant 0 : i32
        %dma_start3A_182 = tpu.memref_slice %arg3[%add3A, %mul3A_174, %dma_start3A_181] : memref<32x125x80xi32, #tpu.memory_space<hbm>> -> memref<1x25x80xi32, #tpu.memory_space<hbm>>
        %dma_start3A_183 = tpu.memref_squeeze %dma_start3A_182 : memref<1x25x80xi32, #tpu.memory_space<hbm>> -> memref<25x80xi32, #tpu.memory_space<hbm>>
        %dma_start3A_184 = arith.constant 0 : i32
        %dma_start3A_185 = arith.constant 0 : i32
        %dma_start3A_186 = tpu.memref_slice %arg9[%sub3A_176, %dma_start3A_184, %dma_start3A_185] : memref<2x25x80xi32, #tpu.memory_space<vmem>> -> memref<1x25x80xi32, #tpu.memory_space<vmem>>
        %dma_start3A_187 = tpu.memref_squeeze %dma_start3A_186 : memref<1x25x80xi32, #tpu.memory_space<vmem>> -> memref<25x80xi32, #tpu.memory_space<vmem>>
        %dma_start3A_188 = arith.constant 0 : i32
        %dma_start3A_189 = tpu.memref_slice %arg3[%add3A, %mul3A_174, %dma_start3A_188] : memref<32x125x80xi32, #tpu.memory_space<hbm>> -> memref<1x25x80xi32, #tpu.memory_space<hbm>>
        %dma_start3A_190 = tpu.memref_squeeze %dma_start3A_189 : memref<1x25x80xi32, #tpu.memory_space<hbm>> -> memref<25x80xi32, #tpu.memory_space<hbm>>
        tpu.enqueue_dma source(%dma_start3A_190 : memref<25x80xi32, #tpu.memory_space<hbm>>) target(%dma_start3A_187 : memref<25x80xi32, #tpu.memory_space<vmem>>) target_semaphore(%arg14 : memref<!tpu.dma_semaphore, #tpu.memory_space<semaphore_mem>>)
      } else {
      }
    }
    %scan3A_83 = arith.constant 125 : i32
    %barrier3A_84 = arith.constant 0 : index
    tpu.barrier barrier_id(%barrier3A_84)
    %mul3A_85 = arith.constant 640 : i32
    %mul3A_86 = arith.muli %arg1, %mul3A_85 : i32
    %mul3A_87 = arith.constant 640 : i32
    %mul3A_88 = arith.muli %arg1, %mul3A_87 : i32
    %dma_start3A_89 = arith.constant 0 : i32
    %dma_start3A_90 = tpu.memref_slice %arg6[%arg0, %mul3A_88, %dma_start3A_89] : memref<2x10240x128xf32, #tpu.memory_space<hbm>> -> memref<1x640x128xf32, #tpu.memory_space<hbm>>
    %dma_start3A_91 = tpu.memref_squeeze %dma_start3A_90 : memref<1x640x128xf32, #tpu.memory_space<hbm>> -> memref<640x128xf32, #tpu.memory_space<hbm>>
    %dma_start3A_92 = arith.constant 0 : i32
    %dma_start3A_93 = tpu.memref_slice %arg12[%mul3A_86, %dma_start3A_92] : memref<10240x128xf32, #tpu.memory_space<vmem_shared>> -> memref<640x128xf32, #tpu.memory_space<vmem_shared>>
    tpu.enqueue_dma source(%dma_start3A_93 : memref<640x128xf32, #tpu.memory_space<vmem_shared>>) target(%dma_start3A_91 : memref<640x128xf32, #tpu.memory_space<hbm>>) target_semaphore(%arg15 : memref<!tpu.dma_semaphore, #tpu.memory_space<semaphore_mem>>)
    %convert_element_type3A_94 = arith.extui %eq3A_44 : i1 to i32
    %cond3A_95 = arith.constant 0 : i32
    %cond3A_96 = arith.cmpi ne, %convert_element_type3A_94, %cond3A_95 : i32
    scf.if %cond3A_96 {
      %mul3A_105 = arith.constant 640 : i32
      %mul3A_106 = arith.muli %arg1, %mul3A_105 : i32
      %mul3A_107 = arith.constant 640 : i32
      %mul3A_108 = arith.muli %arg1, %mul3A_107 : i32
      %dma_start3A_109 = arith.constant 0 : i32
      %dma_start3A_110 = tpu.memref_slice %arg7[%arg0, %mul3A_108, %dma_start3A_109] : memref<2x10240x16xf32, #tpu.memory_space<hbm>> -> memref<1x640x16xf32, #tpu.memory_space<hbm>>
      %dma_start3A_111 = tpu.memref_squeeze %dma_start3A_110 : memref<1x640x16xf32, #tpu.memory_space<hbm>> -> memref<640x16xf32, #tpu.memory_space<hbm>>
      %dma_start3A_112 = arith.constant 0 : i32
      %dma_start3A_113 = tpu.memref_slice %arg19[%mul3A_106, %dma_start3A_112] : memref<10240x16xf32, #tpu.memory_space<vmem_shared>> -> memref<640x16xf32, #tpu.memory_space<vmem_shared>>
      tpu.enqueue_dma source(%dma_start3A_113 : memref<640x16xf32, #tpu.memory_space<vmem_shared>>) target(%dma_start3A_111 : memref<640x16xf32, #tpu.memory_space<hbm>>) target_semaphore(%arg15 : memref<!tpu.dma_semaphore, #tpu.memory_space<semaphore_mem>>)
      %mul3A_114 = arith.constant 640 : i32
      %mul3A_115 = arith.muli %arg1, %mul3A_114 : i32
      %mul3A_116 = arith.constant 640 : i32
      %mul3A_117 = arith.muli %arg1, %mul3A_116 : i32
      %dma_wait3A_118 = arith.constant 0 : i32
      %dma_wait3A_119 = tpu.memref_slice %arg7[%arg0, %mul3A_117, %dma_wait3A_118] : memref<2x10240x16xf32, #tpu.memory_space<hbm>> -> memref<1x640x16xf32, #tpu.memory_space<hbm>>
      %dma_wait3A_120 = tpu.memref_squeeze %dma_wait3A_119 : memref<1x640x16xf32, #tpu.memory_space<hbm>> -> memref<640x16xf32, #tpu.memory_space<hbm>>
      %dma_wait3A_121 = arith.constant 0 : i32
      %dma_wait3A_122 = tpu.memref_slice %arg19[%mul3A_115, %dma_wait3A_121] : memref<10240x16xf32, #tpu.memory_space<vmem_shared>> -> memref<640x16xf32, #tpu.memory_space<vmem_shared>>
      tpu.wait_dma2 semaphore(%arg15 : memref<!tpu.dma_semaphore, #tpu.memory_space<semaphore_mem>>) src(%dma_wait3A_122 : memref<640x16xf32, #tpu.memory_space<vmem_shared>>) dst(%dma_wait3A_120 : memref<640x16xf32, #tpu.memory_space<hbm>>)
    } else {
    }
    %mul3A_97 = arith.constant 640 : i32
    %mul3A_98 = arith.muli %arg1, %mul3A_97 : i32
    %mul3A_99 = arith.constant 640 : i32
    %mul3A_100 = arith.muli %arg1, %mul3A_99 : i32
    %dma_wait3A = arith.constant 0 : i32
    %dma_wait3A_101 = tpu.memref_slice %arg6[%arg0, %mul3A_100, %dma_wait3A] : memref<2x10240x128xf32, #tpu.memory_space<hbm>> -> memref<1x640x128xf32, #tpu.memory_space<hbm>>
    %dma_wait3A_102 = tpu.memref_squeeze %dma_wait3A_101 : memref<1x640x128xf32, #tpu.memory_space<hbm>> -> memref<640x128xf32, #tpu.memory_space<hbm>>
    %dma_wait3A_103 = arith.constant 0 : i32
    %dma_wait3A_104 = tpu.memref_slice %arg12[%mul3A_98, %dma_wait3A_103] : memref<10240x128xf32, #tpu.memory_space<vmem_shared>> -> memref<640x128xf32, #tpu.memory_space<vmem_shared>>
    tpu.wait_dma2 semaphore(%arg15 : memref<!tpu.dma_semaphore, #tpu.memory_space<semaphore_mem>>) src(%dma_wait3A_104 : memref<640x128xf32, #tpu.memory_space<vmem_shared>>) dst(%dma_wait3A_102 : memref<640x128xf32, #tpu.memory_space<hbm>>)
    return
  }
}

#map = affine_map<(d0, d1) -> (0, 0, 0)>
#map1 = affine_map<(d0, d1) -> (0, 0)>
#map2 = affine_map<(d0, d1) -> (0)>
module attributes {stable_mosaic.version = 14 : i64} {
  func.func @sc_kernel(%arg0: i32, %arg1: i32, %arg2: memref<32x125x80xi32, #tpu.memory_space<hbm>>, %arg3: memref<32x125x80xi32, #tpu.memory_space<hbm>>, %arg4: memref<10000x128xf32, #tpu.memory_space<hbm>>, %arg5: memref<16xi32, #tpu.memory_space<hbm>>, %arg6: memref<2x10240x128xf32, #tpu.memory_space<hbm>>, %arg7: memref<2x10240x16xf32, #tpu.memory_space<hbm>>, %arg8: memref<2x25x80xi32, #tpu.memory_space<vmem>>, %arg9: memref<2x25x80xi32, #tpu.memory_space<vmem>>, %arg10: memref<2x80x128xf32, #tpu.memory_space<vmem>>, %arg11: memref<32x128xf32, #tpu.memory_space<vmem>>, %arg12: memref<10240x128xf32, #tpu.memory_space<vmem_shared>>, %arg13: memref<!tpu.dma_semaphore, #tpu.memory_space<semaphore_mem>>, %arg14: memref<!tpu.dma_semaphore, #tpu.memory_space<semaphore_mem>>, %arg15: memref<!tpu.dma_semaphore, #tpu.memory_space<semaphore_mem>>, %arg16: memref<16xi32, #tpu.memory_space<vmem>>, %arg17: memref<80x16xf32, #tpu.memory_space<vmem>>, %arg18: memref<32x16xf32, #tpu.memory_space<vmem>>, %arg19: memref<10240x16xf32, #tpu.memory_space<vmem_shared>>) attributes {dimension_semantics = [#tpu.dimension_semantics<core_parallel>, #tpu.dimension_semantics<subcore_parallel>], iteration_bounds = array<i64: 2, 16>, scalar_prefetch = 0 : i64, scratch_operands = 12 : i64, tpu.core_type = #tpu.core_type<sc_vector_subcore>, window_params = [{transform_indices = #map}, {transform_indices = #map}, {transform_indices = #map1}, {transform_indices = #map2}, {transform_indices = #map}, {transform_indices = #map}]} {
    %mul3A = arith.constant 2 : i32
    %mul3A_0 = arith.muli %arg1, %mul3A : i32
    %add3A = arith.addi %mul3A_0, %arg0 : i32
    %broadcast_in_dim3A = arith.constant 0.000000e+00 : f32
    %broadcast_in_dim3A_1 = vector.broadcast %broadcast_in_dim3A : f32 to vector<16xf32>
    %run_scoped3A = arith.constant 0 : i32
    "tpu.region"() ({
      %run_scoped3A_105 = tpu.sem_alloc : memref<!tpu.dma_semaphore, #tpu.memory_space<semaphore_mem>>
      %dma_start3A_106 = arith.constant 0 : i32
      %dma_start3A_107 = arith.constant 0 : i32
      %dma_start3A_108 = tpu.memref_slice %arg8[%run_scoped3A, %dma_start3A_106, %dma_start3A_107] : memref<2x25x80xi32, #tpu.memory_space<vmem>> -> memref<1x25x80xi32, #tpu.memory_space<vmem>>
      %dma_start3A_109 = tpu.memref_squeeze %dma_start3A_108 : memref<1x25x80xi32, #tpu.memory_space<vmem>> -> memref<25x80xi32, #tpu.memory_space<vmem>>
      %dma_start3A_110 = arith.constant 0 : i32
      %dma_start3A_111 = arith.constant 0 : i32
      %dma_start3A_112 = tpu.memref_slice %arg2[%add3A, %dma_start3A_110, %dma_start3A_111] : memref<32x125x80xi32, #tpu.memory_space<hbm>> -> memref<1x25x80xi32, #tpu.memory_space<hbm>>
      %dma_start3A_113 = tpu.memref_squeeze %dma_start3A_112 : memref<1x25x80xi32, #tpu.memory_space<hbm>> -> memref<25x80xi32, #tpu.memory_space<hbm>>
      %dma_start3A_114 = arith.constant 0 : i32
      %dma_start3A_115 = arith.constant 0 : i32
      %dma_start3A_116 = tpu.memref_slice %arg8[%run_scoped3A, %dma_start3A_114, %dma_start3A_115] : memref<2x25x80xi32, #tpu.memory_space<vmem>> -> memref<1x25x80xi32, #tpu.memory_space<vmem>>
      %dma_start3A_117 = tpu.memref_squeeze %dma_start3A_116 : memref<1x25x80xi32, #tpu.memory_space<vmem>> -> memref<25x80xi32, #tpu.memory_space<vmem>>
      %dma_start3A_118 = arith.constant 0 : i32
      %dma_start3A_119 = arith.constant 0 : i32
      %dma_start3A_120 = tpu.memref_slice %arg2[%add3A, %dma_start3A_118, %dma_start3A_119] : memref<32x125x80xi32, #tpu.memory_space<hbm>> -> memref<1x25x80xi32, #tpu.memory_space<hbm>>
      %dma_start3A_121 = tpu.memref_squeeze %dma_start3A_120 : memref<1x25x80xi32, #tpu.memory_space<hbm>> -> memref<25x80xi32, #tpu.memory_space<hbm>>
      tpu.enqueue_dma source(%dma_start3A_121 : memref<25x80xi32, #tpu.memory_space<hbm>>) target(%dma_start3A_117 : memref<25x80xi32, #tpu.memory_space<vmem>>) target_semaphore(%run_scoped3A_105 : memref<!tpu.dma_semaphore, #tpu.memory_space<semaphore_mem>>)
      %dma_wait3A_122 = arith.constant 0 : i32
      %dma_wait3A_123 = arith.constant 0 : i32
      %dma_wait3A_124 = tpu.memref_slice %arg8[%run_scoped3A, %dma_wait3A_122, %dma_wait3A_123] : memref<2x25x80xi32, #tpu.memory_space<vmem>> -> memref<1x25x80xi32, #tpu.memory_space<vmem>>
      %dma_wait3A_125 = tpu.memref_squeeze %dma_wait3A_124 : memref<1x25x80xi32, #tpu.memory_space<vmem>> -> memref<25x80xi32, #tpu.memory_space<vmem>>
      %dma_wait3A_126 = arith.constant 0 : i32
      %dma_wait3A_127 = arith.constant 0 : i32
      %dma_wait3A_128 = tpu.memref_slice %arg2[%add3A, %dma_wait3A_126, %dma_wait3A_127] : memref<32x125x80xi32, #tpu.memory_space<hbm>> -> memref<1x25x80xi32, #tpu.memory_space<hbm>>
      %dma_wait3A_129 = tpu.memref_squeeze %dma_wait3A_128 : memref<1x25x80xi32, #tpu.memory_space<hbm>> -> memref<25x80xi32, #tpu.memory_space<hbm>>
      %dma_wait3A_130 = arith.constant 0 : i32
      %dma_wait3A_131 = arith.constant 0 : i32
      %dma_wait3A_132 = tpu.memref_slice %arg8[%run_scoped3A, %dma_wait3A_130, %dma_wait3A_131] : memref<2x25x80xi32, #tpu.memory_space<vmem>> -> memref<1x25x80xi32, #tpu.memory_space<vmem>>
      %dma_wait3A_133 = tpu.memref_squeeze %dma_wait3A_132 : memref<1x25x80xi32, #tpu.memory_space<vmem>> -> memref<25x80xi32, #tpu.memory_space<vmem>>
      %dma_wait3A_134 = arith.constant 0 : i32
      %dma_wait3A_135 = arith.constant 0 : i32
      %dma_wait3A_136 = tpu.memref_slice %arg2[%add3A, %dma_wait3A_134, %dma_wait3A_135] : memref<32x125x80xi32, #tpu.memory_space<hbm>> -> memref<1x25x80xi32, #tpu.memory_space<hbm>>
      %dma_wait3A_137 = tpu.memref_squeeze %dma_wait3A_136 : memref<1x25x80xi32, #tpu.memory_space<hbm>> -> memref<25x80xi32, #tpu.memory_space<hbm>>
      tpu.wait_dma2 semaphore(%run_scoped3A_105 : memref<!tpu.dma_semaphore, #tpu.memory_space<semaphore_mem>>) src(%dma_wait3A_137 : memref<25x80xi32, #tpu.memory_space<hbm>>) dst(%dma_wait3A_133 : memref<25x80xi32, #tpu.memory_space<vmem>>)
      tpu.yield
    }) : () -> ()
    %run_scoped3A_2 = arith.constant 0 : i32
    "tpu.region"() ({
      %run_scoped3A_105 = tpu.sem_alloc : memref<!tpu.dma_semaphore, #tpu.memory_space<semaphore_mem>>
      %dma_start3A_106 = arith.constant 0 : i32
      %dma_start3A_107 = arith.constant 0 : i32
      %dma_start3A_108 = tpu.memref_slice %arg9[%run_scoped3A_2, %dma_start3A_106, %dma_start3A_107] : memref<2x25x80xi32, #tpu.memory_space<vmem>> -> memref<1x25x80xi32, #tpu.memory_space<vmem>>
      %dma_start3A_109 = tpu.memref_squeeze %dma_start3A_108 : memref<1x25x80xi32, #tpu.memory_space<vmem>> -> memref<25x80xi32, #tpu.memory_space<vmem>>
      %dma_start3A_110 = arith.constant 0 : i32
      %dma_start3A_111 = arith.constant 0 : i32
      %dma_start3A_112 = tpu.memref_slice %arg3[%add3A, %dma_start3A_110, %dma_start3A_111] : memref<32x125x80xi32, #tpu.memory_space<hbm>> -> memref<1x25x80xi32, #tpu.memory_space<hbm>>
      %dma_start3A_113 = tpu.memref_squeeze %dma_start3A_112 : memref<1x25x80xi32, #tpu.memory_space<hbm>> -> memref<25x80xi32, #tpu.memory_space<hbm>>
      %dma_start3A_114 = arith.constant 0 : i32
      %dma_start3A_115 = arith.constant 0 : i32
      %dma_start3A_116 = tpu.memref_slice %arg9[%run_scoped3A_2, %dma_start3A_114, %dma_start3A_115] : memref<2x25x80xi32, #tpu.memory_space<vmem>> -> memref<1x25x80xi32, #tpu.memory_space<vmem>>
      %dma_start3A_117 = tpu.memref_squeeze %dma_start3A_116 : memref<1x25x80xi32, #tpu.memory_space<vmem>> -> memref<25x80xi32, #tpu.memory_space<vmem>>
      %dma_start3A_118 = arith.constant 0 : i32
      %dma_start3A_119 = arith.constant 0 : i32
      %dma_start3A_120 = tpu.memref_slice %arg3[%add3A, %dma_start3A_118, %dma_start3A_119] : memref<32x125x80xi32, #tpu.memory_space<hbm>> -> memref<1x25x80xi32, #tpu.memory_space<hbm>>
      %dma_start3A_121 = tpu.memref_squeeze %dma_start3A_120 : memref<1x25x80xi32, #tpu.memory_space<hbm>> -> memref<25x80xi32, #tpu.memory_space<hbm>>
      tpu.enqueue_dma source(%dma_start3A_121 : memref<25x80xi32, #tpu.memory_space<hbm>>) target(%dma_start3A_117 : memref<25x80xi32, #tpu.memory_space<vmem>>) target_semaphore(%run_scoped3A_105 : memref<!tpu.dma_semaphore, #tpu.memory_space<semaphore_mem>>)
      %dma_wait3A_122 = arith.constant 0 : i32
      %dma_wait3A_123 = arith.constant 0 : i32
      %dma_wait3A_124 = tpu.memref_slice %arg9[%run_scoped3A_2, %dma_wait3A_122, %dma_wait3A_123] : memref<2x25x80xi32, #tpu.memory_space<vmem>> -> memref<1x25x80xi32, #tpu.memory_space<vmem>>
      %dma_wait3A_125 = tpu.memref_squeeze %dma_wait3A_124 : memref<1x25x80xi32, #tpu.memory_space<vmem>> -> memref<25x80xi32, #tpu.memory_space<vmem>>
      %dma_wait3A_126 = arith.constant 0 : i32
      %dma_wait3A_127 = arith.constant 0 : i32
      %dma_wait3A_128 = tpu.memref_slice %arg3[%add3A, %dma_wait3A_126, %dma_wait3A_127] : memref<32x125x80xi32, #tpu.memory_space<hbm>> -> memref<1x25x80xi32, #tpu.memory_space<hbm>>
      %dma_wait3A_129 = tpu.memref_squeeze %dma_wait3A_128 : memref<1x25x80xi32, #tpu.memory_space<hbm>> -> memref<25x80xi32, #tpu.memory_space<hbm>>
      %dma_wait3A_130 = arith.constant 0 : i32
      %dma_wait3A_131 = arith.constant 0 : i32
      %dma_wait3A_132 = tpu.memref_slice %arg9[%run_scoped3A_2, %dma_wait3A_130, %dma_wait3A_131] : memref<2x25x80xi32, #tpu.memory_space<vmem>> -> memref<1x25x80xi32, #tpu.memory_space<vmem>>
      %dma_wait3A_133 = tpu.memref_squeeze %dma_wait3A_132 : memref<1x25x80xi32, #tpu.memory_space<vmem>> -> memref<25x80xi32, #tpu.memory_space<vmem>>
      %dma_wait3A_134 = arith.constant 0 : i32
      %dma_wait3A_135 = arith.constant 0 : i32
      %dma_wait3A_136 = tpu.memref_slice %arg3[%add3A, %dma_wait3A_134, %dma_wait3A_135] : memref<32x125x80xi32, #tpu.memory_space<hbm>> -> memref<1x25x80xi32, #tpu.memory_space<hbm>>
      %dma_wait3A_137 = tpu.memref_squeeze %dma_wait3A_136 : memref<1x25x80xi32, #tpu.memory_space<hbm>> -> memref<25x80xi32, #tpu.memory_space<hbm>>
      tpu.wait_dma2 semaphore(%run_scoped3A_105 : memref<!tpu.dma_semaphore, #tpu.memory_space<semaphore_mem>>) src(%dma_wait3A_137 : memref<25x80xi32, #tpu.memory_space<hbm>>) dst(%dma_wait3A_133 : memref<25x80xi32, #tpu.memory_space<vmem>>)
      tpu.yield
    }) : () -> ()
    %dma_start3A = arith.constant 1 : i32
    %dma_start3A_3 = arith.constant 0 : i32
    %dma_start3A_4 = arith.constant 0 : i32
    %dma_start3A_5 = tpu.memref_slice %arg8[%dma_start3A, %dma_start3A_3, %dma_start3A_4] : memref<2x25x80xi32, #tpu.memory_space<vmem>> -> memref<1x25x80xi32, #tpu.memory_space<vmem>>
    %dma_start3A_6 = tpu.memref_squeeze %dma_start3A_5 : memref<1x25x80xi32, #tpu.memory_space<vmem>> -> memref<25x80xi32, #tpu.memory_space<vmem>>
    %dma_start3A_7 = arith.constant 25 : i32
    %dma_start3A_8 = arith.constant 0 : i32
    %dma_start3A_9 = tpu.memref_slice %arg2[%add3A, %dma_start3A_7, %dma_start3A_8] : memref<32x125x80xi32, #tpu.memory_space<hbm>> -> memref<1x25x80xi32, #tpu.memory_space<hbm>>
    %dma_start3A_10 = tpu.memref_squeeze %dma_start3A_9 : memref<1x25x80xi32, #tpu.memory_space<hbm>> -> memref<25x80xi32, #tpu.memory_space<hbm>>
    %dma_start3A_11 = arith.constant 0 : i32
    %dma_start3A_12 = arith.constant 0 : i32
    %dma_start3A_13 = tpu.memref_slice %arg8[%dma_start3A, %dma_start3A_11, %dma_start3A_12] : memref<2x25x80xi32, #tpu.memory_space<vmem>> -> memref<1x25x80xi32, #tpu.memory_space<vmem>>
    %dma_start3A_14 = tpu.memref_squeeze %dma_start3A_13 : memref<1x25x80xi32, #tpu.memory_space<vmem>> -> memref<25x80xi32, #tpu.memory_space<vmem>>
    %dma_start3A_15 = arith.constant 25 : i32
    %dma_start3A_16 = arith.constant 0 : i32
    %dma_start3A_17 = tpu.memref_slice %arg2[%add3A, %dma_start3A_15, %dma_start3A_16] : memref<32x125x80xi32, #tpu.memory_space<hbm>> -> memref<1x25x80xi32, #tpu.memory_space<hbm>>
    %dma_start3A_18 = tpu.memref_squeeze %dma_start3A_17 : memref<1x25x80xi32, #tpu.memory_space<hbm>> -> memref<25x80xi32, #tpu.memory_space<hbm>>
    tpu.enqueue_dma source(%dma_start3A_18 : memref<25x80xi32, #tpu.memory_space<hbm>>) target(%dma_start3A_14 : memref<25x80xi32, #tpu.memory_space<vmem>>) target_semaphore(%arg14 : memref<!tpu.dma_semaphore, #tpu.memory_space<semaphore_mem>>)
    %dma_start3A_19 = arith.constant 1 : i32
    %dma_start3A_20 = arith.constant 0 : i32
    %dma_start3A_21 = arith.constant 0 : i32
    %dma_start3A_22 = tpu.memref_slice %arg9[%dma_start3A_19, %dma_start3A_20, %dma_start3A_21] : memref<2x25x80xi32, #tpu.memory_space<vmem>> -> memref<1x25x80xi32, #tpu.memory_space<vmem>>
    %dma_start3A_23 = tpu.memref_squeeze %dma_start3A_22 : memref<1x25x80xi32, #tpu.memory_space<vmem>> -> memref<25x80xi32, #tpu.memory_space<vmem>>
    %dma_start3A_24 = arith.constant 25 : i32
    %dma_start3A_25 = arith.constant 0 : i32
    %dma_start3A_26 = tpu.memref_slice %arg3[%add3A, %dma_start3A_24, %dma_start3A_25] : memref<32x125x80xi32, #tpu.memory_space<hbm>> -> memref<1x25x80xi32, #tpu.memory_space<hbm>>
    %dma_start3A_27 = tpu.memref_squeeze %dma_start3A_26 : memref<1x25x80xi32, #tpu.memory_space<hbm>> -> memref<25x80xi32, #tpu.memory_space<hbm>>
    %dma_start3A_28 = arith.constant 0 : i32
    %dma_start3A_29 = arith.constant 0 : i32
    %dma_start3A_30 = tpu.memref_slice %arg9[%dma_start3A_19, %dma_start3A_28, %dma_start3A_29] : memref<2x25x80xi32, #tpu.memory_space<vmem>> -> memref<1x25x80xi32, #tpu.memory_space<vmem>>
    %dma_start3A_31 = tpu.memref_squeeze %dma_start3A_30 : memref<1x25x80xi32, #tpu.memory_space<vmem>> -> memref<25x80xi32, #tpu.memory_space<vmem>>
    %dma_start3A_32 = arith.constant 25 : i32
    %dma_start3A_33 = arith.constant 0 : i32
    %dma_start3A_34 = tpu.memref_slice %arg3[%add3A, %dma_start3A_32, %dma_start3A_33] : memref<32x125x80xi32, #tpu.memory_space<hbm>> -> memref<1x25x80xi32, #tpu.memory_space<hbm>>
    %dma_start3A_35 = tpu.memref_squeeze %dma_start3A_34 : memref<1x25x80xi32, #tpu.memory_space<hbm>> -> memref<25x80xi32, #tpu.memory_space<hbm>>
    tpu.enqueue_dma source(%dma_start3A_35 : memref<25x80xi32, #tpu.memory_space<hbm>>) target(%dma_start3A_31 : memref<25x80xi32, #tpu.memory_space<vmem>>) target_semaphore(%arg14 : memref<!tpu.dma_semaphore, #tpu.memory_space<semaphore_mem>>)
    "tpu.region"() ({
      %run_scoped3A_105 = tpu.sem_alloc : memref<!tpu.dma_semaphore, #tpu.memory_space<semaphore_mem>>
      tpu.enqueue_dma source(%arg5 : memref<16xi32, #tpu.memory_space<hbm>>) target(%arg16 : memref<16xi32, #tpu.memory_space<vmem>>) target_semaphore(%run_scoped3A_105 : memref<!tpu.dma_semaphore, #tpu.memory_space<semaphore_mem>>)
      tpu.wait_dma2 semaphore(%run_scoped3A_105 : memref<!tpu.dma_semaphore, #tpu.memory_space<semaphore_mem>>) src(%arg5 : memref<16xi32, #tpu.memory_space<hbm>>) dst(%arg16 : memref<16xi32, #tpu.memory_space<vmem>>)
      tpu.yield
    }) : () -> ()
    %get3A = arith.constant 0 : index
    %get3A_36 = tpu.vector_load %arg16[%get3A] {strides = array<i32>} : memref<16xi32, #tpu.memory_space<vmem>>, vector<16xi32>,
    %reduce_max3A = arith.constant true
    %reduce_max3A_37 = vector.broadcast %reduce_max3A : i1 to vector<16xi1>
    %reduce_max3A_38 = arith.constant -2147483648 : i32
    %reduce_max3A_39 = vector.broadcast %reduce_max3A_38 : i32 to vector<16xi32>
    %reduce_max3A_40 = arith.xori %get3A_36, %reduce_max3A_39 : vector<16xi32>
    %reduce_max3A_41 = tpu.scan <max>, %reduce_max3A_40 masked %reduce_max3A_37 : vector<16xi32>, vector<16xi1> -> vector<16xi32>
    %reduce_max3A_42 = arith.xori %reduce_max3A_41, %reduce_max3A_39 : vector<16xi32>
    %reduce_max3A_43 = vector.extract %reduce_max3A_42[15] : i32 from vector<16xi32>
    %eq3A = arith.constant 1 : i32
    %eq3A_44 = arith.cmpi eq, %reduce_max3A_43, %eq3A : i32
    %dma_start3A_45 = arith.constant 0 : i32
    %dma_start3A_46 = arith.constant 0 : i32
    %dma_start3A_47 = arith.constant 0 : i32
    %dma_start3A_48 = arith.constant 0 : i32
    %dma_start3A_49 = arith.constant 0 : i32
    %dma_start3A_50 = tpu.memref_slice %arg10[%dma_start3A_47, %dma_start3A_48, %dma_start3A_49] : memref<2x80x128xf32, #tpu.memory_space<vmem>> -> memref<1x80x128xf32, #tpu.memory_space<vmem>>
    %dma_start3A_51 = tpu.memref_squeeze %dma_start3A_50 : memref<1x80x128xf32, #tpu.memory_space<vmem>> -> memref<80x128xf32, #tpu.memory_space<vmem>>
    %dma_start3A_52 = arith.constant 0 : i32
    %dma_start3A_53 = tpu.memref_slice %arg8[%dma_start3A_45, %dma_start3A_46, %dma_start3A_52] : memref<2x25x80xi32, #tpu.memory_space<vmem>> -> memref<1x1x80xi32, #tpu.memory_space<vmem>>
    %dma_start3A_54 = tpu.memref_squeeze %dma_start3A_53 : memref<1x1x80xi32, #tpu.memory_space<vmem>> -> memref<80xi32, #tpu.memory_space<vmem>>
    %dma_start3A_55 = arith.constant 0 : i32
    %dma_start3A_56 = arith.constant 0 : i32
    %dma_start3A_57 = tpu.memref_slice %arg4[%dma_start3A_55, %dma_start3A_56] : memref<10000x128xf32, #tpu.memory_space<hbm>> -> memref<10000x128xf32, #tpu.memory_space<hbm>>
    tpu.enqueue_indirect_dma source(%dma_start3A_57 : memref<10000x128xf32, #tpu.memory_space<hbm>>) target(%dma_start3A_51 : memref<80x128xf32, #tpu.memory_space<vmem>>) offsets(%dma_start3A_54 : memref<80xi32, #tpu.memory_space<vmem>>) semaphore(%arg13 : memref<!tpu.dma_semaphore, #tpu.memory_space<semaphore_mem>>)
    %scan3A = arith.constant 0 : i32
    %scan3A_58 = arith.constant 32 : i32
    %scan3A_59 = arith.addi %scan3A, %scan3A_58 : i32
    %scan3A_60 = arith.constant 1 : i32
    scf.for %scan3A_105 = %scan3A to %scan3A_59 step %scan3A_60  : i32 {
      %mul3A_106 = arith.constant 1 : i32
      %mul3A_107 = arith.muli %scan3A_105, %mul3A_106 : i32
      %add3A_108 = arith.constant 0 : i32
      %add3A_109 = arith.addi %add3A_108, %mul3A_107 : i32
      %scan3A_110 = arith.constant 0 : i32
      %scan3A_111 = arith.constant 8 : i32
      %scan3A_112 = arith.addi %scan3A_110, %scan3A_111 : i32
      %scan3A_113 = arith.constant 1 : i32
      scf.for %scan3A_115 = %scan3A_110 to %scan3A_112 step %scan3A_113  : i32 {
        %mul3A_116 = arith.constant 16 : i32
        %mul3A_117 = arith.muli %scan3A_115, %mul3A_116 : i32
        %add3A_118 = arith.constant 0 : i32
        %add3A_119 = arith.addi %add3A_118, %mul3A_117 : i32
        %swap3A = arith.index_cast %add3A_109 : i32 to index
        %swap3A_120 = arith.index_cast %add3A_119 : i32 to index
        %swap3A_121 = tpu.vector_load %arg11[%swap3A, %swap3A_120] {strides = array<i32>} : memref<32x128xf32, #tpu.memory_space<vmem>>, vector<16xf32>,
        tpu.vector_store %arg11[%swap3A, %swap3A_120], %broadcast_in_dim3A_1 {strides = array<i32>} : memref<32x128xf32, #tpu.memory_space<vmem>>, vector<16xf32>,
      }
      %scan3A_114 = arith.constant 8 : i32
    }
    %scan3A_61 = arith.constant 32 : i32
    %convert_element_type3A = arith.extui %eq3A_44 : i1 to i32
    %cond3A = arith.constant 0 : i32
    %cond3A_62 = arith.cmpi ne, %convert_element_type3A, %cond3A : i32
    scf.if %cond3A_62 {
      %scan3A_105 = arith.constant 0 : i32
      %scan3A_106 = arith.constant 32 : i32
      %scan3A_107 = arith.addi %scan3A_105, %scan3A_106 : i32
      %scan3A_108 = arith.constant 1 : i32
      scf.for %scan3A_115 = %scan3A_105 to %scan3A_107 step %scan3A_108  : i32 {
        %mul3A_116 = arith.constant 1 : i32
        %mul3A_117 = arith.muli %scan3A_115, %mul3A_116 : i32
        %add3A_118 = arith.constant 0 : i32
        %add3A_119 = arith.addi %add3A_118, %mul3A_117 : i32
        %swap3A = arith.index_cast %add3A_119 : i32 to index
        %swap3A_120 = arith.constant 0 : index
        %swap3A_121 = tpu.vector_load %arg18[%swap3A, %swap3A_120] {strides = array<i32>} : memref<32x16xf32, #tpu.memory_space<vmem>>, vector<16xf32>,
        tpu.vector_store %arg18[%swap3A, %swap3A_120], %broadcast_in_dim3A_1 {strides = array<i32>} : memref<32x16xf32, #tpu.memory_space<vmem>>, vector<16xf32>,
      }
      %scan3A_109 = arith.constant 32 : i32
      %scan3A_110 = arith.constant 0 : i32
      %scan3A_111 = arith.constant 80 : i32
      %scan3A_112 = arith.addi %scan3A_110, %scan3A_111 : i32
      %scan3A_113 = arith.constant 1 : i32
      scf.for %scan3A_115 = %scan3A_110 to %scan3A_112 step %scan3A_113  : i32 {
        %mul3A_116 = arith.constant 1 : i32
        %mul3A_117 = arith.muli %scan3A_115, %mul3A_116 : i32
        %add3A_118 = arith.constant 0 : i32
        %add3A_119 = arith.addi %add3A_118, %mul3A_117 : i32
        %broadcast_in_dim3A_120 = arith.constant 1.000000e+00 : f32
        %broadcast_in_dim3A_121 = vector.broadcast %broadcast_in_dim3A_120 : f32 to vector<16xf32>
        %swap3A = arith.index_cast %add3A_119 : i32 to index
        %swap3A_122 = arith.constant 0 : index
        %swap3A_123 = tpu.vector_load %arg17[%swap3A, %swap3A_122] {strides = array<i32>} : memref<80x16xf32, #tpu.memory_space<vmem>>, vector<16xf32>,
        tpu.vector_store %arg17[%swap3A, %swap3A_122], %broadcast_in_dim3A_121 {strides = array<i32>} : memref<80x16xf32, #tpu.memory_space<vmem>>, vector<16xf32>,
      }
      %scan3A_114 = arith.constant 80 : i32
    } else {
    }
    %scan3A_63 = arith.constant 0 : i32
    %scan3A_64 = arith.constant 20 : i32
    %scan3A_65 = arith.addi %scan3A_63, %scan3A_64 : i32
    %scan3A_66 = arith.constant 1 : i32
    scf.for %scan3A_105 = %scan3A_63 to %scan3A_65 step %scan3A_66  : i32 {
      %mul3A_106 = arith.constant 32 : i32
      %mul3A_107 = arith.muli %scan3A_105, %mul3A_106 : i32
      %add3A_108 = arith.constant 0 : i32
      %add3A_109 = arith.addi %add3A_108, %mul3A_107 : i32
      %mul3A_110 = arith.constant 640 : i32
      %mul3A_111 = arith.muli %arg1, %mul3A_110 : i32
      %add3A_112 = arith.addi %mul3A_111, %add3A_109 : i32
      %dma_start3A_113 = arith.constant 0 : i32
      %dma_start3A_114 = tpu.memref_slice %arg12[%add3A_112, %dma_start3A_113] : memref<10240x128xf32, #tpu.memory_space<vmem_shared>> -> memref<32x128xf32, #tpu.memory_space<vmem_shared>>
      %dma_start3A_115 = arith.constant 0 : i32
      %dma_start3A_116 = tpu.memref_slice %arg12[%add3A_112, %dma_start3A_115] : memref<10240x128xf32, #tpu.memory_space<vmem_shared>> -> memref<32x128xf32, #tpu.memory_space<vmem_shared>>
      tpu.enqueue_dma source(%arg11 : memref<32x128xf32, #tpu.memory_space<vmem>>) target(%dma_start3A_116 : memref<32x128xf32, #tpu.memory_space<vmem_shared>>) target_semaphore(%arg15 : memref<!tpu.dma_semaphore, #tpu.memory_space<semaphore_mem>>)
    }
    %scan3A_67 = arith.constant 20 : i32
    %convert_element_type3A_68 = arith.extui %eq3A_44 : i1 to i32
    %cond3A_69 = arith.constant 0 : i32
    %cond3A_70 = arith.cmpi ne, %convert_element_type3A_68, %cond3A_69 : i32
    scf.if %cond3A_70 {
      %scan3A_105 = arith.constant 0 : i32
      %scan3A_106 = arith.constant 20 : i32
      %scan3A_107 = arith.addi %scan3A_105, %scan3A_106 : i32
      %scan3A_108 = arith.constant 1 : i32
      scf.for %scan3A_110 = %scan3A_105 to %scan3A_107 step %scan3A_108  : i32 {
        %mul3A_111 = arith.constant 32 : i32
        %mul3A_112 = arith.muli %scan3A_110, %mul3A_111 : i32
        %add3A_113 = arith.constant 0 : i32
        %add3A_114 = arith.addi %add3A_113, %mul3A_112 : i32
        %mul3A_115 = arith.constant 640 : i32
        %mul3A_116 = arith.muli %arg1, %mul3A_115 : i32
        %add3A_117 = arith.addi %mul3A_116, %add3A_114 : i32
        %dma_start3A_118 = arith.constant 0 : i32
        %dma_start3A_119 = tpu.memref_slice %arg19[%add3A_117, %dma_start3A_118] : memref<10240x16xf32, #tpu.memory_space<vmem_shared>> -> memref<32x16xf32, #tpu.memory_space<vmem_shared>>
        %dma_start3A_120 = arith.constant 0 : i32
        %dma_start3A_121 = tpu.memref_slice %arg19[%add3A_117, %dma_start3A_120] : memref<10240x16xf32, #tpu.memory_space<vmem_shared>> -> memref<32x16xf32, #tpu.memory_space<vmem_shared>>
        tpu.enqueue_dma source(%arg18 : memref<32x16xf32, #tpu.memory_space<vmem>>) target(%dma_start3A_121 : memref<32x16xf32, #tpu.memory_space<vmem_shared>>) target_semaphore(%arg15 : memref<!tpu.dma_semaphore, #tpu.memory_space<semaphore_mem>>)
      }
      %scan3A_109 = arith.constant 20 : i32
    } else {
    }
    %scan3A_71 = arith.constant 0 : i32
    %scan3A_72 = arith.constant 20 : i32
    %scan3A_73 = arith.addi %scan3A_71, %scan3A_72 : i32
    %scan3A_74 = arith.constant 1 : i32
    scf.for %scan3A_105 = %scan3A_71 to %scan3A_73 step %scan3A_74  : i32 {
      %mul3A_106 = arith.constant 32 : i32
      %mul3A_107 = arith.muli %scan3A_105, %mul3A_106 : i32
      %add3A_108 = arith.constant 0 : i32
      %add3A_109 = arith.addi %add3A_108, %mul3A_107 : i32
      %mul3A_110 = arith.constant 640 : i32
      %mul3A_111 = arith.muli %arg1, %mul3A_110 : i32
      %add3A_112 = arith.addi %mul3A_111, %add3A_109 : i32
      %dma_wait3A_113 = arith.constant 0 : i32
      %dma_wait3A_114 = tpu.memref_slice %arg12[%add3A_112, %dma_wait3A_113] : memref<10240x128xf32, #tpu.memory_space<vmem_shared>> -> memref<32x128xf32, #tpu.memory_space<vmem_shared>>
      %dma_wait3A_115 = arith.constant 0 : i32
      %dma_wait3A_116 = tpu.memref_slice %arg12[%add3A_112, %dma_wait3A_115] : memref<10240x128xf32, #tpu.memory_space<vmem_shared>> -> memref<32x128xf32, #tpu.memory_space<vmem_shared>>
      tpu.wait_dma2 semaphore(%arg15 : memref<!tpu.dma_semaphore, #tpu.memory_space<semaphore_mem>>) src(%arg11 : memref<32x128xf32, #tpu.memory_space<vmem>>) dst(%dma_wait3A_116 : memref<32x128xf32, #tpu.memory_space<vmem_shared>>)
    }
    %scan3A_75 = arith.constant 20 : i32
    %convert_element_type3A_76 = arith.extui %eq3A_44 : i1 to i32
    %cond3A_77 = arith.constant 0 : i32
    %cond3A_78 = arith.cmpi ne, %convert_element_type3A_76, %cond3A_77 : i32
    scf.if %cond3A_78 {
      %scan3A_105 = arith.constant 0 : i32
      %scan3A_106 = arith.constant 20 : i32
      %scan3A_107 = arith.addi %scan3A_105, %scan3A_106 : i32
      %scan3A_108 = arith.constant 1 : i32
      scf.for %scan3A_110 = %scan3A_105 to %scan3A_107 step %scan3A_108  : i32 {
        %mul3A_111 = arith.constant 32 : i32
        %mul3A_112 = arith.muli %scan3A_110, %mul3A_111 : i32
        %add3A_113 = arith.constant 0 : i32
        %add3A_114 = arith.addi %add3A_113, %mul3A_112 : i32
        %mul3A_115 = arith.constant 640 : i32
        %mul3A_116 = arith.muli %arg1, %mul3A_115 : i32
        %add3A_117 = arith.addi %mul3A_116, %add3A_114 : i32
        %dma_wait3A_118 = arith.constant 0 : i32
        %dma_wait3A_119 = tpu.memref_slice %arg19[%add3A_117, %dma_wait3A_118] : memref<10240x16xf32, #tpu.memory_space<vmem_shared>> -> memref<32x16xf32, #tpu.memory_space<vmem_shared>>
        %dma_wait3A_120 = arith.constant 0 : i32
        %dma_wait3A_121 = tpu.memref_slice %arg19[%add3A_117, %dma_wait3A_120] : memref<10240x16xf32, #tpu.memory_space<vmem_shared>> -> memref<32x16xf32, #tpu.memory_space<vmem_shared>>
        tpu.wait_dma2 semaphore(%arg15 : memref<!tpu.dma_semaphore, #tpu.memory_space<semaphore_mem>>) src(%arg18 : memref<32x16xf32, #tpu.memory_space<vmem>>) dst(%dma_wait3A_121 : memref<32x16xf32, #tpu.memory_space<vmem_shared>>)
      }
      %scan3A_109 = arith.constant 20 : i32
    } else {
    }
    %barrier3A = arith.constant 0 : index
    tpu.barrier barrier_id(%barrier3A)
    %scan3A_79 = arith.constant 0 : i32
    %scan3A_80 = arith.constant 125 : i32
    %scan3A_81 = arith.addi %scan3A_79, %scan3A_80 : i32
    %scan3A_82 = arith.constant 1 : i32
    scf.for %scan3A_105 = %scan3A_79 to %scan3A_81 step %scan3A_82  : i32 {
      %mul3A_106 = arith.constant 1 : i32
      %mul3A_107 = arith.muli %scan3A_105, %mul3A_106 : i32
      %add3A_108 = arith.constant 0 : i32
      %add3A_109 = arith.addi %add3A_108, %mul3A_107 : i32
      %rem3A = arith.constant 2 : i32
      %rem3A_110 = arith.remsi %add3A_109, %rem3A : i32
      %sub3A = arith.constant 1 : i32
      %sub3A_111 = arith.subi %sub3A, %rem3A_110 : i32
      %div3A = arith.constant 25 : i32
      %div3A_112 = arith.divsi %add3A_109, %div3A : i32
      %rem3A_113 = arith.constant 25 : i32
      %rem3A_114 = arith.remsi %add3A_109, %rem3A_113 : i32
      %rem3A_115 = arith.constant 2 : i32
      %rem3A_116 = arith.remsi %div3A_112, %rem3A_115 : i32
      %add3A_117 = arith.constant 1 : i32
      %add3A_118 = arith.addi %add3A_109, %add3A_117 : i32
      %div3A_119 = arith.constant 25 : i32
      %div3A_120 = arith.divsi %add3A_118, %div3A_119 : i32
      %rem3A_121 = arith.constant 25 : i32
      %rem3A_122 = arith.remsi %add3A_118, %rem3A_121 : i32
      %rem3A_123 = arith.constant 2 : i32
      %rem3A_124 = arith.remsi %div3A_120, %rem3A_123 : i32
      %lt3A = arith.constant 125 : i32
      %lt3A_125 = arith.cmpi slt, %add3A_118, %lt3A : i32
      %convert_element_type3A_126 = arith.extui %lt3A_125 : i1 to i32
      %cond3A_127 = arith.constant 0 : i32
      %cond3A_128 = arith.cmpi ne, %convert_element_type3A_126, %cond3A_127 : i32
      scf.if %cond3A_128 {
        %eq3A_151 = arith.constant 0 : i32
        %eq3A_152 = arith.cmpi eq, %rem3A_122, %eq3A_151 : i32
        %convert_element_type3A_153 = arith.extui %eq3A_152 : i1 to i32
        %cond3A_154 = arith.constant 0 : i32
        %cond3A_155 = arith.cmpi ne, %convert_element_type3A_153, %cond3A_154 : i32
        scf.if %cond3A_155 {
          %mul3A_166 = arith.constant 25 : i32
          %mul3A_167 = arith.muli %div3A_120, %mul3A_166 : i32
          %dma_wait3A_168 = arith.constant 0 : i32
          %dma_wait3A_169 = arith.constant 0 : i32
          %dma_wait3A_170 = tpu.memref_slice %arg8[%rem3A_124, %dma_wait3A_168, %dma_wait3A_169] : memref<2x25x80xi32, #tpu.memory_space<vmem>> -> memref<1x25x80xi32, #tpu.memory_space<vmem>>
          %dma_wait3A_171 = tpu.memref_squeeze %dma_wait3A_170 : memref<1x25x80xi32, #tpu.memory_space<vmem>> -> memref<25x80xi32, #tpu.memory_space<vmem>>
          %dma_wait3A_172 = arith.constant 0 : i32
          %dma_wait3A_173 = tpu.memref_slice %arg2[%add3A, %mul3A_167, %dma_wait3A_172] : memref<32x125x80xi32, #tpu.memory_space<hbm>> -> memref<1x25x80xi32, #tpu.memory_space<hbm>>
          %dma_wait3A_174 = tpu.memref_squeeze %dma_wait3A_173 : memref<1x25x80xi32, #tpu.memory_space<hbm>> -> memref<25x80xi32, #tpu.memory_space<hbm>>
          %dma_wait3A_175 = arith.constant 0 : i32
          %dma_wait3A_176 = arith.constant 0 : i32
          %dma_wait3A_177 = tpu.memref_slice %arg8[%rem3A_124, %dma_wait3A_175, %dma_wait3A_176] : memref<2x25x80xi32, #tpu.memory_space<vmem>> -> memref<1x25x80xi32, #tpu.memory_space<vmem>>
          %dma_wait3A_178 = tpu.memref_squeeze %dma_wait3A_177 : memref<1x25x80xi32, #tpu.memory_space<vmem>> -> memref<25x80xi32, #tpu.memory_space<vmem>>
          %dma_wait3A_179 = arith.constant 0 : i32
          %dma_wait3A_180 = tpu.memref_slice %arg2[%add3A, %mul3A_167, %dma_wait3A_179] : memref<32x125x80xi32, #tpu.memory_space<hbm>> -> memref<1x25x80xi32, #tpu.memory_space<hbm>>
          %dma_wait3A_181 = tpu.memref_squeeze %dma_wait3A_180 : memref<1x25x80xi32, #tpu.memory_space<hbm>> -> memref<25x80xi32, #tpu.memory_space<hbm>>
          tpu.wait_dma2 semaphore(%arg14 : memref<!tpu.dma_semaphore, #tpu.memory_space<semaphore_mem>>) src(%dma_wait3A_181 : memref<25x80xi32, #tpu.memory_space<hbm>>) dst(%dma_wait3A_178 : memref<25x80xi32, #tpu.memory_space<vmem>>)
          %mul3A_182 = arith.constant 25 : i32
          %mul3A_183 = arith.muli %div3A_120, %mul3A_182 : i32
          %dma_wait3A_184 = arith.constant 0 : i32
          %dma_wait3A_185 = arith.constant 0 : i32
          %dma_wait3A_186 = tpu.memref_slice %arg9[%rem3A_124, %dma_wait3A_184, %dma_wait3A_185] : memref<2x25x80xi32, #tpu.memory_space<vmem>> -> memref<1x25x80xi32, #tpu.memory_space<vmem>>
          %dma_wait3A_187 = tpu.memref_squeeze %dma_wait3A_186 : memref<1x25x80xi32, #tpu.memory_space<vmem>> -> memref<25x80xi32, #tpu.memory_space<vmem>>
          %dma_wait3A_188 = arith.constant 0 : i32
          %dma_wait3A_189 = tpu.memref_slice %arg3[%add3A, %mul3A_183, %dma_wait3A_188] : memref<32x125x80xi32, #tpu.memory_space<hbm>> -> memref<1x25x80xi32, #tpu.memory_space<hbm>>
          %dma_wait3A_190 = tpu.memref_squeeze %dma_wait3A_189 : memref<1x25x80xi32, #tpu.memory_space<hbm>> -> memref<25x80xi32, #tpu.memory_space<hbm>>
          %dma_wait3A_191 = arith.constant 0 : i32
          %dma_wait3A_192 = arith.constant 0 : i32
          %dma_wait3A_193 = tpu.memref_slice %arg9[%rem3A_124, %dma_wait3A_191, %dma_wait3A_192] : memref<2x25x80xi32, #tpu.memory_space<vmem>> -> memref<1x25x80xi32, #tpu.memory_space<vmem>>
          %dma_wait3A_194 = tpu.memref_squeeze %dma_wait3A_193 : memref<1x25x80xi32, #tpu.memory_space<vmem>> -> memref<25x80xi32, #tpu.memory_space<vmem>>
          %dma_wait3A_195 = arith.constant 0 : i32
          %dma_wait3A_196 = tpu.memref_slice %arg3[%add3A, %mul3A_183, %dma_wait3A_195] : memref<32x125x80xi32, #tpu.memory_space<hbm>> -> memref<1x25x80xi32, #tpu.memory_space<hbm>>
          %dma_wait3A_197 = tpu.memref_squeeze %dma_wait3A_196 : memref<1x25x80xi32, #tpu.memory_space<hbm>> -> memref<25x80xi32, #tpu.memory_space<hbm>>
          tpu.wait_dma2 semaphore(%arg14 : memref<!tpu.dma_semaphore, #tpu.memory_space<semaphore_mem>>) src(%dma_wait3A_197 : memref<25x80xi32, #tpu.memory_space<hbm>>) dst(%dma_wait3A_194 : memref<25x80xi32, #tpu.memory_space<vmem>>)
        } else {
        }
        %dma_start3A_156 = arith.constant 0 : i32
        %dma_start3A_157 = arith.constant 0 : i32
        %dma_start3A_158 = tpu.memref_slice %arg10[%sub3A_111, %dma_start3A_156, %dma_start3A_157] : memref<2x80x128xf32, #tpu.memory_space<vmem>> -> memref<1x80x128xf32, #tpu.memory_space<vmem>>
        %dma_start3A_159 = tpu.memref_squeeze %dma_start3A_158 : memref<1x80x128xf32, #tpu.memory_space<vmem>> -> memref<80x128xf32, #tpu.memory_space<vmem>>
        %dma_start3A_160 = arith.constant 0 : i32
        %dma_start3A_161 = tpu.memref_slice %arg8[%rem3A_124, %rem3A_122, %dma_start3A_160] : memref<2x25x80xi32, #tpu.memory_space<vmem>> -> memref<1x1x80xi32, #tpu.memory_space<vmem>>
        %dma_start3A_162 = tpu.memref_squeeze %dma_start3A_161 : memref<1x1x80xi32, #tpu.memory_space<vmem>> -> memref<80xi32, #tpu.memory_space<vmem>>
        %dma_start3A_163 = arith.constant 0 : i32
        %dma_start3A_164 = arith.constant 0 : i32
        %dma_start3A_165 = tpu.memref_slice %arg4[%dma_start3A_163, %dma_start3A_164] : memref<10000x128xf32, #tpu.memory_space<hbm>> -> memref<10000x128xf32, #tpu.memory_space<hbm>>
        tpu.enqueue_indirect_dma source(%dma_start3A_165 : memref<10000x128xf32, #tpu.memory_space<hbm>>) target(%dma_start3A_159 : memref<80x128xf32, #tpu.memory_space<vmem>>) offsets(%dma_start3A_162 : memref<80xi32, #tpu.memory_space<vmem>>) semaphore(%arg13 : memref<!tpu.dma_semaphore, #tpu.memory_space<semaphore_mem>>)
      } else {
      }
      %dma_wait3A_129 = arith.constant 0 : i32
      %dma_wait3A_130 = arith.constant 0 : i32
      %dma_wait3A_131 = tpu.memref_slice %arg10[%rem3A_110, %dma_wait3A_129, %dma_wait3A_130] : memref<2x80x128xf32, #tpu.memory_space<vmem>> -> memref<1x80x128xf32, #tpu.memory_space<vmem>>
      %dma_wait3A_132 = tpu.memref_squeeze %dma_wait3A_131 : memref<1x80x128xf32, #tpu.memory_space<vmem>> -> memref<80x128xf32, #tpu.memory_space<vmem>>
      %dma_wait3A_133 = arith.constant 0 : i32
      %dma_wait3A_134 = tpu.memref_slice %arg8[%rem3A_116, %rem3A_114, %dma_wait3A_133] : memref<2x25x80xi32, #tpu.memory_space<vmem>> -> memref<1x1x80xi32, #tpu.memory_space<vmem>>
      %dma_wait3A_135 = tpu.memref_squeeze %dma_wait3A_134 : memref<1x1x80xi32, #tpu.memory_space<vmem>> -> memref<80xi32, #tpu.memory_space<vmem>>
      %dma_wait3A_136 = arith.constant 0 : i32
      %dma_wait3A_137 = arith.constant 0 : i32
      %dma_wait3A_138 = tpu.memref_slice %arg4[%dma_wait3A_136, %dma_wait3A_137] : memref<10000x128xf32, #tpu.memory_space<hbm>> -> memref<10000x128xf32, #tpu.memory_space<hbm>>
      tpu.wait_indirect_dma semaphore(%arg13 : memref<!tpu.dma_semaphore, #tpu.memory_space<semaphore_mem>>) src(%dma_wait3A_138 : memref<10000x128xf32, #tpu.memory_space<hbm>>) dst(%dma_wait3A_132 : memref<80x128xf32, #tpu.memory_space<vmem>>)
      "tpu.region"() ({
        %run_scoped3A_151 = tpu.sem_alloc : memref<!tpu.dma_semaphore, #tpu.memory_space<semaphore_mem>>
        %dma_start3A_152 = arith.constant 0 : i32
        %dma_start3A_153 = arith.constant 0 : i32
        %dma_start3A_154 = tpu.memref_slice %arg10[%rem3A_110, %dma_start3A_152, %dma_start3A_153] : memref<2x80x128xf32, #tpu.memory_space<vmem>> -> memref<1x80x128xf32, #tpu.memory_space<vmem>>
        %dma_start3A_155 = tpu.memref_squeeze %dma_start3A_154 : memref<1x80x128xf32, #tpu.memory_space<vmem>> -> memref<80x128xf32, #tpu.memory_space<vmem>>
        %dma_start3A_156 = arith.constant 0 : i32
        %dma_start3A_157 = tpu.memref_slice %arg9[%rem3A_116, %rem3A_114, %dma_start3A_156] : memref<2x25x80xi32, #tpu.memory_space<vmem>> -> memref<1x1x80xi32, #tpu.memory_space<vmem>>
        %dma_start3A_158 = tpu.memref_squeeze %dma_start3A_157 : memref<1x1x80xi32, #tpu.memory_space<vmem>> -> memref<80xi32, #tpu.memory_space<vmem>>
        %dma_start3A_159 = arith.constant 0 : i32
        %dma_start3A_160 = arith.constant 0 : i32
        %dma_start3A_161 = tpu.memref_slice %arg12[%dma_start3A_159, %dma_start3A_160] : memref<10240x128xf32, #tpu.memory_space<vmem_shared>> -> memref<10240x128xf32, #tpu.memory_space<vmem_shared>>
        tpu.enqueue_indirect_dma source(%dma_start3A_155 : memref<80x128xf32, #tpu.memory_space<vmem>>) target(%dma_start3A_161 : memref<10240x128xf32, #tpu.memory_space<vmem_shared>>) offsets(%dma_start3A_158 : memref<80xi32, #tpu.memory_space<vmem>>) semaphore(%run_scoped3A_151 : memref<!tpu.dma_semaphore, #tpu.memory_space<semaphore_mem>>) {add = true}
        %dma_wait3A_162 = arith.constant 0 : i32
        %dma_wait3A_163 = arith.constant 0 : i32
        %dma_wait3A_164 = tpu.memref_slice %arg10[%rem3A_110, %dma_wait3A_162, %dma_wait3A_163] : memref<2x80x128xf32, #tpu.memory_space<vmem>> -> memref<1x80x128xf32, #tpu.memory_space<vmem>>
        %dma_wait3A_165 = tpu.memref_squeeze %dma_wait3A_164 : memref<1x80x128xf32, #tpu.memory_space<vmem>> -> memref<80x128xf32, #tpu.memory_space<vmem>>
        %dma_wait3A_166 = arith.constant 0 : i32
        %dma_wait3A_167 = tpu.memref_slice %arg9[%rem3A_116, %rem3A_114, %dma_wait3A_166] : memref<2x25x80xi32, #tpu.memory_space<vmem>> -> memref<1x1x80xi32, #tpu.memory_space<vmem>>
        %dma_wait3A_168 = tpu.memref_squeeze %dma_wait3A_167 : memref<1x1x80xi32, #tpu.memory_space<vmem>> -> memref<80xi32, #tpu.memory_space<vmem>>
        %dma_wait3A_169 = arith.constant 0 : i32
        %dma_wait3A_170 = arith.constant 0 : i32
        %dma_wait3A_171 = tpu.memref_slice %arg12[%dma_wait3A_169, %dma_wait3A_170] : memref<10240x128xf32, #tpu.memory_space<vmem_shared>> -> memref<10240x128xf32, #tpu.memory_space<vmem_shared>>
        tpu.wait_indirect_dma semaphore(%run_scoped3A_151 : memref<!tpu.dma_semaphore, #tpu.memory_space<semaphore_mem>>) src(%dma_wait3A_165 : memref<80x128xf32, #tpu.memory_space<vmem>>) dst(%dma_wait3A_171 : memref<10240x128xf32, #tpu.memory_space<vmem_shared>>)
        tpu.yield
      }) : () -> ()
      %convert_element_type3A_139 = arith.extui %eq3A_44 : i1 to i32
      %cond3A_140 = arith.constant 0 : i32
      %cond3A_141 = arith.cmpi ne, %convert_element_type3A_139, %cond3A_140 : i32
      scf.if %cond3A_141 {
        "tpu.region"() ({
          %run_scoped3A_151 = tpu.sem_alloc : memref<!tpu.dma_semaphore, #tpu.memory_space<semaphore_mem>>
          %dma_start3A_152 = arith.constant 0 : i32
          %dma_start3A_153 = tpu.memref_slice %arg9[%rem3A_116, %rem3A_114, %dma_start3A_152] : memref<2x25x80xi32, #tpu.memory_space<vmem>> -> memref<1x1x80xi32, #tpu.memory_space<vmem>>
          %dma_start3A_154 = tpu.memref_squeeze %dma_start3A_153 : memref<1x1x80xi32, #tpu.memory_space<vmem>> -> memref<80xi32, #tpu.memory_space<vmem>>
          %dma_start3A_155 = arith.constant 0 : i32
          %dma_start3A_156 = arith.constant 0 : i32
          %dma_start3A_157 = tpu.memref_slice %arg19[%dma_start3A_155, %dma_start3A_156] : memref<10240x16xf32, #tpu.memory_space<vmem_shared>> -> memref<10240x16xf32, #tpu.memory_space<vmem_shared>>
          tpu.enqueue_indirect_dma source(%arg17 : memref<80x16xf32, #tpu.memory_space<vmem>>) target(%dma_start3A_157 : memref<10240x16xf32, #tpu.memory_space<vmem_shared>>) offsets(%dma_start3A_154 : memref<80xi32, #tpu.memory_space<vmem>>) semaphore(%run_scoped3A_151 : memref<!tpu.dma_semaphore, #tpu.memory_space<semaphore_mem>>) {add = true}
          %dma_wait3A_158 = arith.constant 0 : i32
          %dma_wait3A_159 = tpu.memref_slice %arg9[%rem3A_116, %rem3A_114, %dma_wait3A_158] : memref<2x25x80xi32, #tpu.memory_space<vmem>> -> memref<1x1x80xi32, #tpu.memory_space<vmem>>
          %dma_wait3A_160 = tpu.memref_squeeze %dma_wait3A_159 : memref<1x1x80xi32, #tpu.memory_space<vmem>> -> memref<80xi32, #tpu.memory_space<vmem>>
          %dma_wait3A_161 = arith.constant 0 : i32
          %dma_wait3A_162 = arith.constant 0 : i32
          %dma_wait3A_163 = tpu.memref_slice %arg19[%dma_wait3A_161, %dma_wait3A_162] : memref<10240x16xf32, #tpu.memory_space<vmem_shared>> -> memref<10240x16xf32, #tpu.memory_space<vmem_shared>>
          tpu.wait_indirect_dma semaphore(%run_scoped3A_151 : memref<!tpu.dma_semaphore, #tpu.memory_space<semaphore_mem>>) src(%arg17 : memref<80x16xf32, #tpu.memory_space<vmem>>) dst(%dma_wait3A_163 : memref<10240x16xf32, #tpu.memory_space<vmem_shared>>)
          tpu.yield
        }) : () -> ()
      } else {
      }
      %eq3A_142 = arith.constant 0 : i32
      %eq3A_143 = arith.cmpi eq, %rem3A_122, %eq3A_142 : i32
      %add3A_144 = arith.constant 1 : i32
      %add3A_145 = arith.addi %div3A_120, %add3A_144 : i32
      %lt3A_146 = arith.constant 5 : i32
      %lt3A_147 = arith.cmpi slt, %add3A_145, %lt3A_146 : i32
      %and3A = arith.andi %eq3A_143, %lt3A_147 : i1
      %convert_element_type3A_148 = arith.extui %and3A : i1 to i32
      %cond3A_149 = arith.constant 0 : i32
      %cond3A_150 = arith.cmpi ne, %convert_element_type3A_148, %cond3A_149 : i32
      scf.if %cond3A_150 {
        %add3A_151 = arith.constant 1 : i32
        %add3A_152 = arith.addi %div3A_120, %add3A_151 : i32
        %mul3A_153 = arith.constant 25 : i32
        %mul3A_154 = arith.muli %add3A_152, %mul3A_153 : i32
        %sub3A_155 = arith.constant 1 : i32
        %sub3A_156 = arith.subi %sub3A_155, %rem3A_124 : i32
        %dma_start3A_157 = arith.constant 0 : i32
        %dma_start3A_158 = arith.constant 0 : i32
        %dma_start3A_159 = tpu.memref_slice %arg8[%sub3A_156, %dma_start3A_157, %dma_start3A_158] : memref<2x25x80xi32, #tpu.memory_space<vmem>> -> memref<1x25x80xi32, #tpu.memory_space<vmem>>
        %dma_start3A_160 = tpu.memref_squeeze %dma_start3A_159 : memref<1x25x80xi32, #tpu.memory_space<vmem>> -> memref<25x80xi32, #tpu.memory_space<vmem>>
        %dma_start3A_161 = arith.constant 0 : i32
        %dma_start3A_162 = tpu.memref_slice %arg2[%add3A, %mul3A_154, %dma_start3A_161] : memref<32x125x80xi32, #tpu.memory_space<hbm>> -> memref<1x25x80xi32, #tpu.memory_space<hbm>>
        %dma_start3A_163 = tpu.memref_squeeze %dma_start3A_162 : memref<1x25x80xi32, #tpu.memory_space<hbm>> -> memref<25x80xi32, #tpu.memory_space<hbm>>
        %dma_start3A_164 = arith.constant 0 : i32
        %dma_start3A_165 = arith.constant 0 : i32
        %dma_start3A_166 = tpu.memref_slice %arg8[%sub3A_156, %dma_start3A_164, %dma_start3A_165] : memref<2x25x80xi32, #tpu.memory_space<vmem>> -> memref<1x25x80xi32, #tpu.memory_space<vmem>>
        %dma_start3A_167 = tpu.memref_squeeze %dma_start3A_166 : memref<1x25x80xi32, #tpu.memory_space<vmem>> -> memref<25x80xi32, #tpu.memory_space<vmem>>
        %dma_start3A_168 = arith.constant 0 : i32
        %dma_start3A_169 = tpu.memref_slice %arg2[%add3A, %mul3A_154, %dma_start3A_168] : memref<32x125x80xi32, #tpu.memory_space<hbm>> -> memref<1x25x80xi32, #tpu.memory_space<hbm>>
        %dma_start3A_170 = tpu.memref_squeeze %dma_start3A_169 : memref<1x25x80xi32, #tpu.memory_space<hbm>> -> memref<25x80xi32, #tpu.memory_space<hbm>>
        tpu.enqueue_dma source(%dma_start3A_170 : memref<25x80xi32, #tpu.memory_space<hbm>>) target(%dma_start3A_167 : memref<25x80xi32, #tpu.memory_space<vmem>>) target_semaphore(%arg14 : memref<!tpu.dma_semaphore, #tpu.memory_space<semaphore_mem>>)
        %add3A_171 = arith.constant 1 : i32
        %add3A_172 = arith.addi %div3A_120, %add3A_171 : i32
        %mul3A_173 = arith.constant 25 : i32
        %mul3A_174 = arith.muli %add3A_172, %mul3A_173 : i32
        %sub3A_175 = arith.constant 1 : i32
        %sub3A_176 = arith.subi %sub3A_175, %rem3A_124 : i32
        %dma_start3A_177 = arith.constant 0 : i32
        %dma_start3A_178 = arith.constant 0 : i32
        %dma_start3A_179 = tpu.memref_slice %arg9[%sub3A_176, %dma_start3A_177, %dma_start3A_178] : memref<2x25x80xi32, #tpu.memory_space<vmem>> -> memref<1x25x80xi32, #tpu.memory_space<vmem>>
        %dma_start3A_180 = tpu.memref_squeeze %dma_start3A_179 : memref<1x25x80xi32, #tpu.memory_space<vmem>> -> memref<25x80xi32, #tpu.memory_space<vmem>>
        %dma_start3A_181 = arith.constant 0 : i32
        %dma_start3A_182 = tpu.memref_slice %arg3[%add3A, %mul3A_174, %dma_start3A_181] : memref<32x125x80xi32, #tpu.memory_space<hbm>> -> memref<1x25x80xi32, #tpu.memory_space<hbm>>
        %dma_start3A_183 = tpu.memref_squeeze %dma_start3A_182 : memref<1x25x80xi32, #tpu.memory_space<hbm>> -> memref<25x80xi32, #tpu.memory_space<hbm>>
        %dma_start3A_184 = arith.constant 0 : i32
        %dma_start3A_185 = arith.constant 0 : i32
        %dma_start3A_186 = tpu.memref_slice %arg9[%sub3A_176, %dma_start3A_184, %dma_start3A_185] : memref<2x25x80xi32, #tpu.memory_space<vmem>> -> memref<1x25x80xi32, #tpu.memory_space<vmem>>
        %dma_start3A_187 = tpu.memref_squeeze %dma_start3A_186 : memref<1x25x80xi32, #tpu.memory_space<vmem>> -> memref<25x80xi32, #tpu.memory_space<vmem>>
        %dma_start3A_188 = arith.constant 0 : i32
        %dma_start3A_189 = tpu.memref_slice %arg3[%add3A, %mul3A_174, %dma_start3A_188] : memref<32x125x80xi32, #tpu.memory_space<hbm>> -> memref<1x25x80xi32, #tpu.memory_space<hbm>>
        %dma_start3A_190 = tpu.memref_squeeze %dma_start3A_189 : memref<1x25x80xi32, #tpu.memory_space<hbm>> -> memref<25x80xi32, #tpu.memory_space<hbm>>
        tpu.enqueue_dma source(%dma_start3A_190 : memref<25x80xi32, #tpu.memory_space<hbm>>) target(%dma_start3A_187 : memref<25x80xi32, #tpu.memory_space<vmem>>) target_semaphore(%arg14 : memref<!tpu.dma_semaphore, #tpu.memory_space<semaphore_mem>>)
      } else {
      }
    }
    %scan3A_83 = arith.constant 125 : i32
    %barrier3A_84 = arith.constant 0 : index
    tpu.barrier barrier_id(%barrier3A_84)
    %mul3A_85 = arith.constant 640 : i32
    %mul3A_86 = arith.muli %arg1, %mul3A_85 : i32
    %mul3A_87 = arith.constant 640 : i32
    %mul3A_88 = arith.muli %arg1, %mul3A_87 : i32
    %dma_start3A_89 = arith.constant 0 : i32
    %dma_start3A_90 = tpu.memref_slice %arg6[%arg0, %mul3A_88, %dma_start3A_89] : memref<2x10240x128xf32, #tpu.memory_space<hbm>> -> memref<1x640x128xf32, #tpu.memory_space<hbm>>
    %dma_start3A_91 = tpu.memref_squeeze %dma_start3A_90 : memref<1x640x128xf32, #tpu.memory_space<hbm>> -> memref<640x128xf32, #tpu.memory_space<hbm>>
    %dma_start3A_92 = arith.constant 0 : i32
    %dma_start3A_93 = tpu.memref_slice %arg12[%mul3A_86, %dma_start3A_92] : memref<10240x128xf32, #tpu.memory_space<vmem_shared>> -> memref<640x128xf32, #tpu.memory_space<vmem_shared>>
    tpu.enqueue_dma source(%dma_start3A_93 : memref<640x128xf32, #tpu.memory_space<vmem_shared>>) target(%dma_start3A_91 : memref<640x128xf32, #tpu.memory_space<hbm>>) target_semaphore(%arg15 : memref<!tpu.dma_semaphore, #tpu.memory_space<semaphore_mem>>)
    %convert_element_type3A_94 = arith.extui %eq3A_44 : i1 to i32
    %cond3A_95 = arith.constant 0 : i32
    %cond3A_96 = arith.cmpi ne, %convert_element_type3A_94, %cond3A_95 : i32
    scf.if %cond3A_96 {
      %mul3A_105 = arith.constant 640 : i32
      %mul3A_106 = arith.muli %arg1, %mul3A_105 : i32
      %mul3A_107 = arith.constant 640 : i32
      %mul3A_108 = arith.muli %arg1, %mul3A_107 : i32
      %dma_start3A_109 = arith.constant 0 : i32
      %dma_start3A_110 = tpu.memref_slice %arg7[%arg0, %mul3A_108, %dma_start3A_109] : memref<2x10240x16xf32, #tpu.memory_space<hbm>> -> memref<1x640x16xf32, #tpu.memory_space<hbm>>
      %dma_start3A_111 = tpu.memref_squeeze %dma_start3A_110 : memref<1x640x16xf32, #tpu.memory_space<hbm>> -> memref<640x16xf32, #tpu.memory_space<hbm>>
      %dma_start3A_112 = arith.constant 0 : i32
      %dma_start3A_113 = tpu.memref_slice %arg19[%mul3A_106, %dma_start3A_112] : memref<10240x16xf32, #tpu.memory_space<vmem_shared>> -> memref<640x16xf32, #tpu.memory_space<vmem_shared>>
      tpu.enqueue_dma source(%dma_start3A_113 : memref<640x16xf32, #tpu.memory_space<vmem_shared>>) target(%dma_start3A_111 : memref<640x16xf32, #tpu.memory_space<hbm>>) target_semaphore(%arg15 : memref<!tpu.dma_semaphore, #tpu.memory_space<semaphore_mem>>)
      %mul3A_114 = arith.constant 640 : i32
      %mul3A_115 = arith.muli %arg1, %mul3A_114 : i32
      %mul3A_116 = arith.constant 640 : i32
      %mul3A_117 = arith.muli %arg1, %mul3A_116 : i32
      %dma_wait3A_118 = arith.constant 0 : i32
      %dma_wait3A_119 = tpu.memref_slice %arg7[%arg0, %mul3A_117, %dma_wait3A_118] : memref<2x10240x16xf32, #tpu.memory_space<hbm>> -> memref<1x640x16xf32, #tpu.memory_space<hbm>>
      %dma_wait3A_120 = tpu.memref_squeeze %dma_wait3A_119 : memref<1x640x16xf32, #tpu.memory_space<hbm>> -> memref<640x16xf32, #tpu.memory_space<hbm>>
      %dma_wait3A_121 = arith.constant 0 : i32
      %dma_wait3A_122 = tpu.memref_slice %arg19[%mul3A_115, %dma_wait3A_121] : memref<10240x16xf32, #tpu.memory_space<vmem_shared>> -> memref<640x16xf32, #tpu.memory_space<vmem_shared>>
      tpu.wait_dma2 semaphore(%arg15 : memref<!tpu.dma_semaphore, #tpu.memory_space<semaphore_mem>>) src(%dma_wait3A_122 : memref<640x16xf32, #tpu.memory_space<vmem_shared>>) dst(%dma_wait3A_120 : memref<640x16xf32, #tpu.memory_space<hbm>>)
    } else {
    }
    %mul3A_97 = arith.constant 640 : i32
    %mul3A_98 = arith.muli %arg1, %mul3A_97 : i32
    %mul3A_99 = arith.constant 640 : i32
    %mul3A_100 = arith.muli %arg1, %mul3A_99 : i32
    %dma_wait3A = arith.constant 0 : i32
    %dma_wait3A_101 = tpu.memref_slice %arg6[%arg0, %mul3A_100, %dma_wait3A] : memref<2x10240x128xf32, #tpu.memory_space<hbm>> -> memref<1x640x128xf32, #tpu.memory_space<hbm>>
    %dma_wait3A_102 = tpu.memref_squeeze %dma_wait3A_101 : memref<1x640x128xf32, #tpu.memory_space<hbm>> -> memref<640x128xf32, #tpu.memory_space<hbm>>
    %dma_wait3A_103 = arith.constant 0 : i32
    %dma_wait3A_104 = tpu.memref_slice %arg12[%mul3A_98, %dma_wait3A_103] : memref<10240x128xf32, #tpu.memory_space<vmem_shared>> -> memref<640x128xf32, #tpu.memory_space<vmem_shared>>
    tpu.wait_dma2 semaphore(%arg15 : memref<!tpu.dma_semaphore, #tpu.memory_space<semaphore_mem>>) src(%dma_wait3A_104 : memref<640x128xf32, #tpu.memory_space<vmem_shared>>) dst(%dma_wait3A_102 : memref<640x128xf32, #tpu.memory_space<hbm>>)
    return
  }
}

module attributes {stable_mosaic.version = 14 : i64} {
  func.func @wrapped(%arg0: i32, %arg1: memref<2x2000x128xf32, #tpu.memory_space<vmem>>, %arg2: memref<2x2000x16xf32, #tpu.memory_space<vmem>>, %arg3: memref<2000x128xf32, #tpu.memory_space<vmem>>, %arg4: memref<128x128xf32, #tpu.memory_space<vmem>>, %arg5: memref<1x128xf32, #tpu.memory_space<vmem>>, %arg6: memref<128x128xf32, #tpu.memory_space<vmem>>, %arg7: memref<2000x128xf32, #tpu.memory_space<vmem>>) attributes {dimension_semantics = [#tpu.dimension_semantics<arbitrary>], iteration_bounds = array<i64: 5>, scalar_prefetch = 0 : i64, scratch_operands = 0 : i64, tpu.core_type = #tpu.core_type<tc>, window_params = [{transform_indices = @transform_0, window_bounds = array<i64: 2, 2000, 128>}, {transform_indices = @transform_1, window_bounds = array<i64: 2, 2000, 16>}, {transform_indices = @transform_2, window_bounds = array<i64: 2000, 128>}, {pipeline_mode = #tpu.pipeline_mode<synchronous>, transform_indices = @transform_3, window_bounds = array<i64: 128, 128>}, {pipeline_mode = #tpu.pipeline_mode<synchronous>, transform_indices = @transform_4, window_bounds = array<i64: 1, 128>}, {pipeline_mode = #tpu.pipeline_mode<synchronous>, transform_indices = @transform_5, window_bounds = array<i64: 128, 128>}, {transform_indices = @transform_6, window_bounds = array<i64: 2000, 128>}]} {
    %get3A = arith.constant 0 : index
    %get3A_0 = arith.constant 0 : index
    %get3A_1 = arith.constant 0 : index
    %get3A_2 = vector.load %arg1[%get3A, %get3A_0, %get3A_1] : memref<2x2000x128xf32, #tpu.memory_space<vmem>>, vector<1x2000x128xf32>
    %get3A_3 = vector.shape_cast %get3A_2 : vector<1x2000x128xf32> to vector<2000x128xf32>
    %get3A_4 = arith.constant 1 : index
    %get3A_5 = arith.constant 0 : index
    %get3A_6 = arith.constant 0 : index
    %get3A_7 = vector.load %arg1[%get3A_4, %get3A_5, %get3A_6] : memref<2x2000x128xf32, #tpu.memory_space<vmem>>, vector<1x2000x128xf32>
    %get3A_8 = vector.shape_cast %get3A_7 : vector<1x2000x128xf32> to vector<2000x128xf32>
    %add3A = arith.addf %get3A_3, %get3A_8 : vector<2000x128xf32>
    %get3A_9 = arith.constant 0 : index
    %get3A_10 = arith.constant 0 : index
    %get3A_11 = arith.constant 0 : index
    %get3A_12 = vector.load %arg2[%get3A_9, %get3A_10, %get3A_11] : memref<2x2000x16xf32, #tpu.memory_space<vmem>>, vector<1x2000x16xf32>
    %get3A_13 = vector.shape_cast %get3A_12 : vector<1x2000x16xf32> to vector<2000x16xf32>
    %get3A_14 = arith.constant 1 : index
    %get3A_15 = arith.constant 0 : index
    %get3A_16 = arith.constant 0 : index
    %get3A_17 = vector.load %arg2[%get3A_14, %get3A_15, %get3A_16] : memref<2x2000x16xf32, #tpu.memory_space<vmem>>, vector<1x2000x16xf32>
    %get3A_18 = vector.shape_cast %get3A_17 : vector<1x2000x16xf32> to vector<2000x16xf32>
    %add3A_19 = arith.addf %get3A_13, %get3A_18 : vector<2000x16xf32>
    %slice3A = vector.extract_strided_slice %add3A_19 {offsets = [0, 0], sizes = [2000, 1], strides = [1, 1]} : vector<2000x16xf32> to vector<2000x1xf32>
    %max3A = arith.constant 1.000000e+00 : f32
    %max3A_20 = vector.broadcast %max3A : f32 to vector<2000x1xf32>
    %max3A_21 = arith.maximumf %slice3A, %max3A_20 : vector<2000x1xf32>
    %div3A = vector.broadcast %max3A_21 : vector<2000x1xf32> to vector<2000x128xf32>
    %div3A_22 = arith.divf %add3A, %div3A : vector<2000x128xf32>
    %get3A_23 = arith.constant 0 : index
    %get3A_24 = arith.constant 0 : index
    %get3A_25 = vector.load %arg4[%get3A_23, %get3A_24] : memref<128x128xf32, #tpu.memory_space<vmem>>, vector<128x128xf32>
    %dot_general3A = arith.constant dense<0.000000e+00> : vector<2000x128xf32>
    %dot_general3A_26 = tpu.matmul %div3A_22, %get3A_25, %dot_general3A {dimension_numbers = #tpu.dot_dimension_numbers<[1], [1], [0], [0], [0, 0, 1, 0], [], []>, transpose_lhs_hint = false} : vector<2000x128xf32>, vector<128x128xf32>, vector<2000x128xf32> -> vector<2000x128xf32>
    %get3A_27 = arith.constant 0 : index
    %get3A_28 = arith.constant 0 : index
    %get3A_29 = vector.load %arg3[%get3A_27, %get3A_28] : memref<2000x128xf32, #tpu.memory_space<vmem>>, vector<2000x128xf32>
    %get3A_30 = arith.constant 0 : index
    %get3A_31 = arith.constant 0 : index
    %get3A_32 = vector.load %arg6[%get3A_30, %get3A_31] : memref<128x128xf32, #tpu.memory_space<vmem>>, vector<128x128xf32>
    %dot_general3A_33 = arith.constant dense<0.000000e+00> : vector<2000x128xf32>
    %dot_general3A_34 = tpu.matmul %get3A_29, %get3A_32, %dot_general3A_33 {dimension_numbers = #tpu.dot_dimension_numbers<[1], [1], [0], [0], [0, 0, 1, 0], [], []>, transpose_lhs_hint = false} : vector<2000x128xf32>, vector<128x128xf32>, vector<2000x128xf32> -> vector<2000x128xf32>
    %add3A_35 = arith.addf %dot_general3A_26, %dot_general3A_34 : vector<2000x128xf32>
    %get3A_36 = arith.constant 0 : index
    %get3A_37 = arith.constant 0 : index
    %get3A_38 = vector.load %arg5[%get3A_36, %get3A_37] : memref<1x128xf32, #tpu.memory_space<vmem>>, vector<1x128xf32>
    %add3A_39 = vector.broadcast %get3A_38 : vector<1x128xf32> to vector<2000x128xf32>
    %add3A_40 = arith.addf %add3A_35, %add3A_39 : vector<2000x128xf32>
    %max3A_41 = arith.constant 0.000000e+00 : f32
    %max3A_42 = vector.broadcast %max3A_41 : f32 to vector<2000x128xf32>
    %max3A_43 = arith.maximumf %add3A_40, %max3A_42 : vector<2000x128xf32>
    %swap3A = arith.constant 0 : index
    %swap3A_44 = arith.constant 0 : index
    %swap3A_45 = vector.load %arg7[%swap3A, %swap3A_44] : memref<2000x128xf32, #tpu.memory_space<vmem>>, vector<2000x128xf32>
    tpu.vector_store %arg7[%swap3A, %swap3A_44], %max3A_43 {strides = array<i32>} : memref<2000x128xf32, #tpu.memory_space<vmem>>, vector<2000x128xf32>,
    return
  }
  func.func @transform_0(%arg0: i32) -> (i32, i32, i32) {
    %c0_i32 = arith.constant 0 : i32
    %c0_i32_0 = arith.constant 0 : i32
    %c0_i32_1 = arith.constant 0 : i32
    return %c0_i32, %arg0, %c0_i32_0 : i32, i32, i32
  }
  func.func @transform_1(%arg0: i32) -> (i32, i32, i32) {
    %c0_i32 = arith.constant 0 : i32
    %c0_i32_0 = arith.constant 0 : i32
    %c0_i32_1 = arith.constant 0 : i32
    return %c0_i32, %arg0, %c0_i32_0 : i32, i32, i32
  }
  func.func @transform_2(%arg0: i32) -> (i32, i32) {
    %c0_i32 = arith.constant 0 : i32
    %c0_i32_0 = arith.constant 0 : i32
    return %arg0, %c0_i32 : i32, i32
  }
  func.func @transform_3(%arg0: i32) -> (i32, i32) {
    %c0_i32 = arith.constant 0 : i32
    %c0_i32_0 = arith.constant 0 : i32
    %c0_i32_1 = arith.constant 0 : i32
    return %c0_i32, %c0_i32_0 : i32, i32
  }
  func.func @transform_4(%arg0: i32) -> (i32, i32) {
    %c0_i32 = arith.constant 0 : i32
    %c0_i32_0 = arith.constant 0 : i32
    %c0_i32_1 = arith.constant 0 : i32
    return %c0_i32, %c0_i32_0 : i32, i32
  }
  func.func @transform_5(%arg0: i32) -> (i32, i32) {
    %c0_i32 = arith.constant 0 : i32
    %c0_i32_0 = arith.constant 0 : i32
    %c0_i32_1 = arith.constant 0 : i32
    return %c0_i32, %c0_i32_0 : i32, i32
  }
  func.func @transform_6(%arg0: i32) -> (i32, i32) {
    %c0_i32 = arith.constant 0 : i32
    %c0_i32_0 = arith.constant 0 : i32
    return %arg0, %c0_i32 : i32, i32
  }
}

module attributes {stable_mosaic.version = 14 : i64} {
  func.func @wrapped(%arg0: i32, %arg1: memref<2x2000x128xf32, #tpu.memory_space<vmem>>, %arg2: memref<2x2000x16xf32, #tpu.memory_space<vmem>>, %arg3: memref<2000x128xf32, #tpu.memory_space<vmem>>, %arg4: memref<128x128xf32, #tpu.memory_space<vmem>>, %arg5: memref<1x128xf32, #tpu.memory_space<vmem>>, %arg6: memref<128x128xf32, #tpu.memory_space<vmem>>, %arg7: memref<2000x128xf32, #tpu.memory_space<vmem>>) attributes {dimension_semantics = [#tpu.dimension_semantics<arbitrary>], iteration_bounds = array<i64: 5>, scalar_prefetch = 0 : i64, scratch_operands = 0 : i64, tpu.core_type = #tpu.core_type<tc>, window_params = [{transform_indices = @transform_0, window_bounds = array<i64: 2, 2000, 128>}, {transform_indices = @transform_1, window_bounds = array<i64: 2, 2000, 16>}, {transform_indices = @transform_2, window_bounds = array<i64: 2000, 128>}, {pipeline_mode = #tpu.pipeline_mode<synchronous>, transform_indices = @transform_3, window_bounds = array<i64: 128, 128>}, {pipeline_mode = #tpu.pipeline_mode<synchronous>, transform_indices = @transform_4, window_bounds = array<i64: 1, 128>}, {pipeline_mode = #tpu.pipeline_mode<synchronous>, transform_indices = @transform_5, window_bounds = array<i64: 128, 128>}, {transform_indices = @transform_6, window_bounds = array<i64: 2000, 128>}]} {
    %get3A = arith.constant 0 : index
    %get3A_0 = arith.constant 0 : index
    %get3A_1 = arith.constant 0 : index
    %get3A_2 = vector.load %arg1[%get3A, %get3A_0, %get3A_1] : memref<2x2000x128xf32, #tpu.memory_space<vmem>>, vector<1x2000x128xf32>
    %get3A_3 = vector.shape_cast %get3A_2 : vector<1x2000x128xf32> to vector<2000x128xf32>
    %get3A_4 = arith.constant 1 : index
    %get3A_5 = arith.constant 0 : index
    %get3A_6 = arith.constant 0 : index
    %get3A_7 = vector.load %arg1[%get3A_4, %get3A_5, %get3A_6] : memref<2x2000x128xf32, #tpu.memory_space<vmem>>, vector<1x2000x128xf32>
    %get3A_8 = vector.shape_cast %get3A_7 : vector<1x2000x128xf32> to vector<2000x128xf32>
    %add3A = arith.addf %get3A_3, %get3A_8 : vector<2000x128xf32>
    %get3A_9 = arith.constant 0 : index
    %get3A_10 = arith.constant 0 : index
    %get3A_11 = arith.constant 0 : index
    %get3A_12 = vector.load %arg2[%get3A_9, %get3A_10, %get3A_11] : memref<2x2000x16xf32, #tpu.memory_space<vmem>>, vector<1x2000x16xf32>
    %get3A_13 = vector.shape_cast %get3A_12 : vector<1x2000x16xf32> to vector<2000x16xf32>
    %get3A_14 = arith.constant 1 : index
    %get3A_15 = arith.constant 0 : index
    %get3A_16 = arith.constant 0 : index
    %get3A_17 = vector.load %arg2[%get3A_14, %get3A_15, %get3A_16] : memref<2x2000x16xf32, #tpu.memory_space<vmem>>, vector<1x2000x16xf32>
    %get3A_18 = vector.shape_cast %get3A_17 : vector<1x2000x16xf32> to vector<2000x16xf32>
    %add3A_19 = arith.addf %get3A_13, %get3A_18 : vector<2000x16xf32>
    %slice3A = vector.extract_strided_slice %add3A_19 {offsets = [0, 0], sizes = [2000, 1], strides = [1, 1]} : vector<2000x16xf32> to vector<2000x1xf32>
    %max3A = arith.constant 1.000000e+00 : f32
    %max3A_20 = vector.broadcast %max3A : f32 to vector<2000x1xf32>
    %max3A_21 = arith.maximumf %slice3A, %max3A_20 : vector<2000x1xf32>
    %div3A = vector.broadcast %max3A_21 : vector<2000x1xf32> to vector<2000x128xf32>
    %div3A_22 = arith.divf %add3A, %div3A : vector<2000x128xf32>
    %get3A_23 = arith.constant 0 : index
    %get3A_24 = arith.constant 0 : index
    %get3A_25 = vector.load %arg4[%get3A_23, %get3A_24] : memref<128x128xf32, #tpu.memory_space<vmem>>, vector<128x128xf32>
    %dot_general3A = arith.constant dense<0.000000e+00> : vector<2000x128xf32>
    %dot_general3A_26 = tpu.matmul %div3A_22, %get3A_25, %dot_general3A {dimension_numbers = #tpu.dot_dimension_numbers<[1], [1], [0], [0], [0, 0, 1, 0], [], []>, transpose_lhs_hint = false} : vector<2000x128xf32>, vector<128x128xf32>, vector<2000x128xf32> -> vector<2000x128xf32>
    %get3A_27 = arith.constant 0 : index
    %get3A_28 = arith.constant 0 : index
    %get3A_29 = vector.load %arg3[%get3A_27, %get3A_28] : memref<2000x128xf32, #tpu.memory_space<vmem>>, vector<2000x128xf32>
    %get3A_30 = arith.constant 0 : index
    %get3A_31 = arith.constant 0 : index
    %get3A_32 = vector.load %arg6[%get3A_30, %get3A_31] : memref<128x128xf32, #tpu.memory_space<vmem>>, vector<128x128xf32>
    %dot_general3A_33 = arith.constant dense<0.000000e+00> : vector<2000x128xf32>
    %dot_general3A_34 = tpu.matmul %get3A_29, %get3A_32, %dot_general3A_33 {dimension_numbers = #tpu.dot_dimension_numbers<[1], [1], [0], [0], [0, 0, 1, 0], [], []>, transpose_lhs_hint = false} : vector<2000x128xf32>, vector<128x128xf32>, vector<2000x128xf32> -> vector<2000x128xf32>
    %add3A_35 = arith.addf %dot_general3A_26, %dot_general3A_34 : vector<2000x128xf32>
    %get3A_36 = arith.constant 0 : index
    %get3A_37 = arith.constant 0 : index
    %get3A_38 = vector.load %arg5[%get3A_36, %get3A_37] : memref<1x128xf32, #tpu.memory_space<vmem>>, vector<1x128xf32>
    %add3A_39 = vector.broadcast %get3A_38 : vector<1x128xf32> to vector<2000x128xf32>
    %add3A_40 = arith.addf %add3A_35, %add3A_39 : vector<2000x128xf32>
    %reduce_max3A = arith.constant dense<0xFF800000> : vector<2000xf32>
    %reduce_max3A_41 = vector.multi_reduction <maximumf>, %add3A_40, %reduce_max3A [1] : vector<2000x128xf32> to vector<2000xf32>
    %broadcast_in_dim3A = vector.shape_cast %reduce_max3A_41 : vector<2000xf32> to vector<2000x1xf32>
    %sub3A = vector.broadcast %broadcast_in_dim3A : vector<2000x1xf32> to vector<2000x128xf32>
    %sub3A_42 = arith.subf %add3A_40, %sub3A : vector<2000x128xf32>
    %exp3A = math.exp %sub3A_42 : vector<2000x128xf32>
    %reduce_sum3A = arith.constant dense<0.000000e+00> : vector<2000xf32>
    %reduce_sum3A_43 = vector.multi_reduction <add>, %exp3A, %reduce_sum3A [1] : vector<2000x128xf32> to vector<2000xf32>
    %broadcast_in_dim3A_44 = vector.shape_cast %reduce_sum3A_43 : vector<2000xf32> to vector<2000x1xf32>
    %log3A = math.log %broadcast_in_dim3A_44 : vector<2000x1xf32>
    %add3A_45 = arith.addf %log3A, %broadcast_in_dim3A : vector<2000x1xf32>
    %sub3A_46 = vector.broadcast %add3A_45 : vector<2000x1xf32> to vector<2000x128xf32>
    %sub3A_47 = arith.subf %add3A_40, %sub3A_46 : vector<2000x128xf32>
    %swap3A = arith.constant 0 : index
    %swap3A_48 = arith.constant 0 : index
    %swap3A_49 = vector.load %arg7[%swap3A, %swap3A_48] : memref<2000x128xf32, #tpu.memory_space<vmem>>, vector<2000x128xf32>
    tpu.vector_store %arg7[%swap3A, %swap3A_48], %sub3A_47 {strides = array<i32>} : memref<2000x128xf32, #tpu.memory_space<vmem>>, vector<2000x128xf32>,
    return
  }
  func.func @transform_0(%arg0: i32) -> (i32, i32, i32) {
    %c0_i32 = arith.constant 0 : i32
    %c0_i32_0 = arith.constant 0 : i32
    %c0_i32_1 = arith.constant 0 : i32
    return %c0_i32, %arg0, %c0_i32_0 : i32, i32, i32
  }
  func.func @transform_1(%arg0: i32) -> (i32, i32, i32) {
    %c0_i32 = arith.constant 0 : i32
    %c0_i32_0 = arith.constant 0 : i32
    %c0_i32_1 = arith.constant 0 : i32
    return %c0_i32, %arg0, %c0_i32_0 : i32, i32, i32
  }
  func.func @transform_2(%arg0: i32) -> (i32, i32) {
    %c0_i32 = arith.constant 0 : i32
    %c0_i32_0 = arith.constant 0 : i32
    return %arg0, %c0_i32 : i32, i32
  }
  func.func @transform_3(%arg0: i32) -> (i32, i32) {
    %c0_i32 = arith.constant 0 : i32
    %c0_i32_0 = arith.constant 0 : i32
    %c0_i32_1 = arith.constant 0 : i32
    return %c0_i32, %c0_i32_0 : i32, i32
  }
  func.func @transform_4(%arg0: i32) -> (i32, i32) {
    %c0_i32 = arith.constant 0 : i32
    %c0_i32_0 = arith.constant 0 : i32
    %c0_i32_1 = arith.constant 0 : i32
    return %c0_i32, %c0_i32_0 : i32, i32
  }
  func.func @transform_5(%arg0: i32) -> (i32, i32) {
    %c0_i32 = arith.constant 0 : i32
    %c0_i32_0 = arith.constant 0 : i32
    %c0_i32_1 = arith.constant 0 : i32
    return %c0_i32, %c0_i32_0 : i32, i32
  }
  func.func @transform_6(%arg0: i32) -> (i32, i32) {
    %c0_i32 = arith.constant 0 : i32
    %c0_i32_0 = arith.constant 0 : i32
    return %arg0, %c0_i32 : i32, i32
  }
}

</mosaic_0001>

<sc_bundles>
// kernel: kernel.6.cloned.1.call-start
scs
__scs_entry_jumppad:
0x0: {  	(pc) =	sbr.rel $0x88, $3  }
0x1: {  	(tag) =	ssettag $0x0;
	lr =	simm.s32 $0x1  }
0x2: {  	[smem:$0x3F99] =	sst lr;
	_ =	strace $0xD0000000  }
0x3: {  	_ = 	snop  }
0x4: {  	_ = 	snop  }
0x5: {  	_ = 	snop  }
0x6: {  	_ = 	snop  }
0x7: {  	_ = 	snop  }
__scs_overlays_trampoline_lowered:
0x8: {  	[smem:$0x3FA8] =	sst s0  }
0x9: {  	[smem:$0x3FA9] =	sst s1  }
0xa: {  	[smem:$0x3FAA] =	sst s2  }
0xb: {  	[smem:$0x3FAB] =	sst s3  }
0xc: {  	[smem:$0x3FAC] =	sst s4  }
0xd: {  	[smem:$0x3FAD] =	sst s5  }
0xe: {  	[smem:$0x3FAE] =	sst s6  }
0xf: {  	[smem:$0x3FAF] =	sst s7  }
0x10: {  	[smem:$0x3FB0] =	sst s8  }
0x11: {  	[smem:$0x3FB1] =	sst s9;
	s0 =	simm.s32 @!p0 $0x0  }
0x12: {  	s1 =	sld [smem:$0x3F97];
	s0 =	simm.s32 @p0 $0x1  }
0x13: {  	[smem:$0x3FB2] =	sst s0;
	s0 =	simm.s32 @!p1 $0x0  }
0x14: {  	s2 =	sld [smem:$0x3F96];
	s0 =	simm.s32 @p1 $0x1  }
0x15: {  	[smem:$0x3FB3] =	sst s0;
	s0 =	simm.s32 @!p2 $0x0  }
0x16: {  	s3 =	sld [smem:$0x3FDB];
	s0 =	simm.s32 @p2 $0x1  }
0x17: {  	s4 =	simm.s32 $0x1BF5;
	[smem:$0x3FB5] =	sst s0  }
0x18: {  	s0 =	sld [smem:$0x3F98];
	_ =	swait.ge [sflag:s4], $0x0  }
0x19: {  	s7 =	sld [smem:$0x3F99]  }
0x1a: {  	s8 =	sadd.s32 $0xFFFFE003, lr  }
0x1b: {  	s9 =	sadd.s32 $0xFFFFFEF7, lr;
	s5 =	simm.s32 $0xFFFFFFFF;
	p2 =	slt.u32 s8, $0xFFFFF086  }
0x1c: {  	p1 =	slt.u32 s9, $0xF7A;
	s5 =	simm.s32 @!p2 $0x0  }
0x1d: {  	s5 =	simm.s32 @p1 $0x1;
	p0 =	seq.s32 s7, s2  }
0x1e: {  	s7 =	smul.u32 @!p0 $0xF7A, s2;
	p2 =	seq.s32 @!p0 s5, $0x0  }
0x1f: {  	s9 =	smul.u32 $0xF7A, s1;
	s8 =	simm.s32 @!p0 $0x1BF5;
	p2 =	por !p2, p0  }
0x20: {  	[sflag:s8] =	ssyncset.s32 @!p0 $0xFFFFF086;
	s6 =	sadd.s32 @!p0 s3, s7;
	s7 =	simm.s32 @!p0 $0x108  }
0x21: {  	s3 =	sadd.s32 s3, s9;
	s6 =	sadd.s32 @!p0 $0x88, s6;
	s7 =	simm.s32 @p2 $0x1082  }
0x22: {  	[simem:s7], [sflag:s8] =	dma.local @!p0 [hbm:s6], $0xF7A  }
0x23: {  	s9 =	sor.u32 $0xD0000000, s2;
	s6 =	simm.s32 $0x108;
	_ =	swait.ge @!p0 [sflag:s8], $0x0  }
0x24: {  	s3 =	sadd.s32 $0x88, s3;
	s6 =	simm.s32 @!p1 $0x1082;
	[sflag:s4] =	ssyncset.s32 $0xFFFFF086  }
0x25: {  	[simem:s6], [sflag:s4] =	dma.local [hbm:s3], $0xF7A  }
0x26: {  	[smem:$0x3F99] =	sst s1;
	(tag) =	ssettag s2;
	_ =	strace s9  }
0x27: {  	s1 =	sld [smem:$0x3FA9]  }
0x28: {  	s2 =	sld [smem:$0x3FAA]  }
0x29: {  	s4 =	sld [smem:$0x3FAC]  }
0x2a: {  	p0 =	seq.s32 s5, $0x0;
	s5 =	sld [smem:$0x3FAD]  }
0x2b: {  	s6 =	sld [smem:$0x3FAE]  }
0x2c: {  	s7 =	sld [smem:$0x3FAF]  }
0x2d: {  	s3 =	simm.s32 $0x108;
	s8 =	sld [smem:$0x3FB0]  }
0x2e: {  	s3 =	simm.s32 @!p0 $0x1082;
	s9 =	sld [smem:$0x3FB1]  }
0x2f: {  	lr =	sadd.s32 s0, s3;
	s0 =	sld [smem:$0x3FA8]  }
0x30: {  	s3 =	sld [smem:$0x3FAB]  }
0x31: {  	[smem:$0x3FB4] =	sst s10  }
0x32: {  	s10 =	sld [smem:$0x3FB2];
	_ =	sdelay $0x3  }
0x33: {  	p0 =	seq.s32 s10, $0x1;
	s10 =	sld [smem:$0x3FB4];
	_ =	sdelay $0x3  }
0x34: {  	[smem:$0x3FB4] =	sst s10  }
0x35: {  	s10 =	sld [smem:$0x3FB3];
	_ =	sdelay $0x3  }
0x36: {  	p1 =	seq.s32 s10, $0x1;
	s10 =	sld [smem:$0x3FB4];
	_ =	sdelay $0x3  }
0x37: {  	[smem:$0x3FB4] =	sst s10  }
0x38: {  	s10 =	sld [smem:$0x3FB5]  }
0x39: {  	_ = 	snop;
	(pc) =	sbr.ind lr, $3  }
0x3a: {  	_ = 	snop  }
0x3b: {  	_ = 	snop  }
0x3c: {  	p2 =	seq.s32 s10, $0x1;
	s10 =	sld [smem:$0x3FB4]  }
0x3d: {  	_ =	shalt  }
0x3e: {  	_ =	shalt  }
0x3f: {  	_ =	shalt  }
0x40: {  	_ =	shalt  }
0x41: {  	_ =	shalt  }
0x42: {  	_ =	shalt  }
0x43: {  	_ =	shalt  }
0x44: {  	_ =	shalt  }
0x45: {  	_ =	shalt  }
0x46: {  	_ =	shalt  }
0x47: {  	_ =	shalt  }
0x48: {  	_ =	shalt  }
0x49: {  	_ =	shalt  }
0x4a: {  	_ =	shalt  }
0x4b: {  	_ =	shalt  }
0x4c: {  	_ =	shalt  }
0x4d: {  	_ =	shalt  }
0x4e: {  	_ =	shalt  }
0x4f: {  	_ =	shalt  }
0x50: {  	_ =	shalt  }
0x51: {  	_ =	shalt  }
0x52: {  	_ =	shalt  }
0x53: {  	_ =	shalt  }
0x54: {  	_ =	shalt  }
0x55: {  	_ =	shalt  }
0x56: {  	_ =	shalt  }
0x57: {  	_ =	shalt  }
0x58: {  	_ =	shalt  }
0x59: {  	_ =	shalt  }
0x5a: {  	_ =	shalt  }
0x5b: {  	_ =	shalt  }
0x5c: {  	_ =	shalt  }
0x5d: {  	_ =	shalt  }
0x5e: {  	_ =	shalt  }
0x5f: {  	_ =	shalt  }
0x60: {  	_ =	shalt  }
0x61: {  	_ =	shalt  }
0x62: {  	_ =	shalt  }
0x63: {  	_ =	shalt  }
0x64: {  	_ =	shalt  }
0x65: {  	_ =	shalt  }
0x66: {  	_ =	shalt  }
0x67: {  	_ =	shalt  }
0x68: {  	_ =	shalt  }
0x69: {  	_ =	shalt  }
0x6a: {  	_ =	shalt  }
0x6b: {  	_ =	shalt  }
0x6c: {  	_ =	shalt  }
0x6d: {  	_ =	shalt  }
0x6e: {  	_ =	shalt  }
0x6f: {  	_ =	shalt  }
0x70: {  	_ =	shalt  }
0x71: {  	_ =	shalt  }
0x72: {  	_ =	shalt  }
0x73: {  	_ =	shalt  }
0x74: {  	_ =	shalt  }
0x75: {  	_ =	shalt  }
0x76: {  	_ =	shalt  }
0x77: {  	_ =	shalt  }
0x78: {  	_ =	shalt  }
0x79: {  	_ =	shalt  }
0x7a: {  	_ =	shalt  }
0x7b: {  	_ =	shalt  }
0x7c: {  	_ =	shalt  }
0x7d: {  	_ =	shalt  }
0x7e: {  	_ =	shalt  }
0x7f: {  	_ =	shalt  }
0x80: {  	_ =	shalt  }
0x81: {  	_ =	shalt  }
0x82: {  	_ =	shalt  }
0x83: {  	_ =	shalt  }
0x84: {  	_ =	shalt  }
0x85: {  	_ =	shalt  }
0x86: {  	_ =	shalt  }
0x87: {  	_ =	shalt  }
.Lfunc_end0:
.L_simem_size_0:
called_computation_lowered:
.L_overlay_start_0:
0x88: {  	s2 =	sld [smem:$0x3FD9]  }
0x89: {  	s3 =	sld [smem:$0x3FFE];
	_ =	sdelay $0x1  }
0x8a: {  	s1 =	srdreg.scid  }
0x8b: {  	s0 =	sand.u32 $0x1, s1  }
0x8c: {  	s17 =	sshll.u32 s0, $0xA;
	s2 =	sadd.s32 s3, s2  }
0x8d: {  	s2 =	sadd.s32 s2, s17  }
0x8e: {  	[smem:$0x3FC0] =	sst s2  }
0x8f: {  	_ = 	snop  }
0x90: {  	s2 =	sld [smem:$0x3FC9]  }
0x91: {  	s18 =	sld [smem:$0x3FD0];
	(tm) =	ssettm $0x1  }
0x92: {  	s4 =	sld [smem:$0x3FFB];
	_ =	sdelay $0x3  }
0x93: {  	_ =	strace s4  }
0x94: {  	s4 =	sld [smem:$0x3FFC];
	_ =	sdelay $0x3  }
0x95: {  	_ =	strace s4  }
0x96: {  	s4 =	sld [smem:$0x3FFD];
	_ =	sdelay $0x3  }
0x97: {  	_ =	strace s4  }
0x98: {  	_ =	strace $0x8FFFFFFF  }
0x99: {  	s19 =	sld [smem:$0x3FDB];
	_ =	sdelay $0x1  }
0x9a: {  	s5 =	simm.s32 $_scs_section_size  }
0x9b: {  	s6 =	simm.s32 $_size__tile_overlayer_lowered;
	s7 =	simm.s32 $_tile_overlayer_lowered  }
0x9c: {  	s22 =	simm.s32 $0x1BFF;
	s21 =	sshll.u32 s7, $0x1;
	s4 =	sadd.s32 s5, s19  }
0x9d: {  	s8 =	simm.s32 $0x0;
	s20 =	sshll.u32 s6, $0x1;
	s6 =	sadd.s32 s21, s4  }
0x9e: {  	[timem:s8], [sflag:s22] =	dma.local [hbm:s6], s20  }
0x9f: {  	_ =	swait.ge [sflag:s22], s20  }
0xa0: {  	s5 =	ssub.s32 $0x0, s20;
	[sflag:s22] =	ssyncset.done $0x0  }
0xa1: {  	[sflag:s22] =	ssyncadd.s32 s5;
	_ =	sdelay $0x1  }
0xa2: {  	s23 =	simm.s32 $0x1B8B  }
0xa3: {  	_ =	swait.ge [sflag:s23], $0x1  }
0xa4: {  	[sflag:s23] =	ssyncset.done $0x0  }
0xa5: {  	s25 =	simm.s32 $0x1B8E;
	s24 =	sld [smem:$0x3FFE];
	[sflag:s23] =	ssyncadd.s32 $0xFFFFFFFF  }
0xa6: {  	s26 =	simm.s32 $execute0_lowered;
	[smem:$0x3FD2] =	sst s25  }
0xa7: {  	s6 =	sshll.u32 s26, $0x1;
	_ =	strace $0x80000046;
	[dreg:$0x1] =	wrdreg $0xFFFFFFFF  }
0xa8: {  	s28 =	simm.s32 $_size_execute0_lowered;
	s4 =	sadd.s32 s4, s6;
	[dreg:$0x0] =	wrdreg $0x0  }
0xa9: {  	s6 =	sshll.u32 s28, $0x1;
	[dreg:$0x2] =	wrdreg s4  }
0xaa: {  	[dreg:$0x3] =	wrdreg s6  }
0xab: {  	[dreg:$0x4] =	wrdreg $0xC0  }
0xac: {  	_ =	task [dreg:s8], $0x5FFFF  }
0xad: {  	[dreg:$0x1] =	wrdreg $0xFFFFFFFF  }
0xae: {  	[dreg:$0x0] =	wrdreg $0x60  }
0xaf: {  	[dreg:$0x2] =	wrdreg s24  }
0xb0: {  	[dreg:$0x3] =	wrdreg s2  }
0xb1: {  	[dreg:$0x4] =	wrdreg s18  }
0xb2: {  	[dreg:$0x5] =	wrdreg $0x7F400  }
0xb3: {  	[dreg:$0x6] =	wrdreg $0x1C6500  }
0xb4: {  	[dreg:$0x7] =	wrdreg $0x9  }
0xb5: {  	_ =	task.clear_ibuf [dreg:s8], $0x8FFFF;
	_ =	strace $0x90000046  }
0xb6: {  	s29 =	simm.s32 $0x9;
	_ =	strace $0x80000048  }
0xb7: {  	_ =	swait.ge [sflag:s29], $0x1  }
0xb8: {  	[sflag:s29] =	ssyncadd.s32 $0xFFFFFFFF  }
0xb9: {  	_ =	strace $0x90000048  }
0xba: {  	_ =	sfence  }
0xbb: {  	s30 =	sld [smem:$0x0];
	_ =	sdelay $0x2  }
0xbc: {  	s31 =	sshll.u32 s1, $0xD;
	s1 =	sshrl.u32 s1, $0x2  }
0xbd: {  	s3 =	sand.u32 $0x4000, s31;
	s1 =	sadd.s32 s1, s30  }
0xbe: {  	s0 =	sor.u32 s3, s0;
	s1 =	sshll.u32 s1, $0x11  }
0xbf: {  	s0 =	sor.u32 s1, s0  }
0xc0: {  	s0 =	sadd.s32 $0x8F2B, s0  }
0xc1: {  	[sflag:s0] =	ssyncadd.remote.s32 $0x1  }
0xc2: {  	_ =	sfence.sel $0xFFFF  }
0xc3: {  	[dreg:$0x0] =	wrdreg $0xFFFFFFFF;
	(pc) =	sbr.abs _section_cstart, $3  }
0xc4: {  	[dreg:$0x1] =	wrdreg $0xFFFFFFFF  }
0xc5: {  	_ =	task.clear_ibuf [dreg:s8], $0x2FFFF;
	_ =	strace $0x9FFFFFFF  }
0xc6: {  	(tm) =	ssettm $0x7FFFFFFF  }
0xc7: {  	_ =	shalt  }
tec
execute0_lowered:
.L_overlay_start_1:
0x0: {  	(tag) =	ssettag $0x1  }
0x1: {  	s0 =	rddreg [dreg:$0x0]  }
0x2: {  	s1 =	rddreg [dreg:$0x1]  }
0x3: {  	s4 =	rddreg [dreg:$0x2]  }
0x4: {  	s2 =	rddreg [dreg:$0x3]  }
0x5: {  	s3 =	rddreg [dreg:$0x4];
	s14 =	stileid.u32  }
0x6: {  	s5 =	simm.s32 $0x0;
	s6 =	srdreg.scid;
	s11 =	smul.u32 $0x14000, s14  }
0x7: {  	[smem:$0x7FF] =	sst s5;
	s8 =	sand.u32 $0x1, s6;
	s13 =	smul.u32 $0x50000, s14  }
0x8: {  	s6 =	sadd.s32 $0xC800, s0;
	s7 =	sadd.s32 $0x2A00, s0;
	s15 =	smul.u32 $0xA000, s14  }
0x9: {  	s10 =	sshll.u32 s14, $0x1;
	s12 =	sadd.s32 $0x16600, s0;
	s25 =	smul.u32 $0x2800, s14  }
0xa: {  	s9 =	smul.u32 $0x140000, s8;
	_ =	strace $0x80000047;
	[dreg:$0x6] =	wrdreg s12  }
0xb: {  	s10 =	sor.u32 s8, s10;
	s28 =	sshrl.u32 s13, $0x2;
	s31 =	sadd.s32 s11, s2  }
0xc: {  	s21 =	ssub.s32 $0x2, s8;
	s14 =	sadd.s32 s28, s2;
	s19 =	sshrl.u32 s31, $0x3  }
0xd: {  	s8 =	smul.u32 $0x28000, s8;
	s13 =	sadd.s32 $0x2000, s14;
	[dreg:$0x14] =	wrdreg s19  }
0xe: {  	s10 =	smul.u32 $0x2710, s10;
	s17 =	sadd.s32 $0x4000, s14;
	[dreg:$0x10] =	wrdreg s13  }
0xf: {  	s22 =	sshrl.u32 s21, $0x1;
	s18 =	sadd.s32 $0x5000, s14;
	[dreg:$0x12] =	wrdreg s17  }
0x10: {  	s29 =	sshrl.u32 s15, $0x2;
	s20 =	sadd.s32 $0x6000, s14;
	[dreg:$0x13] =	wrdreg s18  }
0x11: {  	s9 =	sadd.s32 s11, s9;
	s28 =	sadd.s32 $0xD000, s14;
	[dreg:$0x15] =	wrdreg s20  }
0x12: {  	s15 =	sadd.s32 s29, s3;
	s29 =	sadd.s32 $0xE000, s14;
	[dreg:$0x1c] =	wrdreg s28  }
0x13: {  	s8 =	sadd.s32 s25, s8;
	s31 =	sadd.s32 $0x10000, s14;
	[dreg:$0x1d] =	wrdreg s29  }
0x14: {  	s30 =	sshrl.u32 s8, $0x3;
	s8 =	sadd.s32 $0x12000, s14;
	[dreg:$0x1f] =	wrdreg s31  }
0x15: {  	s23 =	sshrl.u32 s10, $0x3;
	s19 =	sadd.s32 $0xE00, s15;
	[smem:$0x7EA] =	sst s8  }
0x16: {  	s9 =	sshrl.u32 s9, $0x3;
	s16 =	sadd.s32 s6, s23;
	[smem:$0x7F2] =	sst s19  }
0x17: {  	s0 =	sadd.s32 s9, s0;
	s12 =	sadd.s32 s7, s23;
	[dreg:$0x7] =	wrdreg s16  }
0x18: {  	s9 =	ssub.s32 s21, s22;
	s21 =	sadd.s32 $0x7000, s14;
	[dreg:$0x8] =	wrdreg s12  }
0x19: {  	s22 =	sadd.s32 $0x8000, s14;
	[dreg:$0x16] =	wrdreg s21  }
0x1a: {  	s23 =	sadd.s32 $0x9000, s14;
	[dreg:$0x17] =	wrdreg s22  }
0x1b: {  	s13 =	sadd.s32 $0x600, s15;
	[dreg:$0x18] =	wrdreg s23  }
0x1c: {  	s17 =	sadd.s32 $0xA00, s15;
	[smem:$0x7EE] =	sst s13  }
0x1d: {  	s18 =	sadd.s32 $0xC00, s15;
	[smem:$0x7F0] =	sst s17  }
0x1e: {  	s20 =	sadd.s32 $0x1000, s15;
	[smem:$0x7F1] =	sst s18  }
0x1f: {  	s28 =	sadd.s32 $0x1E00, s15;
	[smem:$0x7F3] =	sst s20  }
0x20: {  	s10 =	sadd.s32 $0x7D0, s10;
	s29 =	sadd.s32 $0x2000, s15;
	[smem:$0x7FA] =	sst s28  }
0x21: {  	s24 =	sshrl.u32 s10, $0x3;
	s31 =	sadd.s32 $0x2400, s15;
	[smem:$0x7FB] =	sst s29  }
0x22: {  	s26 =	sadd.s32 s6, s24;
	[smem:$0x7FD] =	sst s31  }
0x23: {  	s12 =	sadd.s32 s7, s24;
	[dreg:$0x9] =	wrdreg s26  }
0x24: {  	s0 =	sadd.s32 $0x16800, s0;
	[dreg:$0xa] =	wrdreg s12  }
0x25: {  	s11 =	smax.u32 s9, $0x1;
	[dreg:$0xb] =	wrdreg s0  }
0x26: {  	s16 =	sadd.s32 $0x3000, s14;
	[dreg:$0xe] =	wrdreg s11  }
0x27: {  	s24 =	sadd.s32 $0xA000, s14;
	[dreg:$0x11] =	wrdreg s16  }
0x28: {  	s9 =	sadd.s32 $0x13000, s14;
	[dreg:$0x19] =	wrdreg s24  }
0x29: {  	s21 =	sadd.s32 $0x1200, s15;
	[smem:$0x7EB] =	sst s9  }
0x2a: {  	s22 =	sadd.s32 $0x1400, s15;
	[smem:$0x7F4] =	sst s21  }
0x2b: {  	s23 =	sadd.s32 $0x1600, s15;
	[smem:$0x7F5] =	sst s22  }
0x2c: {  	s0 =	sadd.s32 s4, s30;
	[smem:$0x7F6] =	sst s23  }
0x2d: {  	s4 =	sadd.s32 s25, s3;
	[dreg:$0xc] =	wrdreg s0  }
0x2e: {  	s12 =	sadd.s32 $0x1000, s14;
	[dreg:$0xd] =	wrdreg s4  }
0x2f: {  	s25 =	sadd.s32 $0xB000, s14;
	[dreg:$0xf] =	wrdreg s12  }
0x30: {  	s26 =	sadd.s32 $0xC000, s14;
	[dreg:$0x1a] =	wrdreg s25  }
0x31: {  	s30 =	sadd.s32 $0xF000, s14;
	[dreg:$0x1b] =	wrdreg s26  }
0x32: {  	s11 =	sadd.s32 $0x200, s15;
	[dreg:$0x1e] =	wrdreg s30  }
0x33: {  	s16 =	sadd.s32 $0x800, s15;
	[smem:$0x7EC] =	sst s11  }
0x34: {  	s24 =	sadd.s32 $0x1800, s15;
	[smem:$0x7EF] =	sst s16  }
0x35: {  	s19 =	simm.s32 $0x1;
	s4 =	sadd.s32 $0x11000, s14;
	[smem:$0x7F7] =	sst s24  }
0x36: {  	s13 =	simm.s32 $0x4;
	s12 =	sadd.s32 $0x400, s15;
	[smem:$0x7E9] =	sst s4  }
0x37: {  	s17 =	simm.s32 $0x6F40;
	s25 =	sadd.s32 $0x1A00, s15;
	[smem:$0x7ED] =	sst s12  }
0x38: {  	s18 =	simm.s32 $0x3;
	s26 =	sadd.s32 $0x1C00, s15;
	[smem:$0x7F8] =	sst s25  }
0x39: {  	s20 =	simm.s32 $0x0;
	s30 =	sadd.s32 $0x2200, s15;
	[smem:$0x7F9] =	sst s26  }
0x3a: {  	v0 =	vimm.f32 $0.0e+00;
	v1 =	vimm.f32 $1.000000000e+00;
	s16 =	simm.s32 $0x50;
	[smem:$0x7FC] =	sst s30;
	s12 =	sadd.s32 $0x2600, s15  }
.LBB2_1:
0x3b: {  	s0 =	rddreg [dreg:$0x7]  }
0x3c: {  	[tilespmem:s5], [sflag:$0x4] =	stream.linear.gather [hbm4b:s0+s5], $0x7D0, $0x38;
	[tilespmem:$0x1EE50] =	vst v63  }
0x3d: {  	_ =	swait.ge [sflag:s13], $0x7D0  }
0x3e: {  	[sflag:s13] =	ssyncset.done $0x0  }
0x3f: {  	s4 =	simm.s32 $0xFA0;
	s23 =	rddreg [dreg:$0x8];
	[sflag:s13] =	ssyncadd.s32 $0xFFFFF830  }
0x40: {  	[tilespmem:s4], [sflag:$0x4] =	stream.linear.gather [hbm4b:s23+s5], $0x7D0, $0x38;
	[tilespmem:$0x1EE50] =	vst v63  }
0x41: {  	_ =	swait.ge [sflag:s13], $0x7D0  }
0x42: {  	[sflag:s13] =	ssyncset.done $0x0  }
0x43: {  	s25 =	simm.s32 $0x7D0;
	s24 =	rddreg [dreg:$0x9];
	[sflag:s13] =	ssyncadd.s32 $0xFFFFF830  }
0x44: {  	[tilespmem:s25], [sflag:$0x2] =	stream.linear.gather [hbm4b:s24+s5], $0x7D0, $0x38;
	[tilespmem:$0x1EE50] =	vst v63  }
0x45: {  	s28 =	simm.s32 $0x1770;
	s26 =	rddreg [dreg:$0xa]  }
0x46: {  	[tilespmem:s28], [sflag:$0x2] =	stream.linear.gather [hbm4b:s26+s5], $0x7D0, $0x38;
	[tilespmem:$0x1EE50] =	vst v63  }
0x47: {  	s30 =	simm.s32 $0x1BF40;
	s29 =	rddreg [dreg:$0x6]  }
0x48: {  	[tilespmem:s30], [sflag:$0x4] =	stream.linear.gather [hbm4b:s29+s5], $0x10, $0x38;
	[tilespmem:$0x1EE50] =	vst v63  }
0x49: {  	_ =	swait.ge [sflag:s13], $0x10  }
0x4a: {  	s31 =	simm.s32 $0x1F40;
	[sflag:s13] =	ssyncset.done $0x0  }
0x4b: {  	s21 =	simm.s32 $0x0;
	s22 =	simm.s32 $0x200;
	[sflag:s13] =	ssyncadd.s32 $0xFFFFFFF0  }
0x4c: {  	v2 =	vld [tilespmem:$0x1BF40];
	[tilespmem:s31], [sflag:$0x1] =	stream.indirect.gather [hbm4b:s1+s16], $0x80, s5, s16, $0xb8  }
.LBB2_2:
0x4d: {  	p0 =	sne.s32 s22, $0x3E00;
	[tilespmem:s21+$0x6FB0] =	vst v0  }
0x4e: {  	[tilespmem:s21+$0x6F40] =	vst v0  }
0x4f: {  	[tilespmem:s21+$0x6F50] =	vst v0  }
.Ltmp0:
0x50: {  	[tilespmem:s21+$0x6F60] =	vst v0;
	(pc) =	sbr.rel @p0 .LBB2_2-.Ltmp0, $4  }
0x51: {  	[tilespmem:s21+$0x6F70] =	vst v0  }
0x52: {  	[tilespmem:s21+$0x6F80] =	vst v0  }
0x53: {  	[tilespmem:s21+$0x6F90] =	vst v0  }
0x54: {  	[tilespmem:s21+$0x6FA0] =	vst v0;
	s21 =	sshra.s32 s22, $0x2;
	s22 =	sadd.s32 $0x200, s22  }
0x55: {  	v2 =	vxor.u32 $0x80000000, v2  }
0x56: {  	(xrf0) =	vmax.scan.msk.u32 $0xffff, v2;
	_ =	sdelay $0x5  }
0x57: {  	v2, _, _ =	vpop (xrf0)  }
0x58: {  	(v2sf) =	vpush v2, $0xF;
	_ =	sdelay $0xd  }
0x59: {  	[tilespmem:s21+$0x6FB0] =	vst v0  }
0x5a: {  	[tilespmem:s21+$0x6F40] =	vst v0;
	s22 =	spop (v2sf)  }
0x5b: {  	[tilespmem:s21+$0x6F50] =	vst v0;
	p0 =	sne.s32 s22, $0x80000001  }
.Ltmp1:
0x5c: {  	[tilespmem:s21+$0x6F60] =	vst v0;
	(pc) =	sbr.rel @p0 .LBB2_7-.Ltmp1, $4  }
0x5d: {  	[tilespmem:s21+$0x6F70] =	vst v0  }
0x5e: {  	[tilespmem:s21+$0x6F80] =	vst v0  }
0x5f: {  	[tilespmem:s21+$0x6F90] =	vst v0  }
0x60: {  	[tilespmem:s21+$0x6FA0] =	vst v0  }
0x61: {  	[tilespmem:$0x1C450] =	vst v0  }
0x62: {  	[tilespmem:$0x1C460] =	vst v0  }
0x63: {  	[tilespmem:$0x1C470] =	vst v0  }
0x64: {  	[tilespmem:$0x1C480] =	vst v0  }
0x65: {  	[tilespmem:$0x1C490] =	vst v0  }
0x66: {  	[tilespmem:$0x1C4A0] =	vst v0  }
0x67: {  	[tilespmem:$0x1C4B0] =	vst v0  }
0x68: {  	[tilespmem:$0x1C4C0] =	vst v0  }
0x69: {  	[tilespmem:$0x1C4D0] =	vst v0  }
0x6a: {  	[tilespmem:$0x1C4E0] =	vst v0  }
0x6b: {  	[tilespmem:$0x1C4F0] =	vst v0  }
0x6c: {  	[tilespmem:$0x1C500] =	vst v0  }
0x6d: {  	[tilespmem:$0x1C510] =	vst v0  }
0x6e: {  	[tilespmem:$0x1C520] =	vst v0  }
0x6f: {  	[tilespmem:$0x1C530] =	vst v0  }
0x70: {  	[tilespmem:$0x1C540] =	vst v0  }
0x71: {  	[tilespmem:$0x1C550] =	vst v0  }
0x72: {  	[tilespmem:$0x1C560] =	vst v0  }
0x73: {  	[tilespmem:$0x1C570] =	vst v0  }
0x74: {  	[tilespmem:$0x1C580] =	vst v0  }
0x75: {  	[tilespmem:$0x1C590] =	vst v0  }
0x76: {  	[tilespmem:$0x1C5A0] =	vst v0  }
0x77: {  	[tilespmem:$0x1C5B0] =	vst v0  }
0x78: {  	[tilespmem:$0x1C5C0] =	vst v0  }
0x79: {  	[tilespmem:$0x1C5D0] =	vst v0  }
0x7a: {  	[tilespmem:$0x1C5E0] =	vst v0  }
0x7b: {  	[tilespmem:$0x1C5F0] =	vst v0  }
0x7c: {  	[tilespmem:$0x1C600] =	vst v0  }
0x7d: {  	[tilespmem:$0x1C610] =	vst v0  }
0x7e: {  	[tilespmem:$0x1C620] =	vst v0  }
0x7f: {  	[tilespmem:$0x1C630] =	vst v0  }
0x80: {  	[tilespmem:$0x1C640] =	vst v0;
	s21 =	simm.s32 $0x40;
	s22 =	simm.s32 $0x0  }
.LBB2_5:
0x81: {  	p1 =	sne.s32 s21, $0x13C0;
	[tilespmem:s22+$0x1BF50] =	vst v1;
	s22 =	smov.u32 s21;
	s21 =	sadd.s32 $0x40, s21  }
.Ltmp2:
0x82: {  	(pc) =	sbr.rel @p1 .LBB2_5-.Ltmp2, $2  }
0x83: {  	_ =	sdelay $0x2  }
0x84: {  	s22 =	sshra.s32 s22, $0x2  }
0x85: {  	[tilespmem:s22+$0x1BF50] =	vst v1  }
.LBB2_7:
0x86: {  	[spmem:s14] =	stream.linear.scatter [tilespmem:s17], [sflag:$0x3], $0x1000, $0x38;
	[tilespmem:$0x1EE50] =	vst v63  }
0x87: {  	s0 =	rddreg [dreg:$0xf]  }
0x88: {  	s22 =	rddreg [dreg:$0x10]  }
0x89: {  	[spmem:s0] =	stream.linear.scatter [tilespmem:s17], [sflag:$0x3], $0x1000, $0x38;
	[tilespmem:$0x1EE50] =	vst v63  }
0x8a: {  	s23 =	rddreg [dreg:$0x11]  }
0x8b: {  	[spmem:s22] =	stream.linear.scatter [tilespmem:s17], [sflag:$0x3], $0x1000, $0x38;
	[tilespmem:$0x1EE50] =	vst v63  }
0x8c: {  	s24 =	rddreg [dreg:$0x12]  }
0x8d: {  	[spmem:s23] =	stream.linear.scatter [tilespmem:s17], [sflag:$0x3], $0x1000, $0x38;
	[tilespmem:$0x1EE50] =	vst v63  }
0x8e: {  	s25 =	rddreg [dreg:$0x13]  }
0x8f: {  	[spmem:s24] =	stream.linear.scatter [tilespmem:s17], [sflag:$0x3], $0x1000, $0x38;
	[tilespmem:$0x1EE50] =	vst v63  }
0x90: {  	s26 =	rddreg [dreg:$0x15]  }
0x91: {  	[spmem:s25] =	stream.linear.scatter [tilespmem:s17], [sflag:$0x3], $0x1000, $0x38;
	[tilespmem:$0x1EE50] =	vst v63  }
0x92: {  	s4 =	rddreg [dreg:$0x16]  }
0x93: {  	[spmem:s26] =	stream.linear.scatter [tilespmem:s17], [sflag:$0x3], $0x1000, $0x38;
	[tilespmem:$0x1EE50] =	vst v63  }
0x94: {  	s8 =	rddreg [dreg:$0x17]  }
0x95: {  	[spmem:s4] =	stream.linear.scatter [tilespmem:s17], [sflag:$0x3], $0x1000, $0x38;
	[tilespmem:$0x1EE50] =	vst v63  }
0x96: {  	s9 =	rddreg [dreg:$0x18]  }
0x97: {  	[spmem:s8] =	stream.linear.scatter [tilespmem:s17], [sflag:$0x3], $0x1000, $0x38;
	[tilespmem:$0x1EE50] =	vst v63  }
0x98: {  	s11 =	rddreg [dreg:$0x19]  }
0x99: {  	[spmem:s9] =	stream.linear.scatter [tilespmem:s17], [sflag:$0x3], $0x1000, $0x38;
	[tilespmem:$0x1EE50] =	vst v63  }
0x9a: {  	s21 =	rddreg [dreg:$0x1a]  }
0x9b: {  	[spmem:s11] =	stream.linear.scatter [tilespmem:s17], [sflag:$0x3], $0x1000, $0x38;
	[tilespmem:$0x1EE50] =	vst v63  }
0x9c: {  	s22 =	rddreg [dreg:$0x1b]  }
0x9d: {  	[spmem:s21] =	stream.linear.scatter [tilespmem:s17], [sflag:$0x3], $0x1000, $0x38;
	[tilespmem:$0x1EE50] =	vst v63  }
0x9e: {  	s23 =	rddreg [dreg:$0x1c]  }
0x9f: {  	[spmem:s22] =	stream.linear.scatter [tilespmem:s17], [sflag:$0x3], $0x1000, $0x38;
	[tilespmem:$0x1EE50] =	vst v63  }
0xa0: {  	s24 =	rddreg [dreg:$0x1d]  }
0xa1: {  	[spmem:s23] =	stream.linear.scatter [tilespmem:s17], [sflag:$0x3], $0x1000, $0x38;
	[tilespmem:$0x1EE50] =	vst v63  }
0xa2: {  	s25 =	rddreg [dreg:$0x1e]  }
0xa3: {  	[spmem:s24] =	stream.linear.scatter [tilespmem:s17], [sflag:$0x3], $0x1000, $0x38;
	[tilespmem:$0x1EE50] =	vst v63  }
0xa4: {  	s26 =	rddreg [dreg:$0x1f]  }
0xa5: {  	[spmem:s25] =	stream.linear.scatter [tilespmem:s17], [sflag:$0x3], $0x1000, $0x38;
	[tilespmem:$0x1EE50] =	vst v63  }
0xa6: {  	s4 =	sld [smem:$0x7E9]  }
0xa7: {  	[spmem:s26] =	stream.linear.scatter [tilespmem:s17], [sflag:$0x3], $0x1000, $0x38;
	[tilespmem:$0x1EE50] =	vst v63  }
0xa8: {  	s8 =	sld [smem:$0x7EA]  }
0xa9: {  	[spmem:s4] =	stream.linear.scatter [tilespmem:s17], [sflag:$0x3], $0x1000, $0x38;
	[tilespmem:$0x1EE50] =	vst v63  }
0xaa: {  	s9 =	sld [smem:$0x7EB]  }
0xab: {  	[spmem:s8] =	stream.linear.scatter [tilespmem:s17], [sflag:$0x3], $0x1000, $0x38;
	[tilespmem:$0x1EE50] =	vst v63  }
0xac: {  	_ = 	snop  }
0xad: {  	[spmem:s9] =	stream.linear.scatter [tilespmem:s17], [sflag:$0x3], $0x1000, $0x38;
	[tilespmem:$0x1EE50] =	vst v63  }
0xae: {  	s0 =	sld [smem:$0x7EC];
	s21 =	simm.s32 @!p0 $0x1C450  }
0xaf: {  	[spmem:s15] =	stream.linear.scatter @!p0 [tilespmem:s21], [sflag:$0x3], $0x200, $0x38;
	[tilespmem:$0x1EE50] =	vst v63  }
0xb0: {  	_ = 	snop  }
0xb1: {  	[spmem:s0] =	stream.linear.scatter @!p0 [tilespmem:s21], [sflag:$0x3], $0x200, $0x38;
	[tilespmem:$0x1EE50] =	vst v63  }
0xb2: {  	s0 =	sld [smem:$0x7ED];
	_ =	sdelay $0x2  }
0xb3: {  	[spmem:s0] =	stream.linear.scatter @!p0 [tilespmem:s21], [sflag:$0x3], $0x200, $0x38;
	[tilespmem:$0x1EE50] =	vst v63  }
0xb4: {  	s0 =	sld [smem:$0x7EE];
	_ =	sdelay $0x2  }
0xb5: {  	[spmem:s0] =	stream.linear.scatter @!p0 [tilespmem:s21], [sflag:$0x3], $0x200, $0x38;
	[tilespmem:$0x1EE50] =	vst v63  }
0xb6: {  	s0 =	sld [smem:$0x7EF];
	_ =	sdelay $0x2  }
0xb7: {  	[spmem:s0] =	stream.linear.scatter @!p0 [tilespmem:s21], [sflag:$0x3], $0x200, $0x38;
	[tilespmem:$0x1EE50] =	vst v63  }
0xb8: {  	s0 =	sld [smem:$0x7F0];
	_ =	sdelay $0x2  }
0xb9: {  	[spmem:s0] =	stream.linear.scatter @!p0 [tilespmem:s21], [sflag:$0x3], $0x200, $0x38;
	[tilespmem:$0x1EE50] =	vst v63  }
0xba: {  	s0 =	sld [smem:$0x7F1];
	_ =	sdelay $0x2  }
0xbb: {  	[spmem:s0] =	stream.linear.scatter @!p0 [tilespmem:s21], [sflag:$0x3], $0x200, $0x38;
	[tilespmem:$0x1EE50] =	vst v63  }
0xbc: {  	s0 =	sld [smem:$0x7F2];
	_ =	sdelay $0x2  }
0xbd: {  	[spmem:s0] =	stream.linear.scatter @!p0 [tilespmem:s21], [sflag:$0x3], $0x200, $0x38;
	[tilespmem:$0x1EE50] =	vst v63  }
0xbe: {  	s0 =	sld [smem:$0x7F3];
	_ =	sdelay $0x2  }
0xbf: {  	[spmem:s0] =	stream.linear.scatter @!p0 [tilespmem:s21], [sflag:$0x3], $0x200, $0x38;
	[tilespmem:$0x1EE50] =	vst v63  }
0xc0: {  	s0 =	sld [smem:$0x7F4];
	_ =	sdelay $0x2  }
0xc1: {  	[spmem:s0] =	stream.linear.scatter @!p0 [tilespmem:s21], [sflag:$0x3], $0x200, $0x38;
	[tilespmem:$0x1EE50] =	vst v63  }
0xc2: {  	s0 =	sld [smem:$0x7F5];
	_ =	sdelay $0x2  }
0xc3: {  	[spmem:s0] =	stream.linear.scatter @!p0 [tilespmem:s21], [sflag:$0x3], $0x200, $0x38;
	[tilespmem:$0x1EE50] =	vst v63  }
0xc4: {  	s0 =	sld [smem:$0x7F6];
	_ =	sdelay $0x2  }
0xc5: {  	[spmem:s0] =	stream.linear.scatter @!p0 [tilespmem:s21], [sflag:$0x3], $0x200, $0x38;
	[tilespmem:$0x1EE50] =	vst v63  }
0xc6: {  	s0 =	sld [smem:$0x7F7];
	_ =	sdelay $0x2  }
0xc7: {  	[spmem:s0] =	stream.linear.scatter @!p0 [tilespmem:s21], [sflag:$0x3], $0x200, $0x38;
	[tilespmem:$0x1EE50] =	vst v63  }
0xc8: {  	s0 =	sld [smem:$0x7F8];
	_ =	sdelay $0x2  }
0xc9: {  	[spmem:s0] =	stream.linear.scatter @!p0 [tilespmem:s21], [sflag:$0x3], $0x200, $0x38;
	[tilespmem:$0x1EE50] =	vst v63  }
0xca: {  	s0 =	sld [smem:$0x7F9];
	_ =	sdelay $0x2  }
0xcb: {  	[spmem:s0] =	stream.linear.scatter @!p0 [tilespmem:s21], [sflag:$0x3], $0x200, $0x38;
	[tilespmem:$0x1EE50] =	vst v63  }
0xcc: {  	s0 =	sld [smem:$0x7FA];
	_ =	sdelay $0x2  }
0xcd: {  	[spmem:s0] =	stream.linear.scatter @!p0 [tilespmem:s21], [sflag:$0x3], $0x200, $0x38;
	[tilespmem:$0x1EE50] =	vst v63  }
0xce: {  	s0 =	sld [smem:$0x7FB];
	_ =	sdelay $0x2  }
0xcf: {  	[spmem:s0] =	stream.linear.scatter @!p0 [tilespmem:s21], [sflag:$0x3], $0x200, $0x38;
	[tilespmem:$0x1EE50] =	vst v63  }
0xd0: {  	s0 =	sld [smem:$0x7FC];
	_ =	sdelay $0x2  }
0xd1: {  	[spmem:s0] =	stream.linear.scatter @!p0 [tilespmem:s21], [sflag:$0x3], $0x200, $0x38;
	[tilespmem:$0x1EE50] =	vst v63  }
0xd2: {  	s0 =	sld [smem:$0x7FD];
	_ =	sdelay $0x2  }
0xd3: {  	[spmem:s0] =	stream.linear.scatter @!p0 [tilespmem:s21], [sflag:$0x3], $0x200, $0x38;
	[tilespmem:$0x1EE50] =	vst v63  }
0xd4: {  	_ = 	snop  }
0xd5: {  	[spmem:s12] =	stream.linear.scatter @!p0 [tilespmem:s21], [sflag:$0x3], $0x200, $0x38;
	[tilespmem:$0x1EE50] =	vst v63  }
0xd6: {  	_ =	swait.ge [sflag:s18], $0x1000  }
0xd7: {  	[sflag:s18] =	ssyncset.done $0x0  }
0xd8: {  	[sflag:s18] =	ssyncadd.s32 $0xFFFFF000  }
0xd9: {  	_ =	swait.ge [sflag:s18], $0x1000  }
0xda: {  	[sflag:s18] =	ssyncset.done $0x0  }
0xdb: {  	[sflag:s18] =	ssyncadd.s32 $0xFFFFF000  }
0xdc: {  	_ =	swait.ge [sflag:s18], $0x1000  }
0xdd: {  	[sflag:s18] =	ssyncset.done $0x0  }
0xde: {  	[sflag:s18] =	ssyncadd.s32 $0xFFFFF000  }
0xdf: {  	_ =	swait.ge [sflag:s18], $0x1000  }
0xe0: {  	[sflag:s18] =	ssyncset.done $0x0  }
0xe1: {  	[sflag:s18] =	ssyncadd.s32 $0xFFFFF000  }
0xe2: {  	_ =	swait.ge [sflag:s18], $0x1000  }
0xe3: {  	[sflag:s18] =	ssyncset.done $0x0  }
0xe4: {  	[sflag:s18] =	ssyncadd.s32 $0xFFFFF000  }
0xe5: {  	_ =	swait.ge [sflag:s18], $0x1000  }
0xe6: {  	[sflag:s18] =	ssyncset.done $0x0  }
0xe7: {  	[sflag:s18] =	ssyncadd.s32 $0xFFFFF000  }
0xe8: {  	_ =	swait.ge [sflag:s18], $0x1000  }
0xe9: {  	[sflag:s18] =	ssyncset.done $0x0  }
0xea: {  	[sflag:s18] =	ssyncadd.s32 $0xFFFFF000  }
0xeb: {  	_ =	swait.ge [sflag:s18], $0x1000  }
0xec: {  	[sflag:s18] =	ssyncset.done $0x0  }
0xed: {  	[sflag:s18] =	ssyncadd.s32 $0xFFFFF000  }
0xee: {  	_ =	swait.ge [sflag:s18], $0x1000  }
0xef: {  	[sflag:s18] =	ssyncset.done $0x0  }
0xf0: {  	[sflag:s18] =	ssyncadd.s32 $0xFFFFF000  }
0xf1: {  	_ =	swait.ge [sflag:s18], $0x1000  }
0xf2: {  	[sflag:s18] =	ssyncset.done $0x0  }
0xf3: {  	[sflag:s18] =	ssyncadd.s32 $0xFFFFF000  }
0xf4: {  	_ =	swait.ge [sflag:s18], $0x1000  }
0xf5: {  	[sflag:s18] =	ssyncset.done $0x0  }
0xf6: {  	[sflag:s18] =	ssyncadd.s32 $0xFFFFF000  }
0xf7: {  	_ =	swait.ge [sflag:s18], $0x1000  }
0xf8: {  	[sflag:s18] =	ssyncset.done $0x0  }
0xf9: {  	[sflag:s18] =	ssyncadd.s32 $0xFFFFF000  }
0xfa: {  	_ =	swait.ge [sflag:s18], $0x1000  }
0xfb: {  	[sflag:s18] =	ssyncset.done $0x0  }
0xfc: {  	[sflag:s18] =	ssyncadd.s32 $0xFFFFF000  }
0xfd: {  	_ =	swait.ge [sflag:s18], $0x1000  }
0xfe: {  	[sflag:s18] =	ssyncset.done $0x0  }
0xff: {  	[sflag:s18] =	ssyncadd.s32 $0xFFFFF000  }
0x100: {  	_ =	swait.ge [sflag:s18], $0x1000  }
0x101: {  	[sflag:s18] =	ssyncset.done $0x0  }
0x102: {  	[sflag:s18] =	ssyncadd.s32 $0xFFFFF000  }
0x103: {  	_ =	swait.ge [sflag:s18], $0x1000  }
0x104: {  	[sflag:s18] =	ssyncset.done $0x0  }
0x105: {  	[sflag:s18] =	ssyncadd.s32 $0xFFFFF000  }
0x106: {  	_ =	swait.ge [sflag:s18], $0x1000  }
0x107: {  	[sflag:s18] =	ssyncset.done $0x0  }
0x108: {  	[sflag:s18] =	ssyncadd.s32 $0xFFFFF000  }
0x109: {  	_ =	swait.ge [sflag:s18], $0x1000  }
0x10a: {  	[sflag:s18] =	ssyncset.done $0x0  }
0x10b: {  	[sflag:s18] =	ssyncadd.s32 $0xFFFFF000  }
0x10c: {  	_ =	swait.ge [sflag:s18], $0x1000  }
0x10d: {  	[sflag:s18] =	ssyncset.done $0x0  }
0x10e: {  	[sflag:s18] =	ssyncadd.s32 $0xFFFFF000  }
0x10f: {  	_ =	swait.ge [sflag:s18], $0x1000  }
0x110: {  	[sflag:s18] =	ssyncset.done $0x0  }
0x111: {  	s21 =	simm.s32 @!p0 $0x3;
	[sflag:s18] =	ssyncadd.s32 $0xFFFFF000  }
0x112: {  	_ =	swait.ge @!p0 [sflag:s21], $0x200  }
0x113: {  	[sflag:s21] =	ssyncset.done @!p0 $0x0  }
0x114: {  	[sflag:s21] =	ssyncadd.s32 @!p0 $0xFFFFFE00  }
0x115: {  	_ =	swait.ge @!p0 [sflag:s21], $0x200  }
0x116: {  	[sflag:s21] =	ssyncset.done @!p0 $0x0  }
0x117: {  	[sflag:s21] =	ssyncadd.s32 @!p0 $0xFFFFFE00  }
0x118: {  	_ =	swait.ge @!p0 [sflag:s21], $0x200  }
0x119: {  	[sflag:s21] =	ssyncset.done @!p0 $0x0  }
0x11a: {  	[sflag:s21] =	ssyncadd.s32 @!p0 $0xFFFFFE00  }
0x11b: {  	_ =	swait.ge @!p0 [sflag:s21], $0x200  }
0x11c: {  	[sflag:s21] =	ssyncset.done @!p0 $0x0  }
0x11d: {  	[sflag:s21] =	ssyncadd.s32 @!p0 $0xFFFFFE00  }
0x11e: {  	_ =	swait.ge @!p0 [sflag:s21], $0x200  }
0x11f: {  	[sflag:s21] =	ssyncset.done @!p0 $0x0  }
0x120: {  	[sflag:s21] =	ssyncadd.s32 @!p0 $0xFFFFFE00  }
0x121: {  	_ =	swait.ge @!p0 [sflag:s21], $0x200  }
0x122: {  	[sflag:s21] =	ssyncset.done @!p0 $0x0  }
0x123: {  	[sflag:s21] =	ssyncadd.s32 @!p0 $0xFFFFFE00  }
0x124: {  	_ =	swait.ge @!p0 [sflag:s21], $0x200  }
0x125: {  	[sflag:s21] =	ssyncset.done @!p0 $0x0  }
0x126: {  	[sflag:s21] =	ssyncadd.s32 @!p0 $0xFFFFFE00  }
0x127: {  	_ =	swait.ge @!p0 [sflag:s21], $0x200  }
0x128: {  	[sflag:s21] =	ssyncset.done @!p0 $0x0  }
0x129: {  	[sflag:s21] =	ssyncadd.s32 @!p0 $0xFFFFFE00  }
0x12a: {  	_ =	swait.ge @!p0 [sflag:s21], $0x200  }
0x12b: {  	[sflag:s21] =	ssyncset.done @!p0 $0x0  }
0x12c: {  	[sflag:s21] =	ssyncadd.s32 @!p0 $0xFFFFFE00  }
0x12d: {  	_ =	swait.ge @!p0 [sflag:s21], $0x200  }
0x12e: {  	[sflag:s21] =	ssyncset.done @!p0 $0x0  }
0x12f: {  	[sflag:s21] =	ssyncadd.s32 @!p0 $0xFFFFFE00  }
0x130: {  	_ =	swait.ge @!p0 [sflag:s21], $0x200  }
0x131: {  	[sflag:s21] =	ssyncset.done @!p0 $0x0  }
0x132: {  	[sflag:s21] =	ssyncadd.s32 @!p0 $0xFFFFFE00  }
0x133: {  	_ =	swait.ge @!p0 [sflag:s21], $0x200  }
0x134: {  	[sflag:s21] =	ssyncset.done @!p0 $0x0  }
0x135: {  	[sflag:s21] =	ssyncadd.s32 @!p0 $0xFFFFFE00  }
0x136: {  	_ =	swait.ge @!p0 [sflag:s21], $0x200  }
0x137: {  	[sflag:s21] =	ssyncset.done @!p0 $0x0  }
0x138: {  	[sflag:s21] =	ssyncadd.s32 @!p0 $0xFFFFFE00  }
0x139: {  	_ =	swait.ge @!p0 [sflag:s21], $0x200  }
0x13a: {  	[sflag:s21] =	ssyncset.done @!p0 $0x0  }
0x13b: {  	[sflag:s21] =	ssyncadd.s32 @!p0 $0xFFFFFE00  }
0x13c: {  	_ =	swait.ge @!p0 [sflag:s21], $0x200  }
0x13d: {  	[sflag:s21] =	ssyncset.done @!p0 $0x0  }
0x13e: {  	s22 =	simm.s32 $0x0;
	[sflag:s21] =	ssyncadd.s32 @!p0 $0xFFFFFE00  }
0x13f: {  	s23 =	smul.u32 $0x29, s22;
	_ =	swait.ge @!p0 [sflag:s21], $0x200  }
0x140: {  	[sflag:s21] =	ssyncset.done @!p0 $0x0  }
0x141: {  	p1 =	por $0x0, $0x0;
	s24 =	sadd.s32 $0x29, s23;
	[sflag:s21] =	ssyncadd.s32 @!p0 $0xFFFFFE00  }
0x142: {  	s22 =	sand.u32 $0x1, s22;
	s24 =	sshrl.u32 s24, $0xA;
	_ =	swait.ge @!p0 [sflag:s21], $0x200  }
0x143: {  	s25 =	sand.u32 $0x3F, s24;
	s29 =	sand.u32 $0x1, s24;
	[sflag:s21] =	ssyncset.done @!p0 $0x0  }
0x144: {  	s24 =	sxor.u32 $0x1, s22;
	s22 =	smul.u32 $0xA000, s22;
	[sflag:s21] =	ssyncadd.s32 @!p0 $0xFFFFFE00  }
0x145: {  	s24 =	smul.u32 @!p1 $0xA000, s24;
	_ =	swait.ge @!p0 [sflag:s21], $0x200  }
0x146: {  	s23 =	sshrl.u32 s23, $0xA;
	s31 =	smul.u32 @!p1 $0x1F40, s29;
	[sflag:s21] =	ssyncset.done @!p0 $0x0  }
0x147: {  	s23 =	sand.u32 $0x3F, s23;
	s26 =	smul.u32 $0x19, s25;
	[sflag:s21] =	ssyncadd.s32 @!p0 $0xFFFFFE00  }
0x148: {  	s22 =	sshrl.u32 s22, $0x2;
	s24 =	sshrl.u32 @!p1 s24, $0x2;
	_ =	swait.ge @!p0 [sflag:s21], $0x200  }
0x149: {  	s31 =	sshrl.u32 @!p1 s31, $0x2;
	s26 =	ssub.s32 $0x1, s26;
	[sflag:s21] =	ssyncset.done @!p0 $0x0  }
0x14a: {  	s22 =	sadd.s32 $0x1F40, s22;
	s28 =	sand.u32 @!p1 $0xFF, s26;
	[sflag:s21] =	ssyncadd.s32 @!p0 $0xFFFFFE00  }
0x14b: {  	p2 =	sne.s32 @!p1 s28, $0x0;
	s28 =	smul.u32 $0x19, s23;
	_ =	swait.ge @!p0 [sflag:s21], $0x200  }
0x14c: {  	s23 =	sand.u32 $0x1, s23;
	p4 =	por p2, p1;
	[sflag:s21] =	ssyncset.done @!p0 $0x0  }
0x14d: {  	p3 =	seq.s32 s23, $0x1;
	s28 =	ssub.s32 $0x0, s28;
	[sflag:s21] =	ssyncadd.s32 @!p0 $0xFFFFFE00  }
0x14e: {  	s30 =	simm.s32 @!p4 $0x2;
	s11 =	sand.u32 $0xFF, s28;
	[bflag:$0x0] =	sbarrier.arrive $0xFFFF  }
0x14f: {  	s28 =	sand.u32 $0xFF, s26;
	s23 =	smul.u32 $0x140, s11;
	_ =	swait.ge @!p4 [sflag:s30], $0x7D0  }
0x150: {  	p2 =	por $0x0, $0x0;
	s28 =	smul.u32 @!p1 $0x140, s28;
	[sflag:s30] =	ssyncset.done @!p4 $0x0  }
0x151: {  	s24 =	sadd.s32 @!p1 $0x1F40, s24;
	s26 =	sand.u32 @!p2 $0xFF, s26;
	[sflag:s30] =	ssyncadd.s32 @!p4 $0xFFFFF830  }
0x152: {  	s28 =	sshrl.u32 @!p1 s28, $0x2;
	s23 =	sshrl.u32 s23, $0x2;
	_ =	swait.ge @!p4 [sflag:s30], $0x7D0  }
0x153: {  	s28 =	sadd.s32 @!p1 s28, s31;
	s31 =	simm.s32 @!p1 $0x50;
	[sflag:s30] =	ssyncset.done @!p4 $0x0  }
0x154: {  	s21 =	simm.s32 $0x1;
	[sflag:s30] =	ssyncadd.s32 @!p4 $0xFFFFF830;
	s30 =	simm.s32 $0x7D0  }
0x155: {  	[tilespmem:s24], [sflag:$0x1] =	stream.indirect.gather @!p1 [hbm4b:s1+s31], $0x80, s28, s31, $0xb8;
	[tilespmem:$0x1EE50] =	vst v63  }
0x156: {  	s30 =	simm.s32 @!p3 $0x0;
	p1 =	sne.s32 @!p2 s26, $0x0;
	_ =	swait.ge [sflag:s19], $0x2800  }
0x157: {  	s24 =	simm.s32 @!p0 $0x50;
	s23 =	sadd.s32 s23, s30;
	[sflag:s19] =	ssyncset.done $0x0  }
0x158: {  	p2 =	por p1, p2;
	s28 =	sadd.s32 $0xFA0, s23;
	[sflag:s19] =	ssyncadd.s32 $0xFFFFD800  }
0x159: {  	[spmem:s2] =	stream.indirect.scatter.add.f32 [tilespmem:s22], [sflag:$0x4], $0x80, s28, s16, $0xb8;
	[tilespmem:$0x1EE50] =	vst v63  }
0x15a: {  	p1 =	por $0x0, $0x0;
	s23 =	simm.s32 @!p0 $0x4;
	_ =	swait.ge [sflag:s13], $0x2800  }
0x15b: {  	s25 =	smul.u32 @!p2 $0x7D0, s25;
	s26 =	sxor.u32 @!p2 $0x1, s29;
	[sflag:s13] =	ssyncset.done $0x0  }
0x15c: {  	s26 =	smul.u32 @!p2 $0x7D0, s26;
	s22 =	simm.s32 @!p0 $0x1BF50;
	[sflag:s13] =	ssyncadd.s32 $0xFFFFD800  }
0x15d: {  	[spmem:s3] =	stream.indirect.scatter.add.f32 @!p0 [tilespmem:s22], [sflag:$0x4], $0x10, s28, s24, $0xb8;
	[tilespmem:$0x1EE50] =	vst v63  }
0x15e: {  	s29 =	smul.u32 $0x29, s21;
	s25 =	sadd.s32 @!p2 s25, s10;
	_ =	swait.ge @!p0 [sflag:s23], $0x500  }
0x15f: {  	s31 =	sshrl.u32 @!p2 s25, $0x3;
	s30 =	sadd.s32 @!p2 $0xFA0, s26;
	[sflag:s23] =	ssyncset.done @!p0 $0x0  }
0x160: {  	s25 =	sadd.s32 @!p2 s6, s31;
	s28 =	simm.s32 @!p2 $0x0;
	[sflag:s23] =	ssyncadd.s32 @!p0 $0xFFFFFB00  }
0x161: {  	[tilespmem:s26], [sflag:$0x2] =	stream.linear.gather @!p2 [hbm4b:s25+s28], $0x7D0, $0x38;
	[tilespmem:$0x1EE50] =	vst v63  }
0x162: {  	s31 =	sadd.s32 @!p2 s7, s31;
	s25 =	simm.s32 $0x2;
	s26 =	simm.s32 $0x2  }
.LBB2_8:
0x163: {  	[tilespmem:s30], [sflag:$0x2] =	stream.linear.gather @!p2 [hbm4b:s31+s28], $0x7D0, $0x38;
	[tilespmem:$0x1EE50] =	vst v63  }
0x164: {  	s30 =	smov.u32 s25;
	s28 =	sshrl.u32 s29, $0xA;
	s29 =	sadd.s32 $0x29, s29  }
0x165: {  	s25 =	sadd.s32 $0x1, s25;
	s0 =	sand.u32 $0x3F, s28;
	s29 =	sshrl.u32 s29, $0xA  }
0x166: {  	s31 =	sand.u32 $0x1, s21;
	s4 =	smul.u32 $0x19, s0;
	s28 =	sand.u32 $0x3F, s29  }
0x167: {  	s8 =	sxor.u32 $0x1, s31;
	s29 =	sand.u32 $0x1, s29;
	s9 =	smul.u32 $0x19, s28  }
0x168: {  	s8 =	smul.u32 @!p1 $0xA000, s8;
	s0 =	sand.u32 $0x1, s0;
	s4 =	ssub.s32 s21, s4  }
0x169: {  	p3 =	seq.s32 s0, $0x1;
	s0 =	sand.u32 $0xFF, s4;
	s4 =	ssub.s32 s26, s9  }
0x16a: {  	p2 =	sgt.u32 s21, $0x62;
	s9 =	sand.u32 $0xFF, s4  }
0x16b: {  	s21 =	sand.u32 @!p1 $0xFF, s4;
	s0 =	smul.u32 $0x140, s0;
	s4 =	sand.u32 @!p2 $0xFF, s4  }
0x16c: {  	p4 =	sne.s32 @!p1 s21, $0x0;
	s9 =	smul.u32 @!p1 $0x140, s9;
	s21 =	simm.s32 $0x7D0  }
0x16d: {  	p5 =	por p4, p1;
	s21 =	simm.s32 @!p3 $0x0;
	s0 =	sshrl.u32 s0, $0x2  }
0x16e: {  	s11 =	simm.s32 @!p5 $0x2;
	s9 =	sshrl.u32 @!p1 s9, $0x2;
	s0 =	sadd.s32 s0, s21  }
0x16f: {  	s8 =	sshrl.u32 @!p1 s8, $0x2;
	p4 =	sne.s32 @!p2 s4, $0x0;
	_ =	swait.ge @!p5 [sflag:s11], $0x7D0  }
0x170: {  	s4 =	sadd.s32 @!p1 $0x1F40, s8;
	s8 =	smul.u32 $0xA000, s31;
	[sflag:s11] =	ssyncset.done @!p5 $0x0  }
0x171: {  	p3 =	sne.s32 s25, $0x7D;
	s21 =	smul.u32 @!p1 $0x1F40, s29;
	[sflag:s11] =	ssyncadd.s32 @!p5 $0xFFFFF830  }
0x172: {  	s26 =	smov.u32 s25;
	s8 =	sshrl.u32 s8, $0x2;
	_ =	swait.ge @!p5 [sflag:s11], $0x7D0  }
0x173: {  	s31 =	sshrl.u32 @!p1 s21, $0x2;
	s21 =	smov.u32 s30;
	[sflag:s11] =	ssyncset.done @!p5 $0x0  }
0x174: {  	s9 =	sadd.s32 @!p1 s9, s31;
	[sflag:s11] =	ssyncadd.s32 @!p5 $0xFFFFF830;
	s11 =	simm.s32 @!p1 $0x50  }
0x175: {  	[tilespmem:s4], [sflag:$0x1] =	stream.indirect.gather @!p1 [hbm4b:s1+s11], $0x80, s9, s11, $0xb8;
	[tilespmem:$0x1EE50] =	vst v63  }
0x176: {  	_ =	swait.ge [sflag:s19], $0x2800  }
0x177: {  	[sflag:s19] =	ssyncset.done $0x0  }
0x178: {  	s0 =	sadd.s32 $0xFA0, s0;
	s4 =	sadd.s32 $0x1F40, s8;
	[sflag:s19] =	ssyncadd.s32 $0xFFFFD800  }
0x179: {  	[spmem:s2] =	stream.indirect.scatter.add.f32 [tilespmem:s4], [sflag:$0x4], $0x80, s0, s16, $0xb8;
	[tilespmem:$0x1EE50] =	vst v63  }
0x17a: {  	_ =	swait.ge [sflag:s13], $0x2800  }
0x17b: {  	p2 =	por p4, p2;
	[sflag:s13] =	ssyncset.done $0x0  }
0x17c: {  	s8 =	sxor.u32 @!p2 $0x1, s29;
	s4 =	smul.u32 @!p2 $0x7D0, s28;
	[sflag:s13] =	ssyncadd.s32 $0xFFFFD800  }
0x17d: {  	[spmem:s3] =	stream.indirect.scatter.add.f32 @!p0 [tilespmem:s22], [sflag:$0x4], $0x10, s0, s24, $0xb8;
	[tilespmem:$0x1EE50] =	vst v63  }
0x17e: {  	s0 =	sadd.s32 @!p2 s4, s10;
	s4 =	smul.u32 @!p2 $0x7D0, s8  }
.Ltmp3:
0x17f: {  	_ =	swait.ge @!p0 [sflag:s23], $0x500;
	(pc) =	sbr.rel @p3 .LBB2_8-.Ltmp3, $4  }
0x180: {  	s28 =	simm.s32 @!p2 $0x0;
	s0 =	sshrl.u32 @!p2 s0, $0x3;
	[sflag:s23] =	ssyncset.done @!p0 $0x0  }
0x181: {  	s8 =	sadd.s32 @!p2 s6, s0;
	s30 =	sadd.s32 @!p2 $0xFA0, s4;
	[sflag:s23] =	ssyncadd.s32 @!p0 $0xFFFFFB00  }
0x182: {  	[tilespmem:s4], [sflag:$0x2] =	stream.linear.gather @!p2 [hbm4b:s8+s28], $0x7D0, $0x38;
	[tilespmem:$0x1EE50] =	vst v63  }
0x183: {  	s29 =	smul.u32 $0x29, s21;
	p1 =	seq.s32 s21, $0x7C;
	s31 =	sadd.s32 @!p2 s7, s0  }
0x184: {  	[tilespmem:s30], [sflag:$0x2] =	stream.linear.gather @!p2 [hbm4b:s31+s28], $0x7D0, $0x38;
	[tilespmem:$0x1EE50] =	vst v63  }
0x185: {  	s0 =	sadd.s32 $0x29, s29  }
0x186: {  	s0 =	sshrl.u32 s0, $0xA  }
0x187: {  	s4 =	sand.u32 $0x3F, s0  }
0x188: {  	s22 =	sand.u32 $0x1, s21;
	s8 =	smul.u32 $0x19, s4  }
0x189: {  	s9 =	sshrl.u32 s29, $0xA;
	s23 =	sxor.u32 $0x1, s22;
	s22 =	smul.u32 $0xA000, s22  }
0x18a: {  	s9 =	sand.u32 $0x3F, s9;
	s23 =	smul.u32 @!p1 $0xA000, s23;
	s8 =	ssub.s32 s26, s8  }
0x18b: {  	s31 =	smul.u32 $0x19, s9;
	s11 =	sand.u32 @!p1 $0xFF, s8  }
0x18c: {  	s0 =	sand.u32 $0x1, s0;
	s9 =	sand.u32 $0x1, s9;
	p2 =	sne.s32 @!p1 s11, $0x0  }
0x18d: {  	p3 =	seq.s32 s9, $0x1;
	s11 =	ssub.s32 s21, s31;
	p4 =	por p2, p1  }
0x18e: {  	s25 =	sand.u32 $0xFF, s11;
	s11 =	sand.u32 $0xFF, s8;
	s24 =	simm.s32 @!p4 $0x2  }
0x18f: {  	p2 =	sgt.u32 s21, $0x62;
	s21 =	smul.u32 @!p1 $0x1F40, s0;
	_ =	swait.ge @!p4 [sflag:s24], $0x7D0  }
0x190: {  	s23 =	sshrl.u32 @!p1 s23, $0x2;
	s11 =	smul.u32 @!p1 $0x140, s11;
	[sflag:s24] =	ssyncset.done @!p4 $0x0  }
0x191: {  	s23 =	sadd.s32 @!p1 $0x1F40, s23;
	s26 =	sshrl.u32 s22, $0x2;
	[sflag:s24] =	ssyncadd.s32 @!p4 $0xFFFFF830  }
0x192: {  	s21 =	sshrl.u32 @!p1 s21, $0x2;
	s11 =	sshrl.u32 @!p1 s11, $0x2;
	_ =	swait.ge @!p4 [sflag:s24], $0x7D0  }
0x193: {  	s9 =	smul.u32 $0x140, s25;
	s11 =	sadd.s32 @!p1 s11, s21;
	[sflag:s24] =	ssyncset.done @!p4 $0x0  }
0x194: {  	s21 =	simm.s32 @!p1 $0x50;
	[sflag:s24] =	ssyncadd.s32 @!p4 $0xFFFFF830;
	s24 =	simm.s32 $0x7D0  }
0x195: {  	[tilespmem:s23], [sflag:$0x1] =	stream.indirect.gather @!p1 [hbm4b:s1+s21], $0x80, s11, s21, $0xb8;
	[tilespmem:$0x1EE50] =	vst v63  }
0x196: {  	s9 =	sshrl.u32 s9, $0x2;
	s24 =	simm.s32 @!p3 $0x0;
	_ =	swait.ge [sflag:s19], $0x2800  }
0x197: {  	s8 =	sand.u32 @!p2 $0xFF, s8;
	s9 =	sadd.s32 s9, s24;
	[sflag:s19] =	ssyncset.done $0x0  }
0x198: {  	s11 =	sadd.s32 $0x1F40, s26;
	s9 =	sadd.s32 $0xFA0, s9;
	[sflag:s19] =	ssyncadd.s32 $0xFFFFD800  }
0x199: {  	[spmem:s2] =	stream.indirect.scatter.add.f32 [tilespmem:s11], [sflag:$0x4], $0x80, s9, s16, $0xb8;
	[tilespmem:$0x1EE50] =	vst v63  }
0x19a: {  	p1 =	sne.s32 @!p2 s8, $0x0;
	s8 =	simm.s32 @!p0 $0x1BF50;
	_ =	swait.ge [sflag:s13], $0x2800  }
0x19b: {  	s21 =	simm.s32 @!p0 $0x50;
	p1 =	por p1, p2;
	[sflag:s13] =	ssyncset.done $0x0  }
0x19c: {  	s4 =	smul.u32 @!p1 $0x7D0, s4;
	s11 =	simm.s32 @!p0 $0x4;
	[sflag:s13] =	ssyncadd.s32 $0xFFFFD800  }
0x19d: {  	[spmem:s3] =	stream.indirect.scatter.add.f32 @!p0 [tilespmem:s8], [sflag:$0x4], $0x10, s9, s21, $0xb8;
	[tilespmem:$0x1EE50] =	vst v63  }
0x19e: {  	s0 =	sxor.u32 @!p1 $0x1, s0;
	s4 =	sadd.s32 @!p1 s4, s10;
	_ =	swait.ge @!p0 [sflag:s11], $0x500  }
0x19f: {  	s0 =	smul.u32 @!p1 $0x7D0, s0;
	s4 =	sshrl.u32 @!p1 s4, $0x3;
	[sflag:s11] =	ssyncset.done @!p0 $0x0  }
0x1a0: {  	s8 =	simm.s32 @!p1 $0x0;
	s9 =	sadd.s32 @!p1 s6, s4;
	[sflag:s11] =	ssyncadd.s32 @!p0 $0xFFFFFB00  }
0x1a1: {  	[tilespmem:s0], [sflag:$0x2] =	stream.linear.gather @!p1 [hbm4b:s9+s8], $0x7D0, $0x38;
	[tilespmem:$0x1EE50] =	vst v63  }
0x1a2: {  	s4 =	sadd.s32 @!p1 s7, s4;
	s0 =	sadd.s32 @!p1 $0xFA0, s0  }
0x1a3: {  	[tilespmem:s0], [sflag:$0x2] =	stream.linear.gather @!p1 [hbm4b:s4+s8], $0x7D0, $0x38;
	[tilespmem:$0x1EE50] =	vst v63  }
0x1a4: {  	s28 =	stileid.u32;
	[bflag:$0x0] =	sbarrier.arrive $0xFFFF  }
0x1a5: {  	s0 =	sshll.u32 s28, $0x6;
	s29 =	rddreg [dreg:$0xb]  }
0x1a6: {  	s0 =	sor.u32 $0x1C03, s0;
	s30 =	rddreg [dreg:$0x14]  }
0x1a7: {  	[hbm:s29], [sflag:s0] =	dma.local [spmem:s30], $0x2800  }
0x1a8: {  	s4 =	rddreg [dreg:$0xd]  }
0x1a9: {  	s8 =	rddreg [dreg:$0xc];
	s4 =	sshrl.u32 @!p0 s4, $0x3  }
0x1aa: {  	[hbm:s8], [sflag:s0] =	dma.local @!p0 [spmem:s4], $0x500  }
0x1ab: {  	s0 =	simm.s32 @!p0 $0x3  }
0x1ac: {  	_ =	swait.ge @!p0 [sflag:s0], $0x500  }
0x1ad: {  	[sflag:s0] =	ssyncset.done @!p0 $0x0  }
0x1ae: {  	[sflag:s0] =	ssyncadd.s32 @!p0 $0xFFFFFB00  }
0x1af: {  	_ =	swait.ge [sflag:s18], $0x2800  }
0x1b0: {  	s20 =	sadd.s32 $0x1, s20;
	s31 =	rddreg [dreg:$0xe]  }
0x1b1: {  	p0 =	sne.s32 s20, s31  }
.Ltmp4:
0x1b2: {  	_ = 	snop;
	(pc) =	sbr.rel @p0 .LBB2_1-.Ltmp4, $3  }
0x1b3: {  	_ =	sdelay $0x1  }
0x1b4: {  	[sflag:s18] =	ssyncset.done $0x0  }
0x1b5: {  	[sflag:s18] =	ssyncadd.s32 $0xFFFFD800  }
0x1b6: {  	_ =	sfence.sel $0x180000  }
0x1b7: {  	[bflag:$0x0] =	sbarrier.arrive $0xFFFF  }
0x1b8: {  	_ =	strace $0x90000047  }
0x1b9: {  	s0 =	stileid.u32;
	[bflag:$0x2] =	sbarrier.arrive $0xFFFF  }
0x1ba: {  	p0 =	sne.s32 s0, $0x0;
	s0 =	rddreg [dreg:$0x5]  }
0x1bb: {  	s0 =	sadd.s32 @!p0 $0x100000, s0  }
0x1bc: {  	[sflag:s0] =	ssyncadd.tile.s32 @!p0 $0x1;
	_ =	shalt  }
.Lfunc_end2:
_tile_overlayer_lowered:
.L_overlay_start_2:
0x1bd: {  	(tag) =	ssettag $0x2  }
0x1be: {  	s0 =	rddreg [dreg:$0x0];
	s2 =	stileid.u32  }
0x1bf: {  	s1 =	rddreg [dreg:$0x1];
	p0 =	sne.s32 s2, $0x0  }
0x1c0: {  	s3 =	rddreg [dreg:$0x2];
	[bflag:$0x3] =	sbarrier.arrive $0xFFFF;
	s2 =	simm.s32 @!p0 $0x1C04  }
0x1c1: {  	[timem:s3], [sflag:s2] =	dma.local @!p0 [hbm:s0], s1  }
0x1c2: {  	s0 =	simm.s32 @!p0 $0x4  }
0x1c3: {  	_ =	swait.ge @!p0 [sflag:s0], s1  }
0x1c4: {  	s1 =	ssub.s32 @!p0 $0x0, s1;
	[sflag:s0] =	ssyncset.done @!p0 $0x0  }
0x1c5: {  	[sflag:s0] =	ssyncadd.s32 @!p0 s1  }
0x1c6: {  	[bflag:$0x3] =	sbarrier.arrive $0xFFFF  }
0x1c7: {  	_ =	shalt  }

// kernel: kernel.9.cloned.1.call-start
scs
__scs_entry_jumppad:
0x0: {  	(pc) =	sbr.rel $0x88, $3  }
0x1: {  	(tag) =	ssettag $0x0;
	lr =	simm.s32 $0x1  }
0x2: {  	[smem:$0x3F99] =	sst lr;
	_ =	strace $0xD0000000  }
0x3: {  	_ = 	snop  }
0x4: {  	_ = 	snop  }
0x5: {  	_ = 	snop  }
0x6: {  	_ = 	snop  }
0x7: {  	_ = 	snop  }
__scs_overlays_trampoline_lowered:
0x8: {  	[smem:$0x3FA8] =	sst s0  }
0x9: {  	[smem:$0x3FA9] =	sst s1  }
0xa: {  	[smem:$0x3FAA] =	sst s2  }
0xb: {  	[smem:$0x3FAB] =	sst s3  }
0xc: {  	[smem:$0x3FAC] =	sst s4  }
0xd: {  	[smem:$0x3FAD] =	sst s5  }
0xe: {  	[smem:$0x3FAE] =	sst s6  }
0xf: {  	[smem:$0x3FAF] =	sst s7  }
0x10: {  	[smem:$0x3FB0] =	sst s8  }
0x11: {  	[smem:$0x3FB1] =	sst s9;
	s0 =	simm.s32 @!p0 $0x0  }
0x12: {  	s1 =	sld [smem:$0x3F97];
	s0 =	simm.s32 @p0 $0x1  }
0x13: {  	[smem:$0x3FB2] =	sst s0;
	s0 =	simm.s32 @!p1 $0x0  }
0x14: {  	s2 =	sld [smem:$0x3F96];
	s0 =	simm.s32 @p1 $0x1  }
0x15: {  	[smem:$0x3FB3] =	sst s0;
	s0 =	simm.s32 @!p2 $0x0  }
0x16: {  	s3 =	sld [smem:$0x3FDB];
	s0 =	simm.s32 @p2 $0x1  }
0x17: {  	s4 =	simm.s32 $0x1BF5;
	[smem:$0x3FB5] =	sst s0  }
0x18: {  	s0 =	sld [smem:$0x3F98];
	_ =	swait.ge [sflag:s4], $0x0  }
0x19: {  	s7 =	sld [smem:$0x3F99]  }
0x1a: {  	s8 =	sadd.s32 $0xFFFFE003, lr  }
0x1b: {  	s9 =	sadd.s32 $0xFFFFFEF7, lr;
	s5 =	simm.s32 $0xFFFFFFFF;
	p2 =	slt.u32 s8, $0xFFFFF086  }
0x1c: {  	p1 =	slt.u32 s9, $0xF7A;
	s5 =	simm.s32 @!p2 $0x0  }
0x1d: {  	s5 =	simm.s32 @p1 $0x1;
	p0 =	seq.s32 s7, s2  }
0x1e: {  	s7 =	smul.u32 @!p0 $0xF7A, s2;
	p2 =	seq.s32 @!p0 s5, $0x0  }
0x1f: {  	s9 =	smul.u32 $0xF7A, s1;
	s8 =	simm.s32 @!p0 $0x1BF5;
	p2 =	por !p2, p0  }
0x20: {  	[sflag:s8] =	ssyncset.s32 @!p0 $0xFFFFF086;
	s6 =	sadd.s32 @!p0 s3, s7;
	s7 =	simm.s32 @!p0 $0x108  }
0x21: {  	s3 =	sadd.s32 s3, s9;
	s6 =	sadd.s32 @!p0 $0x88, s6;
	s7 =	simm.s32 @p2 $0x1082  }
0x22: {  	[simem:s7], [sflag:s8] =	dma.local @!p0 [hbm:s6], $0xF7A  }
0x23: {  	s9 =	sor.u32 $0xD0000000, s2;
	s6 =	simm.s32 $0x108;
	_ =	swait.ge @!p0 [sflag:s8], $0x0  }
0x24: {  	s3 =	sadd.s32 $0x88, s3;
	s6 =	simm.s32 @!p1 $0x1082;
	[sflag:s4] =	ssyncset.s32 $0xFFFFF086  }
0x25: {  	[simem:s6], [sflag:s4] =	dma.local [hbm:s3], $0xF7A  }
0x26: {  	[smem:$0x3F99] =	sst s1;
	(tag) =	ssettag s2;
	_ =	strace s9  }
0x27: {  	s1 =	sld [smem:$0x3FA9]  }
0x28: {  	s2 =	sld [smem:$0x3FAA]  }
0x29: {  	s4 =	sld [smem:$0x3FAC]  }
0x2a: {  	p0 =	seq.s32 s5, $0x0;
	s5 =	sld [smem:$0x3FAD]  }
0x2b: {  	s6 =	sld [smem:$0x3FAE]  }
0x2c: {  	s7 =	sld [smem:$0x3FAF]  }
0x2d: {  	s3 =	simm.s32 $0x108;
	s8 =	sld [smem:$0x3FB0]  }
0x2e: {  	s3 =	simm.s32 @!p0 $0x1082;
	s9 =	sld [smem:$0x3FB1]  }
0x2f: {  	lr =	sadd.s32 s0, s3;
	s0 =	sld [smem:$0x3FA8]  }
0x30: {  	s3 =	sld [smem:$0x3FAB]  }
0x31: {  	[smem:$0x3FB4] =	sst s10  }
0x32: {  	s10 =	sld [smem:$0x3FB2];
	_ =	sdelay $0x3  }
0x33: {  	p0 =	seq.s32 s10, $0x1;
	s10 =	sld [smem:$0x3FB4];
	_ =	sdelay $0x3  }
0x34: {  	[smem:$0x3FB4] =	sst s10  }
0x35: {  	s10 =	sld [smem:$0x3FB3];
	_ =	sdelay $0x3  }
0x36: {  	p1 =	seq.s32 s10, $0x1;
	s10 =	sld [smem:$0x3FB4];
	_ =	sdelay $0x3  }
0x37: {  	[smem:$0x3FB4] =	sst s10  }
0x38: {  	s10 =	sld [smem:$0x3FB5]  }
0x39: {  	_ = 	snop;
	(pc) =	sbr.ind lr, $3  }
0x3a: {  	_ = 	snop  }
0x3b: {  	_ = 	snop  }
0x3c: {  	p2 =	seq.s32 s10, $0x1;
	s10 =	sld [smem:$0x3FB4]  }
0x3d: {  	_ =	shalt  }
0x3e: {  	_ =	shalt  }
0x3f: {  	_ =	shalt  }
0x40: {  	_ =	shalt  }
0x41: {  	_ =	shalt  }
0x42: {  	_ =	shalt  }
0x43: {  	_ =	shalt  }
0x44: {  	_ =	shalt  }
0x45: {  	_ =	shalt  }
0x46: {  	_ =	shalt  }
0x47: {  	_ =	shalt  }
0x48: {  	_ =	shalt  }
0x49: {  	_ =	shalt  }
0x4a: {  	_ =	shalt  }
0x4b: {  	_ =	shalt  }
0x4c: {  	_ =	shalt  }
0x4d: {  	_ =	shalt  }
0x4e: {  	_ =	shalt  }
0x4f: {  	_ =	shalt  }
0x50: {  	_ =	shalt  }
0x51: {  	_ =	shalt  }
0x52: {  	_ =	shalt  }
0x53: {  	_ =	shalt  }
0x54: {  	_ =	shalt  }
0x55: {  	_ =	shalt  }
0x56: {  	_ =	shalt  }
0x57: {  	_ =	shalt  }
0x58: {  	_ =	shalt  }
0x59: {  	_ =	shalt  }
0x5a: {  	_ =	shalt  }
0x5b: {  	_ =	shalt  }
0x5c: {  	_ =	shalt  }
0x5d: {  	_ =	shalt  }
0x5e: {  	_ =	shalt  }
0x5f: {  	_ =	shalt  }
0x60: {  	_ =	shalt  }
0x61: {  	_ =	shalt  }
0x62: {  	_ =	shalt  }
0x63: {  	_ =	shalt  }
0x64: {  	_ =	shalt  }
0x65: {  	_ =	shalt  }
0x66: {  	_ =	shalt  }
0x67: {  	_ =	shalt  }
0x68: {  	_ =	shalt  }
0x69: {  	_ =	shalt  }
0x6a: {  	_ =	shalt  }
0x6b: {  	_ =	shalt  }
0x6c: {  	_ =	shalt  }
0x6d: {  	_ =	shalt  }
0x6e: {  	_ =	shalt  }
0x6f: {  	_ =	shalt  }
0x70: {  	_ =	shalt  }
0x71: {  	_ =	shalt  }
0x72: {  	_ =	shalt  }
0x73: {  	_ =	shalt  }
0x74: {  	_ =	shalt  }
0x75: {  	_ =	shalt  }
0x76: {  	_ =	shalt  }
0x77: {  	_ =	shalt  }
0x78: {  	_ =	shalt  }
0x79: {  	_ =	shalt  }
0x7a: {  	_ =	shalt  }
0x7b: {  	_ =	shalt  }
0x7c: {  	_ =	shalt  }
0x7d: {  	_ =	shalt  }
0x7e: {  	_ =	shalt  }
0x7f: {  	_ =	shalt  }
0x80: {  	_ =	shalt  }
0x81: {  	_ =	shalt  }
0x82: {  	_ =	shalt  }
0x83: {  	_ =	shalt  }
0x84: {  	_ =	shalt  }
0x85: {  	_ =	shalt  }
0x86: {  	_ =	shalt  }
0x87: {  	_ =	shalt  }
.Lfunc_end0:
.L_simem_size_0:
called_computation.1_lowered:
.L_overlay_start_0:
0x88: {  	s2 =	sld [smem:$0x3FD9]  }
0x89: {  	s3 =	sld [smem:$0x3FFE];
	_ =	sdelay $0x1  }
0x8a: {  	s1 =	srdreg.scid  }
0x8b: {  	s0 =	sand.u32 $0x1, s1  }
0x8c: {  	s17 =	sshll.u32 s0, $0xA;
	s2 =	sadd.s32 s3, s2  }
0x8d: {  	s2 =	sadd.s32 s2, s17  }
0x8e: {  	[smem:$0x3FC0] =	sst s2  }
0x8f: {  	_ = 	snop  }
0x90: {  	s2 =	sld [smem:$0x3FD0];
	(tm) =	ssettm $0x1  }
0x91: {  	s18 =	sld [smem:$0x3FFB];
	_ =	sdelay $0x3  }
0x92: {  	_ =	strace s18  }
0x93: {  	s3 =	sld [smem:$0x3FFC];
	_ =	sdelay $0x3  }
0x94: {  	_ =	strace s3  }
0x95: {  	s3 =	sld [smem:$0x3FFD];
	_ =	sdelay $0x3  }
0x96: {  	_ =	strace s3  }
0x97: {  	_ =	strace $0x8FFFFFFF  }
0x98: {  	s19 =	sld [smem:$0x3FDB];
	_ =	sdelay $0x1  }
0x99: {  	s4 =	simm.s32 $_scs_section_size  }
0x9a: {  	s5 =	simm.s32 $_size__tile_overlayer_lowered;
	s6 =	simm.s32 $_tile_overlayer_lowered  }
0x9b: {  	s22 =	simm.s32 $0x1BFF;
	s21 =	sshll.u32 s6, $0x1;
	s3 =	sadd.s32 s4, s19  }
0x9c: {  	s7 =	simm.s32 $0x0;
	s20 =	sshll.u32 s5, $0x1;
	s5 =	sadd.s32 s21, s3  }
0x9d: {  	[timem:s7], [sflag:s22] =	dma.local [hbm:s5], s20  }
0x9e: {  	_ =	swait.ge [sflag:s22], s20  }
0x9f: {  	s4 =	ssub.s32 $0x0, s20;
	[sflag:s22] =	ssyncset.done $0x0  }
0xa0: {  	[sflag:s22] =	ssyncadd.s32 s4;
	_ =	sdelay $0x1  }
0xa1: {  	s23 =	simm.s32 $0x1B8B  }
0xa2: {  	_ =	swait.ge [sflag:s23], $0x1  }
0xa3: {  	[sflag:s23] =	ssyncset.done $0x0  }
0xa4: {  	s25 =	simm.s32 $0x1B8E;
	s24 =	sld [smem:$0x3FFE];
	[sflag:s23] =	ssyncadd.s32 $0xFFFFFFFF  }
0xa5: {  	s26 =	simm.s32 $execute0_lowered;
	[smem:$0x3FD2] =	sst s25  }
0xa6: {  	s5 =	sshll.u32 s26, $0x1;
	_ =	strace $0x80000049;
	[dreg:$0x1] =	wrdreg $0xFFFFFFFF  }
0xa7: {  	s28 =	simm.s32 $_size_execute0_lowered;
	s3 =	sadd.s32 s3, s5;
	[dreg:$0x0] =	wrdreg $0x0  }
0xa8: {  	s5 =	sshll.u32 s28, $0x1;
	[dreg:$0x2] =	wrdreg s3  }
0xa9: {  	[dreg:$0x3] =	wrdreg s5  }
0xaa: {  	[dreg:$0x4] =	wrdreg $0xC0  }
0xab: {  	_ =	task [dreg:s7], $0x5FFFF  }
0xac: {  	[dreg:$0x1] =	wrdreg $0xFFFFFFFF  }
0xad: {  	[dreg:$0x0] =	wrdreg $0x60  }
0xae: {  	[dreg:$0x2] =	wrdreg s24  }
0xaf: {  	[dreg:$0x3] =	wrdreg s2  }
0xb0: {  	[dreg:$0x4] =	wrdreg $0x7F400  }
0xb1: {  	[dreg:$0x5] =	wrdreg $0x1C6500  }
0xb2: {  	[dreg:$0x6] =	wrdreg $0x9  }
0xb3: {  	_ =	task.clear_ibuf [dreg:s7], $0x7FFFF;
	_ =	strace $0x90000049  }
0xb4: {  	s29 =	simm.s32 $0x9;
	_ =	strace $0x8000004B  }
0xb5: {  	_ =	swait.ge [sflag:s29], $0x1  }
0xb6: {  	[sflag:s29] =	ssyncadd.s32 $0xFFFFFFFF  }
0xb7: {  	_ =	strace $0x9000004B  }
0xb8: {  	_ =	sfence  }
0xb9: {  	s30 =	sld [smem:$0x0];
	_ =	sdelay $0x2  }
0xba: {  	s31 =	sshll.u32 s1, $0xD;
	s1 =	sshrl.u32 s1, $0x2  }
0xbb: {  	s3 =	sand.u32 $0x4000, s31;
	s1 =	sadd.s32 s1, s30  }
0xbc: {  	s0 =	sor.u32 s3, s0;
	s1 =	sshll.u32 s1, $0x11  }
0xbd: {  	s0 =	sor.u32 s1, s0  }
0xbe: {  	s0 =	sadd.s32 $0x8F2B, s0  }
0xbf: {  	[sflag:s0] =	ssyncadd.remote.s32 $0x1  }
0xc0: {  	_ =	sfence.sel $0xFFFF  }
0xc1: {  	[dreg:$0x0] =	wrdreg $0xFFFFFFFF;
	(pc) =	sbr.abs _section_cstart, $3  }
0xc2: {  	[dreg:$0x1] =	wrdreg $0xFFFFFFFF  }
0xc3: {  	_ =	task.clear_ibuf [dreg:s7], $0x2FFFF;
	_ =	strace $0x9FFFFFFF  }
0xc4: {  	(tm) =	ssettm $0x7FFFFFFF  }
0xc5: {  	_ =	shalt  }
tec
execute0_lowered:
.L_overlay_start_1:
0x0: {  	(tag) =	ssettag $0x1  }
0x1: {  	s0 =	rddreg [dreg:$0x0]  }
0x2: {  	s1 =	rddreg [dreg:$0x1];
	s15 =	stileid.u32  }
0x3: {  	s2 =	rddreg [dreg:$0x2];
	s10 =	smul.u32 $0x14000, s15  }
0x4: {  	s3 =	rddreg [dreg:$0x3];
	s11 =	smul.u32 $0x2800, s15  }
0x5: {  	s4 =	srdreg.scid;
	s5 =	simm.s32 $0x0;
	s13 =	smul.u32 $0x50000, s15  }
0x6: {  	s4 =	sand.u32 $0x1, s4;
	s24 =	sshll.u32 s15, $0x1;
	s15 =	smul.u32 $0xA000, s15  }
0x7: {  	[smem:$0x7FF] =	sst s5;
	s6 =	sadd.s32 $0xC800, s0;
	s8 =	smul.u32 $0x140000, s4  }
0x8: {  	s12 =	sadd.s32 $0x16600, s0;
	_ =	strace $0x8000004A;
	s9 =	smul.u32 $0x28000, s4  }
0x9: {  	[dreg:$0x5] =	wrdreg s12;
	s12 =	sor.u32 s4, s24;
	s4 =	ssub.s32 $0x2, s4  }
0xa: {  	s7 =	sadd.s32 $0x2A00, s0;
	s12 =	smul.u32 $0x2710, s12;
	s25 =	sshrl.u32 s4, $0x1  }
0xb: {  	s30 =	sshrl.u32 s15, $0x2;
	s31 =	sadd.s32 s10, s2;
	s8 =	sadd.s32 s10, s8  }
0xc: {  	s9 =	sadd.s32 s11, s9;
	s4 =	ssub.s32 s4, s25;
	s15 =	sadd.s32 s30, s3  }
0xd: {  	s10 =	sadd.s32 s11, s3;
	s19 =	sshrl.u32 s31, $0x3;
	s8 =	sshrl.u32 s8, $0x3  }
0xe: {  	s9 =	sshrl.u32 s9, $0x3;
	[dreg:$0xc] =	wrdreg s10;
	s11 =	smax.u32 s4, $0x1  }
0xf: {  	[dreg:$0x13] =	wrdreg s19;
	s19 =	sadd.s32 $0xE00, s15;
	s8 =	sadd.s32 s8, s0  }
0x10: {  	s0 =	sadd.s32 s9, s0;
	s9 =	sadd.s32 $0x7D0, s12;
	[dreg:$0xd] =	wrdreg s11  }
0x11: {  	s12 =	sshrl.u32 s12, $0x3;
	s11 =	sadd.s32 $0x200, s15;
	[smem:$0x7F2] =	sst s19  }
0x12: {  	s16 =	sadd.s32 s6, s12;
	[smem:$0x7EC] =	sst s11  }
0x13: {  	s12 =	sadd.s32 s7, s12;
	[dreg:$0x6] =	wrdreg s16  }
0x14: {  	s8 =	sadd.s32 $0xB6800, s8;
	[dreg:$0x7] =	wrdreg s12  }
0x15: {  	s14 =	sshrl.u32 s9, $0x3;
	s0 =	sadd.s32 $0x16800, s0;
	[dreg:$0xa] =	wrdreg s8  }
0x16: {  	s29 =	sshrl.u32 s13, $0x2;
	s26 =	sadd.s32 s6, s14;
	[dreg:$0xb] =	wrdreg s0  }
0x17: {  	s28 =	sadd.s32 s7, s14;
	s14 =	sadd.s32 s29, s2;
	[dreg:$0x8] =	wrdreg s26  }
0x18: {  	[dreg:$0x9] =	wrdreg s28;
	s12 =	sadd.s32 $0x1000, s14  }
0x19: {  	s13 =	sadd.s32 $0x2000, s14;
	[dreg:$0xe] =	wrdreg s12  }
0x1a: {  	s16 =	sadd.s32 $0x3000, s14;
	[dreg:$0xf] =	wrdreg s13  }
0x1b: {  	s17 =	sadd.s32 $0x4000, s14;
	[dreg:$0x10] =	wrdreg s16  }
0x1c: {  	s18 =	sadd.s32 $0x5000, s14;
	[dreg:$0x11] =	wrdreg s17  }
0x1d: {  	s20 =	sadd.s32 $0x6000, s14;
	[dreg:$0x12] =	wrdreg s18  }
0x1e: {  	s21 =	sadd.s32 $0x7000, s14;
	[dreg:$0x14] =	wrdreg s20  }
0x1f: {  	s22 =	sadd.s32 $0x8000, s14;
	[dreg:$0x15] =	wrdreg s21  }
0x20: {  	s23 =	sadd.s32 $0x9000, s14;
	[dreg:$0x16] =	wrdreg s22  }
0x21: {  	s24 =	sadd.s32 $0xA000, s14;
	[dreg:$0x17] =	wrdreg s23  }
0x22: {  	s25 =	sadd.s32 $0xB000, s14;
	[dreg:$0x18] =	wrdreg s24  }
0x23: {  	s26 =	sadd.s32 $0xC000, s14;
	[dreg:$0x19] =	wrdreg s25  }
0x24: {  	s28 =	sadd.s32 $0xD000, s14;
	[dreg:$0x1a] =	wrdreg s26  }
0x25: {  	s29 =	sadd.s32 $0xE000, s14;
	[dreg:$0x1b] =	wrdreg s28  }
0x26: {  	s30 =	sadd.s32 $0xF000, s14;
	[dreg:$0x1c] =	wrdreg s29  }
0x27: {  	s31 =	sadd.s32 $0x10000, s14;
	[dreg:$0x1d] =	wrdreg s30  }
0x28: {  	s4 =	sadd.s32 $0x11000, s14;
	[dreg:$0x1e] =	wrdreg s31  }
0x29: {  	s8 =	sadd.s32 $0x12000, s14;
	[dreg:$0x1f] =	wrdreg s4  }
0x2a: {  	s10 =	sadd.s32 $0x13000, s14;
	[smem:$0x7EA] =	sst s8  }
0x2b: {  	[smem:$0x7EB] =	sst s10;
	s12 =	sadd.s32 $0x400, s15  }
0x2c: {  	s13 =	sadd.s32 $0x600, s15;
	[smem:$0x7ED] =	sst s12  }
0x2d: {  	s16 =	sadd.s32 $0x800, s15;
	[smem:$0x7EE] =	sst s13  }
0x2e: {  	s17 =	sadd.s32 $0xA00, s15;
	[smem:$0x7EF] =	sst s16  }
0x2f: {  	s18 =	sadd.s32 $0xC00, s15;
	[smem:$0x7F0] =	sst s17  }
0x30: {  	s20 =	sadd.s32 $0x1000, s15;
	[smem:$0x7F1] =	sst s18  }
0x31: {  	s21 =	sadd.s32 $0x1200, s15;
	[smem:$0x7F3] =	sst s20  }
0x32: {  	s22 =	sadd.s32 $0x1400, s15;
	[smem:$0x7F4] =	sst s21  }
0x33: {  	s23 =	sadd.s32 $0x1600, s15;
	[smem:$0x7F5] =	sst s22  }
0x34: {  	s24 =	sadd.s32 $0x1800, s15;
	[smem:$0x7F6] =	sst s23  }
0x35: {  	s25 =	sadd.s32 $0x1A00, s15;
	[smem:$0x7F7] =	sst s24  }
0x36: {  	s26 =	sadd.s32 $0x1C00, s15;
	[smem:$0x7F8] =	sst s25  }
0x37: {  	s28 =	sadd.s32 $0x1E00, s15;
	[smem:$0x7F9] =	sst s26  }
0x38: {  	s29 =	sadd.s32 $0x2000, s15;
	[smem:$0x7FA] =	sst s28  }
0x39: {  	s30 =	sadd.s32 $0x2200, s15;
	[smem:$0x7FB] =	sst s29  }
0x3a: {  	s31 =	sadd.s32 $0x2400, s15;
	[smem:$0x7FC] =	sst s30  }
0x3b: {  	s19 =	simm.s32 $0x1;
	[smem:$0x7FD] =	sst s31  }
0x3c: {  	s12 =	sadd.s32 $0x2600, s15;
	s13 =	simm.s32 $0x4;
	s16 =	simm.s32 $0x50  }
0x3d: {  	v0 =	vimm.f32 $0.0e+00;
	v1 =	vimm.f32 $1.000000000e+00;
	s17 =	simm.s32 $0x6F40;
	s18 =	simm.s32 $0x3;
	s20 =	simm.s32 $0x0  }
.LBB2_1:
0x3e: {  	s0 =	rddreg [dreg:$0x6]  }
0x3f: {  	[tilespmem:s5], [sflag:$0x4] =	stream.linear.gather [hbm4b:s0+s5], $0x7D0, $0x38;
	[tilespmem:$0x1EE50] =	vst v63  }
0x40: {  	_ =	swait.ge [sflag:s13], $0x7D0  }
0x41: {  	[sflag:s13] =	ssyncset.done $0x0  }
0x42: {  	s4 =	simm.s32 $0xFA0;
	s23 =	rddreg [dreg:$0x7];
	[sflag:s13] =	ssyncadd.s32 $0xFFFFF830  }
0x43: {  	[tilespmem:s4], [sflag:$0x4] =	stream.linear.gather [hbm4b:s23+s5], $0x7D0, $0x38;
	[tilespmem:$0x1EE50] =	vst v63  }
0x44: {  	_ =	swait.ge [sflag:s13], $0x7D0  }
0x45: {  	[sflag:s13] =	ssyncset.done $0x0  }
0x46: {  	s25 =	simm.s32 $0x7D0;
	s24 =	rddreg [dreg:$0x8];
	[sflag:s13] =	ssyncadd.s32 $0xFFFFF830  }
0x47: {  	[tilespmem:s25], [sflag:$0x2] =	stream.linear.gather [hbm4b:s24+s5], $0x7D0, $0x38;
	[tilespmem:$0x1EE50] =	vst v63  }
0x48: {  	s28 =	simm.s32 $0x1770;
	s26 =	rddreg [dreg:$0x9]  }
0x49: {  	[tilespmem:s28], [sflag:$0x2] =	stream.linear.gather [hbm4b:s26+s5], $0x7D0, $0x38;
	[tilespmem:$0x1EE50] =	vst v63  }
0x4a: {  	s30 =	simm.s32 $0x1BF40;
	s29 =	rddreg [dreg:$0x5]  }
0x4b: {  	[tilespmem:s30], [sflag:$0x4] =	stream.linear.gather [hbm4b:s29+s5], $0x10, $0x38;
	[tilespmem:$0x1EE50] =	vst v63  }
0x4c: {  	_ =	swait.ge [sflag:s13], $0x10  }
0x4d: {  	s31 =	simm.s32 $0x1F40;
	[sflag:s13] =	ssyncset.done $0x0  }
0x4e: {  	s21 =	simm.s32 $0x0;
	s22 =	simm.s32 $0x200;
	[sflag:s13] =	ssyncadd.s32 $0xFFFFFFF0  }
0x4f: {  	v2 =	vld [tilespmem:$0x1BF40];
	[tilespmem:s31], [sflag:$0x1] =	stream.indirect.gather [hbm4b:s1+s16], $0x80, s5, s16, $0xb8  }
.LBB2_2:
0x50: {  	p0 =	sne.s32 s22, $0x3E00;
	[tilespmem:s21+$0x6FB0] =	vst v0  }
0x51: {  	[tilespmem:s21+$0x6F40] =	vst v0  }
0x52: {  	[tilespmem:s21+$0x6F50] =	vst v0  }
.Ltmp0:
0x53: {  	[tilespmem:s21+$0x6F60] =	vst v0;
	(pc) =	sbr.rel @p0 .LBB2_2-.Ltmp0, $4  }
0x54: {  	[tilespmem:s21+$0x6F70] =	vst v0  }
0x55: {  	[tilespmem:s21+$0x6F80] =	vst v0  }
0x56: {  	[tilespmem:s21+$0x6F90] =	vst v0  }
0x57: {  	[tilespmem:s21+$0x6FA0] =	vst v0;
	s21 =	sshra.s32 s22, $0x2;
	s22 =	sadd.s32 $0x200, s22  }
0x58: {  	v2 =	vxor.u32 $0x80000000, v2  }
0x59: {  	(xrf0) =	vmax.scan.msk.u32 $0xffff, v2;
	_ =	sdelay $0x5  }
0x5a: {  	v2, _, _ =	vpop (xrf0)  }
0x5b: {  	(v2sf) =	vpush v2, $0xF;
	_ =	sdelay $0xd  }
0x5c: {  	[tilespmem:s21+$0x6FB0] =	vst v0  }
0x5d: {  	[tilespmem:s21+$0x6F40] =	vst v0;
	s22 =	spop (v2sf)  }
0x5e: {  	[tilespmem:s21+$0x6F50] =	vst v0;
	p0 =	sne.s32 s22, $0x80000001  }
.Ltmp1:
0x5f: {  	[tilespmem:s21+$0x6F60] =	vst v0;
	(pc) =	sbr.rel @p0 .LBB2_7-.Ltmp1, $4  }
0x60: {  	[tilespmem:s21+$0x6F70] =	vst v0  }
0x61: {  	[tilespmem:s21+$0x6F80] =	vst v0  }
0x62: {  	[tilespmem:s21+$0x6F90] =	vst v0  }
0x63: {  	[tilespmem:s21+$0x6FA0] =	vst v0  }
0x64: {  	[tilespmem:$0x1C450] =	vst v0  }
0x65: {  	[tilespmem:$0x1C460] =	vst v0  }
0x66: {  	[tilespmem:$0x1C470] =	vst v0  }
0x67: {  	[tilespmem:$0x1C480] =	vst v0  }
0x68: {  	[tilespmem:$0x1C490] =	vst v0  }
0x69: {  	[tilespmem:$0x1C4A0] =	vst v0  }
0x6a: {  	[tilespmem:$0x1C4B0] =	vst v0  }
0x6b: {  	[tilespmem:$0x1C4C0] =	vst v0  }
0x6c: {  	[tilespmem:$0x1C4D0] =	vst v0  }
0x6d: {  	[tilespmem:$0x1C4E0] =	vst v0  }
0x6e: {  	[tilespmem:$0x1C4F0] =	vst v0  }
0x6f: {  	[tilespmem:$0x1C500] =	vst v0  }
0x70: {  	[tilespmem:$0x1C510] =	vst v0  }
0x71: {  	[tilespmem:$0x1C520] =	vst v0  }
0x72: {  	[tilespmem:$0x1C530] =	vst v0  }
0x73: {  	[tilespmem:$0x1C540] =	vst v0  }
0x74: {  	[tilespmem:$0x1C550] =	vst v0  }
0x75: {  	[tilespmem:$0x1C560] =	vst v0  }
0x76: {  	[tilespmem:$0x1C570] =	vst v0  }
0x77: {  	[tilespmem:$0x1C580] =	vst v0  }
0x78: {  	[tilespmem:$0x1C590] =	vst v0  }
0x79: {  	[tilespmem:$0x1C5A0] =	vst v0  }
0x7a: {  	[tilespmem:$0x1C5B0] =	vst v0  }
0x7b: {  	[tilespmem:$0x1C5C0] =	vst v0  }
0x7c: {  	[tilespmem:$0x1C5D0] =	vst v0  }
0x7d: {  	[tilespmem:$0x1C5E0] =	vst v0  }
0x7e: {  	[tilespmem:$0x1C5F0] =	vst v0  }
0x7f: {  	[tilespmem:$0x1C600] =	vst v0  }
0x80: {  	[tilespmem:$0x1C610] =	vst v0  }
0x81: {  	[tilespmem:$0x1C620] =	vst v0  }
0x82: {  	[tilespmem:$0x1C630] =	vst v0  }
0x83: {  	[tilespmem:$0x1C640] =	vst v0;
	s21 =	simm.s32 $0x40;
	s22 =	simm.s32 $0x0  }
.LBB2_5:
0x84: {  	p1 =	sne.s32 s21, $0x13C0;
	[tilespmem:s22+$0x1BF50] =	vst v1;
	s22 =	smov.u32 s21;
	s21 =	sadd.s32 $0x40, s21  }
.Ltmp2:
0x85: {  	(pc) =	sbr.rel @p1 .LBB2_5-.Ltmp2, $2  }
0x86: {  	_ =	sdelay $0x2  }
0x87: {  	s22 =	sshra.s32 s22, $0x2  }
0x88: {  	[tilespmem:s22+$0x1BF50] =	vst v1  }
.LBB2_7:
0x89: {  	[spmem:s14] =	stream.linear.scatter [tilespmem:s17], [sflag:$0x3], $0x1000, $0x38;
	[tilespmem:$0x1EE50] =	vst v63  }
0x8a: {  	s0 =	rddreg [dreg:$0xe]  }
0x8b: {  	s22 =	rddreg [dreg:$0xf]  }
0x8c: {  	[spmem:s0] =	stream.linear.scatter [tilespmem:s17], [sflag:$0x3], $0x1000, $0x38;
	[tilespmem:$0x1EE50] =	vst v63  }
0x8d: {  	s23 =	rddreg [dreg:$0x10]  }
0x8e: {  	[spmem:s22] =	stream.linear.scatter [tilespmem:s17], [sflag:$0x3], $0x1000, $0x38;
	[tilespmem:$0x1EE50] =	vst v63  }
0x8f: {  	s24 =	rddreg [dreg:$0x11]  }
0x90: {  	[spmem:s23] =	stream.linear.scatter [tilespmem:s17], [sflag:$0x3], $0x1000, $0x38;
	[tilespmem:$0x1EE50] =	vst v63  }
0x91: {  	s25 =	rddreg [dreg:$0x12]  }
0x92: {  	[spmem:s24] =	stream.linear.scatter [tilespmem:s17], [sflag:$0x3], $0x1000, $0x38;
	[tilespmem:$0x1EE50] =	vst v63  }
0x93: {  	s26 =	rddreg [dreg:$0x14]  }
0x94: {  	[spmem:s25] =	stream.linear.scatter [tilespmem:s17], [sflag:$0x3], $0x1000, $0x38;
	[tilespmem:$0x1EE50] =	vst v63  }
0x95: {  	s4 =	rddreg [dreg:$0x15]  }
0x96: {  	[spmem:s26] =	stream.linear.scatter [tilespmem:s17], [sflag:$0x3], $0x1000, $0x38;
	[tilespmem:$0x1EE50] =	vst v63  }
0x97: {  	s8 =	rddreg [dreg:$0x16]  }
0x98: {  	[spmem:s4] =	stream.linear.scatter [tilespmem:s17], [sflag:$0x3], $0x1000, $0x38;
	[tilespmem:$0x1EE50] =	vst v63  }
0x99: {  	s10 =	rddreg [dreg:$0x17]  }
0x9a: {  	[spmem:s8] =	stream.linear.scatter [tilespmem:s17], [sflag:$0x3], $0x1000, $0x38;
	[tilespmem:$0x1EE50] =	vst v63  }
0x9b: {  	s11 =	rddreg [dreg:$0x18]  }
0x9c: {  	[spmem:s10] =	stream.linear.scatter [tilespmem:s17], [sflag:$0x3], $0x1000, $0x38;
	[tilespmem:$0x1EE50] =	vst v63  }
0x9d: {  	s21 =	rddreg [dreg:$0x19]  }
0x9e: {  	[spmem:s11] =	stream.linear.scatter [tilespmem:s17], [sflag:$0x3], $0x1000, $0x38;
	[tilespmem:$0x1EE50] =	vst v63  }
0x9f: {  	s22 =	rddreg [dreg:$0x1a]  }
0xa0: {  	[spmem:s21] =	stream.linear.scatter [tilespmem:s17], [sflag:$0x3], $0x1000, $0x38;
	[tilespmem:$0x1EE50] =	vst v63  }
0xa1: {  	s23 =	rddreg [dreg:$0x1b]  }
0xa2: {  	[spmem:s22] =	stream.linear.scatter [tilespmem:s17], [sflag:$0x3], $0x1000, $0x38;
	[tilespmem:$0x1EE50] =	vst v63  }
0xa3: {  	s24 =	rddreg [dreg:$0x1c]  }
0xa4: {  	[spmem:s23] =	stream.linear.scatter [tilespmem:s17], [sflag:$0x3], $0x1000, $0x38;
	[tilespmem:$0x1EE50] =	vst v63  }
0xa5: {  	s25 =	rddreg [dreg:$0x1d]  }
0xa6: {  	[spmem:s24] =	stream.linear.scatter [tilespmem:s17], [sflag:$0x3], $0x1000, $0x38;
	[tilespmem:$0x1EE50] =	vst v63  }
0xa7: {  	s26 =	rddreg [dreg:$0x1e]  }
0xa8: {  	[spmem:s25] =	stream.linear.scatter [tilespmem:s17], [sflag:$0x3], $0x1000, $0x38;
	[tilespmem:$0x1EE50] =	vst v63  }
0xa9: {  	s4 =	rddreg [dreg:$0x1f]  }
0xaa: {  	[spmem:s26] =	stream.linear.scatter [tilespmem:s17], [sflag:$0x3], $0x1000, $0x38;
	[tilespmem:$0x1EE50] =	vst v63  }
0xab: {  	s8 =	sld [smem:$0x7EA]  }
0xac: {  	[spmem:s4] =	stream.linear.scatter [tilespmem:s17], [sflag:$0x3], $0x1000, $0x38;
	[tilespmem:$0x1EE50] =	vst v63  }
0xad: {  	s10 =	sld [smem:$0x7EB]  }
0xae: {  	[spmem:s8] =	stream.linear.scatter [tilespmem:s17], [sflag:$0x3], $0x1000, $0x38;
	[tilespmem:$0x1EE50] =	vst v63  }
0xaf: {  	_ = 	snop  }
0xb0: {  	[spmem:s10] =	stream.linear.scatter [tilespmem:s17], [sflag:$0x3], $0x1000, $0x38;
	[tilespmem:$0x1EE50] =	vst v63  }
0xb1: {  	s0 =	sld [smem:$0x7EC];
	s21 =	simm.s32 @!p0 $0x1C450  }
0xb2: {  	[spmem:s15] =	stream.linear.scatter @!p0 [tilespmem:s21], [sflag:$0x3], $0x200, $0x38;
	[tilespmem:$0x1EE50] =	vst v63  }
0xb3: {  	_ = 	snop  }
0xb4: {  	[spmem:s0] =	stream.linear.scatter @!p0 [tilespmem:s21], [sflag:$0x3], $0x200, $0x38;
	[tilespmem:$0x1EE50] =	vst v63  }
0xb5: {  	s0 =	sld [smem:$0x7ED];
	_ =	sdelay $0x2  }
0xb6: {  	[spmem:s0] =	stream.linear.scatter @!p0 [tilespmem:s21], [sflag:$0x3], $0x200, $0x38;
	[tilespmem:$0x1EE50] =	vst v63  }
0xb7: {  	s0 =	sld [smem:$0x7EE];
	_ =	sdelay $0x2  }
0xb8: {  	[spmem:s0] =	stream.linear.scatter @!p0 [tilespmem:s21], [sflag:$0x3], $0x200, $0x38;
	[tilespmem:$0x1EE50] =	vst v63  }
0xb9: {  	s0 =	sld [smem:$0x7EF];
	_ =	sdelay $0x2  }
0xba: {  	[spmem:s0] =	stream.linear.scatter @!p0 [tilespmem:s21], [sflag:$0x3], $0x200, $0x38;
	[tilespmem:$0x1EE50] =	vst v63  }
0xbb: {  	s0 =	sld [smem:$0x7F0];
	_ =	sdelay $0x2  }
0xbc: {  	[spmem:s0] =	stream.linear.scatter @!p0 [tilespmem:s21], [sflag:$0x3], $0x200, $0x38;
	[tilespmem:$0x1EE50] =	vst v63  }
0xbd: {  	s0 =	sld [smem:$0x7F1];
	_ =	sdelay $0x2  }
0xbe: {  	[spmem:s0] =	stream.linear.scatter @!p0 [tilespmem:s21], [sflag:$0x3], $0x200, $0x38;
	[tilespmem:$0x1EE50] =	vst v63  }
0xbf: {  	s0 =	sld [smem:$0x7F2];
	_ =	sdelay $0x2  }
0xc0: {  	[spmem:s0] =	stream.linear.scatter @!p0 [tilespmem:s21], [sflag:$0x3], $0x200, $0x38;
	[tilespmem:$0x1EE50] =	vst v63  }
0xc1: {  	s0 =	sld [smem:$0x7F3];
	_ =	sdelay $0x2  }
0xc2: {  	[spmem:s0] =	stream.linear.scatter @!p0 [tilespmem:s21], [sflag:$0x3], $0x200, $0x38;
	[tilespmem:$0x1EE50] =	vst v63  }
0xc3: {  	s0 =	sld [smem:$0x7F4];
	_ =	sdelay $0x2  }
0xc4: {  	[spmem:s0] =	stream.linear.scatter @!p0 [tilespmem:s21], [sflag:$0x3], $0x200, $0x38;
	[tilespmem:$0x1EE50] =	vst v63  }
0xc5: {  	s0 =	sld [smem:$0x7F5];
	_ =	sdelay $0x2  }
0xc6: {  	[spmem:s0] =	stream.linear.scatter @!p0 [tilespmem:s21], [sflag:$0x3], $0x200, $0x38;
	[tilespmem:$0x1EE50] =	vst v63  }
0xc7: {  	s0 =	sld [smem:$0x7F6];
	_ =	sdelay $0x2  }
0xc8: {  	[spmem:s0] =	stream.linear.scatter @!p0 [tilespmem:s21], [sflag:$0x3], $0x200, $0x38;
	[tilespmem:$0x1EE50] =	vst v63  }
0xc9: {  	s0 =	sld [smem:$0x7F7];
	_ =	sdelay $0x2  }
0xca: {  	[spmem:s0] =	stream.linear.scatter @!p0 [tilespmem:s21], [sflag:$0x3], $0x200, $0x38;
	[tilespmem:$0x1EE50] =	vst v63  }
0xcb: {  	s0 =	sld [smem:$0x7F8];
	_ =	sdelay $0x2  }
0xcc: {  	[spmem:s0] =	stream.linear.scatter @!p0 [tilespmem:s21], [sflag:$0x3], $0x200, $0x38;
	[tilespmem:$0x1EE50] =	vst v63  }
0xcd: {  	s0 =	sld [smem:$0x7F9];
	_ =	sdelay $0x2  }
0xce: {  	[spmem:s0] =	stream.linear.scatter @!p0 [tilespmem:s21], [sflag:$0x3], $0x200, $0x38;
	[tilespmem:$0x1EE50] =	vst v63  }
0xcf: {  	s0 =	sld [smem:$0x7FA];
	_ =	sdelay $0x2  }
0xd0: {  	[spmem:s0] =	stream.linear.scatter @!p0 [tilespmem:s21], [sflag:$0x3], $0x200, $0x38;
	[tilespmem:$0x1EE50] =	vst v63  }
0xd1: {  	s0 =	sld [smem:$0x7FB];
	_ =	sdelay $0x2  }
0xd2: {  	[spmem:s0] =	stream.linear.scatter @!p0 [tilespmem:s21], [sflag:$0x3], $0x200, $0x38;
	[tilespmem:$0x1EE50] =	vst v63  }
0xd3: {  	s0 =	sld [smem:$0x7FC];
	_ =	sdelay $0x2  }
0xd4: {  	[spmem:s0] =	stream.linear.scatter @!p0 [tilespmem:s21], [sflag:$0x3], $0x200, $0x38;
	[tilespmem:$0x1EE50] =	vst v63  }
0xd5: {  	s0 =	sld [smem:$0x7FD];
	_ =	sdelay $0x2  }
0xd6: {  	[spmem:s0] =	stream.linear.scatter @!p0 [tilespmem:s21], [sflag:$0x3], $0x200, $0x38;
	[tilespmem:$0x1EE50] =	vst v63  }
0xd7: {  	_ = 	snop  }
0xd8: {  	[spmem:s12] =	stream.linear.scatter @!p0 [tilespmem:s21], [sflag:$0x3], $0x200, $0x38;
	[tilespmem:$0x1EE50] =	vst v63  }
0xd9: {  	_ =	swait.ge [sflag:s18], $0x1000  }
0xda: {  	[sflag:s18] =	ssyncset.done $0x0  }
0xdb: {  	[sflag:s18] =	ssyncadd.s32 $0xFFFFF000  }
0xdc: {  	_ =	swait.ge [sflag:s18], $0x1000  }
0xdd: {  	[sflag:s18] =	ssyncset.done $0x0  }
0xde: {  	[sflag:s18] =	ssyncadd.s32 $0xFFFFF000  }
0xdf: {  	_ =	swait.ge [sflag:s18], $0x1000  }
0xe0: {  	[sflag:s18] =	ssyncset.done $0x0  }
0xe1: {  	[sflag:s18] =	ssyncadd.s32 $0xFFFFF000  }
0xe2: {  	_ =	swait.ge [sflag:s18], $0x1000  }
0xe3: {  	[sflag:s18] =	ssyncset.done $0x0  }
0xe4: {  	[sflag:s18] =	ssyncadd.s32 $0xFFFFF000  }
0xe5: {  	_ =	swait.ge [sflag:s18], $0x1000  }
0xe6: {  	[sflag:s18] =	ssyncset.done $0x0  }
0xe7: {  	[sflag:s18] =	ssyncadd.s32 $0xFFFFF000  }
0xe8: {  	_ =	swait.ge [sflag:s18], $0x1000  }
0xe9: {  	[sflag:s18] =	ssyncset.done $0x0  }
0xea: {  	[sflag:s18] =	ssyncadd.s32 $0xFFFFF000  }
0xeb: {  	_ =	swait.ge [sflag:s18], $0x1000  }
0xec: {  	[sflag:s18] =	ssyncset.done $0x0  }
0xed: {  	[sflag:s18] =	ssyncadd.s32 $0xFFFFF000  }
0xee: {  	_ =	swait.ge [sflag:s18], $0x1000  }
0xef: {  	[sflag:s18] =	ssyncset.done $0x0  }
0xf0: {  	[sflag:s18] =	ssyncadd.s32 $0xFFFFF000  }
0xf1: {  	_ =	swait.ge [sflag:s18], $0x1000  }
0xf2: {  	[sflag:s18] =	ssyncset.done $0x0  }
0xf3: {  	[sflag:s18] =	ssyncadd.s32 $0xFFFFF000  }
0xf4: {  	_ =	swait.ge [sflag:s18], $0x1000  }
0xf5: {  	[sflag:s18] =	ssyncset.done $0x0  }
0xf6: {  	[sflag:s18] =	ssyncadd.s32 $0xFFFFF000  }
0xf7: {  	_ =	swait.ge [sflag:s18], $0x1000  }
0xf8: {  	[sflag:s18] =	ssyncset.done $0x0  }
0xf9: {  	[sflag:s18] =	ssyncadd.s32 $0xFFFFF000  }
0xfa: {  	_ =	swait.ge [sflag:s18], $0x1000  }
0xfb: {  	[sflag:s18] =	ssyncset.done $0x0  }
0xfc: {  	[sflag:s18] =	ssyncadd.s32 $0xFFFFF000  }
0xfd: {  	_ =	swait.ge [sflag:s18], $0x1000  }
0xfe: {  	[sflag:s18] =	ssyncset.done $0x0  }
0xff: {  	[sflag:s18] =	ssyncadd.s32 $0xFFFFF000  }
0x100: {  	_ =	swait.ge [sflag:s18], $0x1000  }
0x101: {  	[sflag:s18] =	ssyncset.done $0x0  }
0x102: {  	[sflag:s18] =	ssyncadd.s32 $0xFFFFF000  }
0x103: {  	_ =	swait.ge [sflag:s18], $0x1000  }
0x104: {  	[sflag:s18] =	ssyncset.done $0x0  }
0x105: {  	[sflag:s18] =	ssyncadd.s32 $0xFFFFF000  }
0x106: {  	_ =	swait.ge [sflag:s18], $0x1000  }
0x107: {  	[sflag:s18] =	ssyncset.done $0x0  }
0x108: {  	[sflag:s18] =	ssyncadd.s32 $0xFFFFF000  }
0x109: {  	_ =	swait.ge [sflag:s18], $0x1000  }
0x10a: {  	[sflag:s18] =	ssyncset.done $0x0  }
0x10b: {  	[sflag:s18] =	ssyncadd.s32 $0xFFFFF000  }
0x10c: {  	_ =	swait.ge [sflag:s18], $0x1000  }
0x10d: {  	[sflag:s18] =	ssyncset.done $0x0  }
0x10e: {  	[sflag:s18] =	ssyncadd.s32 $0xFFFFF000  }
0x10f: {  	_ =	swait.ge [sflag:s18], $0x1000  }
0x110: {  	[sflag:s18] =	ssyncset.done $0x0  }
0x111: {  	[sflag:s18] =	ssyncadd.s32 $0xFFFFF000  }
0x112: {  	_ =	swait.ge [sflag:s18], $0x1000  }
0x113: {  	[sflag:s18] =	ssyncset.done $0x0  }
0x114: {  	s21 =	simm.s32 @!p0 $0x3;
	[sflag:s18] =	ssyncadd.s32 $0xFFFFF000  }
0x115: {  	_ =	swait.ge @!p0 [sflag:s21], $0x200  }
0x116: {  	[sflag:s21] =	ssyncset.done @!p0 $0x0  }
0x117: {  	[sflag:s21] =	ssyncadd.s32 @!p0 $0xFFFFFE00  }
0x118: {  	_ =	swait.ge @!p0 [sflag:s21], $0x200  }
0x119: {  	[sflag:s21] =	ssyncset.done @!p0 $0x0  }
0x11a: {  	[sflag:s21] =	ssyncadd.s32 @!p0 $0xFFFFFE00  }
0x11b: {  	_ =	swait.ge @!p0 [sflag:s21], $0x200  }
0x11c: {  	[sflag:s21] =	ssyncset.done @!p0 $0x0  }
0x11d: {  	[sflag:s21] =	ssyncadd.s32 @!p0 $0xFFFFFE00  }
0x11e: {  	_ =	swait.ge @!p0 [sflag:s21], $0x200  }
0x11f: {  	[sflag:s21] =	ssyncset.done @!p0 $0x0  }
0x120: {  	[sflag:s21] =	ssyncadd.s32 @!p0 $0xFFFFFE00  }
0x121: {  	_ =	swait.ge @!p0 [sflag:s21], $0x200  }
0x122: {  	[sflag:s21] =	ssyncset.done @!p0 $0x0  }
0x123: {  	[sflag:s21] =	ssyncadd.s32 @!p0 $0xFFFFFE00  }
0x124: {  	_ =	swait.ge @!p0 [sflag:s21], $0x200  }
0x125: {  	[sflag:s21] =	ssyncset.done @!p0 $0x0  }
0x126: {  	[sflag:s21] =	ssyncadd.s32 @!p0 $0xFFFFFE00  }
0x127: {  	_ =	swait.ge @!p0 [sflag:s21], $0x200  }
0x128: {  	[sflag:s21] =	ssyncset.done @!p0 $0x0  }
0x129: {  	[sflag:s21] =	ssyncadd.s32 @!p0 $0xFFFFFE00  }
0x12a: {  	_ =	swait.ge @!p0 [sflag:s21], $0x200  }
0x12b: {  	[sflag:s21] =	ssyncset.done @!p0 $0x0  }
0x12c: {  	[sflag:s21] =	ssyncadd.s32 @!p0 $0xFFFFFE00  }
0x12d: {  	_ =	swait.ge @!p0 [sflag:s21], $0x200  }
0x12e: {  	[sflag:s21] =	ssyncset.done @!p0 $0x0  }
0x12f: {  	[sflag:s21] =	ssyncadd.s32 @!p0 $0xFFFFFE00  }
0x130: {  	_ =	swait.ge @!p0 [sflag:s21], $0x200  }
0x131: {  	[sflag:s21] =	ssyncset.done @!p0 $0x0  }
0x132: {  	[sflag:s21] =	ssyncadd.s32 @!p0 $0xFFFFFE00  }
0x133: {  	_ =	swait.ge @!p0 [sflag:s21], $0x200  }
0x134: {  	[sflag:s21] =	ssyncset.done @!p0 $0x0  }
0x135: {  	[sflag:s21] =	ssyncadd.s32 @!p0 $0xFFFFFE00  }
0x136: {  	_ =	swait.ge @!p0 [sflag:s21], $0x200  }
0x137: {  	[sflag:s21] =	ssyncset.done @!p0 $0x0  }
0x138: {  	[sflag:s21] =	ssyncadd.s32 @!p0 $0xFFFFFE00  }
0x139: {  	_ =	swait.ge @!p0 [sflag:s21], $0x200  }
0x13a: {  	[sflag:s21] =	ssyncset.done @!p0 $0x0  }
0x13b: {  	[sflag:s21] =	ssyncadd.s32 @!p0 $0xFFFFFE00  }
0x13c: {  	_ =	swait.ge @!p0 [sflag:s21], $0x200  }
0x13d: {  	[sflag:s21] =	ssyncset.done @!p0 $0x0  }
0x13e: {  	[sflag:s21] =	ssyncadd.s32 @!p0 $0xFFFFFE00  }
0x13f: {  	_ =	swait.ge @!p0 [sflag:s21], $0x200  }
0x140: {  	[sflag:s21] =	ssyncset.done @!p0 $0x0  }
0x141: {  	s22 =	simm.s32 $0x0;
	[sflag:s21] =	ssyncadd.s32 @!p0 $0xFFFFFE00  }
0x142: {  	s23 =	smul.u32 $0x29, s22;
	_ =	swait.ge @!p0 [sflag:s21], $0x200  }
0x143: {  	[sflag:s21] =	ssyncset.done @!p0 $0x0  }
0x144: {  	p1 =	por $0x0, $0x0;
	s24 =	sadd.s32 $0x29, s23;
	[sflag:s21] =	ssyncadd.s32 @!p0 $0xFFFFFE00  }
0x145: {  	s22 =	sand.u32 $0x1, s22;
	s24 =	sshrl.u32 s24, $0xA;
	_ =	swait.ge @!p0 [sflag:s21], $0x200  }
0x146: {  	s25 =	sand.u32 $0x3F, s24;
	s29 =	sand.u32 $0x1, s24;
	[sflag:s21] =	ssyncset.done @!p0 $0x0  }
0x147: {  	s24 =	sxor.u32 $0x1, s22;
	s22 =	smul.u32 $0xA000, s22;
	[sflag:s21] =	ssyncadd.s32 @!p0 $0xFFFFFE00  }
0x148: {  	s24 =	smul.u32 @!p1 $0xA000, s24;
	_ =	swait.ge @!p0 [sflag:s21], $0x200  }
0x149: {  	s23 =	sshrl.u32 s23, $0xA;
	s31 =	smul.u32 @!p1 $0x1F40, s29;
	[sflag:s21] =	ssyncset.done @!p0 $0x0  }
0x14a: {  	s23 =	sand.u32 $0x3F, s23;
	s26 =	smul.u32 $0x19, s25;
	[sflag:s21] =	ssyncadd.s32 @!p0 $0xFFFFFE00  }
0x14b: {  	s22 =	sshrl.u32 s22, $0x2;
	s24 =	sshrl.u32 @!p1 s24, $0x2;
	_ =	swait.ge @!p0 [sflag:s21], $0x200  }
0x14c: {  	s31 =	sshrl.u32 @!p1 s31, $0x2;
	s26 =	ssub.s32 $0x1, s26;
	[sflag:s21] =	ssyncset.done @!p0 $0x0  }
0x14d: {  	s22 =	sadd.s32 $0x1F40, s22;
	s28 =	sand.u32 @!p1 $0xFF, s26;
	[sflag:s21] =	ssyncadd.s32 @!p0 $0xFFFFFE00  }
0x14e: {  	p2 =	sne.s32 @!p1 s28, $0x0;
	s28 =	smul.u32 $0x19, s23;
	_ =	swait.ge @!p0 [sflag:s21], $0x200  }
0x14f: {  	s23 =	sand.u32 $0x1, s23;
	p4 =	por p2, p1;
	[sflag:s21] =	ssyncset.done @!p0 $0x0  }
0x150: {  	p3 =	seq.s32 s23, $0x1;
	s28 =	ssub.s32 $0x0, s28;
	[sflag:s21] =	ssyncadd.s32 @!p0 $0xFFFFFE00  }
0x151: {  	s30 =	simm.s32 @!p4 $0x2;
	s11 =	sand.u32 $0xFF, s28;
	[bflag:$0x0] =	sbarrier.arrive $0xFFFF  }
0x152: {  	s28 =	sand.u32 $0xFF, s26;
	s23 =	smul.u32 $0x140, s11;
	_ =	swait.ge @!p4 [sflag:s30], $0x7D0  }
0x153: {  	p2 =	por $0x0, $0x0;
	s28 =	smul.u32 @!p1 $0x140, s28;
	[sflag:s30] =	ssyncset.done @!p4 $0x0  }
0x154: {  	s24 =	sadd.s32 @!p1 $0x1F40, s24;
	s26 =	sand.u32 @!p2 $0xFF, s26;
	[sflag:s30] =	ssyncadd.s32 @!p4 $0xFFFFF830  }
0x155: {  	s28 =	sshrl.u32 @!p1 s28, $0x2;
	s23 =	sshrl.u32 s23, $0x2;
	_ =	swait.ge @!p4 [sflag:s30], $0x7D0  }
0x156: {  	s28 =	sadd.s32 @!p1 s28, s31;
	s31 =	simm.s32 @!p1 $0x50;
	[sflag:s30] =	ssyncset.done @!p4 $0x0  }
0x157: {  	s21 =	simm.s32 $0x1;
	[sflag:s30] =	ssyncadd.s32 @!p4 $0xFFFFF830;
	s30 =	simm.s32 $0x7D0  }
0x158: {  	[tilespmem:s24], [sflag:$0x1] =	stream.indirect.gather @!p1 [hbm4b:s1+s31], $0x80, s28, s31, $0xb8;
	[tilespmem:$0x1EE50] =	vst v63  }
0x159: {  	s30 =	simm.s32 @!p3 $0x0;
	p1 =	sne.s32 @!p2 s26, $0x0;
	_ =	swait.ge [sflag:s19], $0x2800  }
0x15a: {  	s24 =	simm.s32 @!p0 $0x50;
	s23 =	sadd.s32 s23, s30;
	[sflag:s19] =	ssyncset.done $0x0  }
0x15b: {  	p2 =	por p1, p2;
	s28 =	sadd.s32 $0xFA0, s23;
	[sflag:s19] =	ssyncadd.s32 $0xFFFFD800  }
0x15c: {  	[spmem:s2] =	stream.indirect.scatter.add.f32 [tilespmem:s22], [sflag:$0x4], $0x80, s28, s16, $0xb8;
	[tilespmem:$0x1EE50] =	vst v63  }
0x15d: {  	p1 =	por $0x0, $0x0;
	s23 =	simm.s32 @!p0 $0x4;
	_ =	swait.ge [sflag:s13], $0x2800  }
0x15e: {  	s25 =	smul.u32 @!p2 $0x7D0, s25;
	s26 =	sxor.u32 @!p2 $0x1, s29;
	[sflag:s13] =	ssyncset.done $0x0  }
0x15f: {  	s26 =	smul.u32 @!p2 $0x7D0, s26;
	s22 =	simm.s32 @!p0 $0x1BF50;
	[sflag:s13] =	ssyncadd.s32 $0xFFFFD800  }
0x160: {  	[spmem:s3] =	stream.indirect.scatter.add.f32 @!p0 [tilespmem:s22], [sflag:$0x4], $0x10, s28, s24, $0xb8;
	[tilespmem:$0x1EE50] =	vst v63  }
0x161: {  	s29 =	smul.u32 $0x29, s21;
	s25 =	sadd.s32 @!p2 s25, s9;
	_ =	swait.ge @!p0 [sflag:s23], $0x500  }
0x162: {  	s31 =	sshrl.u32 @!p2 s25, $0x3;
	s30 =	sadd.s32 @!p2 $0xFA0, s26;
	[sflag:s23] =	ssyncset.done @!p0 $0x0  }
0x163: {  	s25 =	sadd.s32 @!p2 s6, s31;
	s28 =	simm.s32 @!p2 $0x0;
	[sflag:s23] =	ssyncadd.s32 @!p0 $0xFFFFFB00  }
0x164: {  	[tilespmem:s26], [sflag:$0x2] =	stream.linear.gather @!p2 [hbm4b:s25+s28], $0x7D0, $0x38;
	[tilespmem:$0x1EE50] =	vst v63  }
0x165: {  	s31 =	sadd.s32 @!p2 s7, s31;
	s25 =	simm.s32 $0x2;
	s26 =	simm.s32 $0x2  }
.LBB2_8:
0x166: {  	[tilespmem:s30], [sflag:$0x2] =	stream.linear.gather @!p2 [hbm4b:s31+s28], $0x7D0, $0x38;
	[tilespmem:$0x1EE50] =	vst v63  }
0x167: {  	s30 =	smov.u32 s25;
	s28 =	sshrl.u32 s29, $0xA;
	s29 =	sadd.s32 $0x29, s29  }
0x168: {  	s25 =	sadd.s32 $0x1, s25;
	s0 =	sand.u32 $0x3F, s28;
	s29 =	sshrl.u32 s29, $0xA  }
0x169: {  	s31 =	sand.u32 $0x1, s21;
	s4 =	smul.u32 $0x19, s0;
	s28 =	sand.u32 $0x3F, s29  }
0x16a: {  	s8 =	sxor.u32 $0x1, s31;
	s29 =	sand.u32 $0x1, s29;
	s10 =	smul.u32 $0x19, s28  }
0x16b: {  	s8 =	smul.u32 @!p1 $0xA000, s8;
	s0 =	sand.u32 $0x1, s0;
	s4 =	ssub.s32 s21, s4  }
0x16c: {  	p3 =	seq.s32 s0, $0x1;
	s0 =	sand.u32 $0xFF, s4;
	s4 =	ssub.s32 s26, s10  }
0x16d: {  	p2 =	sgt.u32 s21, $0x62;
	s10 =	sand.u32 $0xFF, s4  }
0x16e: {  	s21 =	sand.u32 @!p1 $0xFF, s4;
	s0 =	smul.u32 $0x140, s0;
	s4 =	sand.u32 @!p2 $0xFF, s4  }
0x16f: {  	p4 =	sne.s32 @!p1 s21, $0x0;
	s10 =	smul.u32 @!p1 $0x140, s10;
	s21 =	simm.s32 $0x7D0  }
0x170: {  	p5 =	por p4, p1;
	s21 =	simm.s32 @!p3 $0x0;
	s0 =	sshrl.u32 s0, $0x2  }
0x171: {  	s11 =	simm.s32 @!p5 $0x2;
	s10 =	sshrl.u32 @!p1 s10, $0x2;
	s0 =	sadd.s32 s0, s21  }
0x172: {  	s8 =	sshrl.u32 @!p1 s8, $0x2;
	p4 =	sne.s32 @!p2 s4, $0x0;
	_ =	swait.ge @!p5 [sflag:s11], $0x7D0  }
0x173: {  	s4 =	sadd.s32 @!p1 $0x1F40, s8;
	s8 =	smul.u32 $0xA000, s31;
	[sflag:s11] =	ssyncset.done @!p5 $0x0  }
0x174: {  	p3 =	sne.s32 s25, $0x7D;
	s21 =	smul.u32 @!p1 $0x1F40, s29;
	[sflag:s11] =	ssyncadd.s32 @!p5 $0xFFFFF830  }
0x175: {  	s26 =	smov.u32 s25;
	s8 =	sshrl.u32 s8, $0x2;
	_ =	swait.ge @!p5 [sflag:s11], $0x7D0  }
0x176: {  	s31 =	sshrl.u32 @!p1 s21, $0x2;
	s21 =	smov.u32 s30;
	[sflag:s11] =	ssyncset.done @!p5 $0x0  }
0x177: {  	s10 =	sadd.s32 @!p1 s10, s31;
	[sflag:s11] =	ssyncadd.s32 @!p5 $0xFFFFF830;
	s11 =	simm.s32 @!p1 $0x50  }
0x178: {  	[tilespmem:s4], [sflag:$0x1] =	stream.indirect.gather @!p1 [hbm4b:s1+s11], $0x80, s10, s11, $0xb8;
	[tilespmem:$0x1EE50] =	vst v63  }
0x179: {  	_ =	swait.ge [sflag:s19], $0x2800  }
0x17a: {  	[sflag:s19] =	ssyncset.done $0x0  }
0x17b: {  	s0 =	sadd.s32 $0xFA0, s0;
	s4 =	sadd.s32 $0x1F40, s8;
	[sflag:s19] =	ssyncadd.s32 $0xFFFFD800  }
0x17c: {  	[spmem:s2] =	stream.indirect.scatter.add.f32 [tilespmem:s4], [sflag:$0x4], $0x80, s0, s16, $0xb8;
	[tilespmem:$0x1EE50] =	vst v63  }
0x17d: {  	_ =	swait.ge [sflag:s13], $0x2800  }
0x17e: {  	p2 =	por p4, p2;
	[sflag:s13] =	ssyncset.done $0x0  }
0x17f: {  	s8 =	sxor.u32 @!p2 $0x1, s29;
	s4 =	smul.u32 @!p2 $0x7D0, s28;
	[sflag:s13] =	ssyncadd.s32 $0xFFFFD800  }
0x180: {  	[spmem:s3] =	stream.indirect.scatter.add.f32 @!p0 [tilespmem:s22], [sflag:$0x4], $0x10, s0, s24, $0xb8;
	[tilespmem:$0x1EE50] =	vst v63  }
0x181: {  	s0 =	sadd.s32 @!p2 s4, s9;
	s4 =	smul.u32 @!p2 $0x7D0, s8  }
.Ltmp3:
0x182: {  	_ =	swait.ge @!p0 [sflag:s23], $0x500;
	(pc) =	sbr.rel @p3 .LBB2_8-.Ltmp3, $4  }
0x183: {  	s28 =	simm.s32 @!p2 $0x0;
	s0 =	sshrl.u32 @!p2 s0, $0x3;
	[sflag:s23] =	ssyncset.done @!p0 $0x0  }
0x184: {  	s8 =	sadd.s32 @!p2 s6, s0;
	s30 =	sadd.s32 @!p2 $0xFA0, s4;
	[sflag:s23] =	ssyncadd.s32 @!p0 $0xFFFFFB00  }
0x185: {  	[tilespmem:s4], [sflag:$0x2] =	stream.linear.gather @!p2 [hbm4b:s8+s28], $0x7D0, $0x38;
	[tilespmem:$0x1EE50] =	vst v63  }
0x186: {  	s29 =	smul.u32 $0x29, s21;
	p1 =	seq.s32 s21, $0x7C;
	s31 =	sadd.s32 @!p2 s7, s0  }
0x187: {  	[tilespmem:s30], [sflag:$0x2] =	stream.linear.gather @!p2 [hbm4b:s31+s28], $0x7D0, $0x38;
	[tilespmem:$0x1EE50] =	vst v63  }
0x188: {  	s0 =	sadd.s32 $0x29, s29  }
0x189: {  	s0 =	sshrl.u32 s0, $0xA  }
0x18a: {  	s4 =	sand.u32 $0x3F, s0  }
0x18b: {  	s22 =	sand.u32 $0x1, s21;
	s8 =	smul.u32 $0x19, s4  }
0x18c: {  	s10 =	sshrl.u32 s29, $0xA;
	s23 =	sxor.u32 $0x1, s22;
	s22 =	smul.u32 $0xA000, s22  }
0x18d: {  	s10 =	sand.u32 $0x3F, s10;
	s23 =	smul.u32 @!p1 $0xA000, s23;
	s8 =	ssub.s32 s26, s8  }
0x18e: {  	s31 =	smul.u32 $0x19, s10;
	s11 =	sand.u32 @!p1 $0xFF, s8  }
0x18f: {  	s0 =	sand.u32 $0x1, s0;
	s10 =	sand.u32 $0x1, s10;
	p2 =	sne.s32 @!p1 s11, $0x0  }
0x190: {  	p3 =	seq.s32 s10, $0x1;
	s11 =	ssub.s32 s21, s31;
	p4 =	por p2, p1  }
0x191: {  	s25 =	sand.u32 $0xFF, s11;
	s11 =	sand.u32 $0xFF, s8;
	s24 =	simm.s32 @!p4 $0x2  }
0x192: {  	p2 =	sgt.u32 s21, $0x62;
	s21 =	smul.u32 @!p1 $0x1F40, s0;
	_ =	swait.ge @!p4 [sflag:s24], $0x7D0  }
0x193: {  	s23 =	sshrl.u32 @!p1 s23, $0x2;
	s11 =	smul.u32 @!p1 $0x140, s11;
	[sflag:s24] =	ssyncset.done @!p4 $0x0  }
0x194: {  	s23 =	sadd.s32 @!p1 $0x1F40, s23;
	s26 =	sshrl.u32 s22, $0x2;
	[sflag:s24] =	ssyncadd.s32 @!p4 $0xFFFFF830  }
0x195: {  	s21 =	sshrl.u32 @!p1 s21, $0x2;
	s11 =	sshrl.u32 @!p1 s11, $0x2;
	_ =	swait.ge @!p4 [sflag:s24], $0x7D0  }
0x196: {  	s10 =	smul.u32 $0x140, s25;
	s11 =	sadd.s32 @!p1 s11, s21;
	[sflag:s24] =	ssyncset.done @!p4 $0x0  }
0x197: {  	s21 =	simm.s32 @!p1 $0x50;
	[sflag:s24] =	ssyncadd.s32 @!p4 $0xFFFFF830;
	s24 =	simm.s32 $0x7D0  }
0x198: {  	[tilespmem:s23], [sflag:$0x1] =	stream.indirect.gather @!p1 [hbm4b:s1+s21], $0x80, s11, s21, $0xb8;
	[tilespmem:$0x1EE50] =	vst v63  }
0x199: {  	s10 =	sshrl.u32 s10, $0x2;
	s24 =	simm.s32 @!p3 $0x0;
	_ =	swait.ge [sflag:s19], $0x2800  }
0x19a: {  	s8 =	sand.u32 @!p2 $0xFF, s8;
	s10 =	sadd.s32 s10, s24;
	[sflag:s19] =	ssyncset.done $0x0  }
0x19b: {  	s11 =	sadd.s32 $0x1F40, s26;
	s10 =	sadd.s32 $0xFA0, s10;
	[sflag:s19] =	ssyncadd.s32 $0xFFFFD800  }
0x19c: {  	[spmem:s2] =	stream.indirect.scatter.add.f32 [tilespmem:s11], [sflag:$0x4], $0x80, s10, s16, $0xb8;
	[tilespmem:$0x1EE50] =	vst v63  }
0x19d: {  	p1 =	sne.s32 @!p2 s8, $0x0;
	s8 =	simm.s32 @!p0 $0x1BF50;
	_ =	swait.ge [sflag:s13], $0x2800  }
0x19e: {  	s21 =	simm.s32 @!p0 $0x50;
	p1 =	por p1, p2;
	[sflag:s13] =	ssyncset.done $0x0  }
0x19f: {  	s4 =	smul.u32 @!p1 $0x7D0, s4;
	s11 =	simm.s32 @!p0 $0x4;
	[sflag:s13] =	ssyncadd.s32 $0xFFFFD800  }
0x1a0: {  	[spmem:s3] =	stream.indirect.scatter.add.f32 @!p0 [tilespmem:s8], [sflag:$0x4], $0x10, s10, s21, $0xb8;
	[tilespmem:$0x1EE50] =	vst v63  }
0x1a1: {  	s0 =	sxor.u32 @!p1 $0x1, s0;
	s4 =	sadd.s32 @!p1 s4, s9;
	_ =	swait.ge @!p0 [sflag:s11], $0x500  }
0x1a2: {  	s0 =	smul.u32 @!p1 $0x7D0, s0;
	s4 =	sshrl.u32 @!p1 s4, $0x3;
	[sflag:s11] =	ssyncset.done @!p0 $0x0  }
0x1a3: {  	s8 =	simm.s32 @!p1 $0x0;
	s10 =	sadd.s32 @!p1 s6, s4;
	[sflag:s11] =	ssyncadd.s32 @!p0 $0xFFFFFB00  }
0x1a4: {  	[tilespmem:s0], [sflag:$0x2] =	stream.linear.gather @!p1 [hbm4b:s10+s8], $0x7D0, $0x38;
	[tilespmem:$0x1EE50] =	vst v63  }
0x1a5: {  	s4 =	sadd.s32 @!p1 s7, s4;
	s0 =	sadd.s32 @!p1 $0xFA0, s0  }
0x1a6: {  	[tilespmem:s0], [sflag:$0x2] =	stream.linear.gather @!p1 [hbm4b:s4+s8], $0x7D0, $0x38;
	[tilespmem:$0x1EE50] =	vst v63  }
0x1a7: {  	s28 =	stileid.u32;
	[bflag:$0x0] =	sbarrier.arrive $0xFFFF  }
0x1a8: {  	s0 =	sshll.u32 s28, $0x6;
	s29 =	rddreg [dreg:$0xa]  }
0x1a9: {  	s0 =	sor.u32 $0x1C03, s0;
	s30 =	rddreg [dreg:$0x13]  }
0x1aa: {  	[hbm:s29], [sflag:s0] =	dma.local [spmem:s30], $0x2800  }
0x1ab: {  	s4 =	rddreg [dreg:$0xc]  }
0x1ac: {  	s8 =	rddreg [dreg:$0xb];
	s4 =	sshrl.u32 @!p0 s4, $0x3  }
0x1ad: {  	[hbm:s8], [sflag:s0] =	dma.local @!p0 [spmem:s4], $0x500  }
0x1ae: {  	s0 =	simm.s32 @!p0 $0x3  }
0x1af: {  	_ =	swait.ge @!p0 [sflag:s0], $0x500  }
0x1b0: {  	[sflag:s0] =	ssyncset.done @!p0 $0x0  }
0x1b1: {  	[sflag:s0] =	ssyncadd.s32 @!p0 $0xFFFFFB00  }
0x1b2: {  	_ =	swait.ge [sflag:s18], $0x2800  }
0x1b3: {  	s20 =	sadd.s32 $0x1, s20;
	s31 =	rddreg [dreg:$0xd]  }
0x1b4: {  	p0 =	sne.s32 s20, s31  }
.Ltmp4:
0x1b5: {  	_ = 	snop;
	(pc) =	sbr.rel @p0 .LBB2_1-.Ltmp4, $3  }
0x1b6: {  	_ =	sdelay $0x1  }
0x1b7: {  	[sflag:s18] =	ssyncset.done $0x0  }
0x1b8: {  	[sflag:s18] =	ssyncadd.s32 $0xFFFFD800  }
0x1b9: {  	_ =	sfence.sel $0x180000  }
0x1ba: {  	[bflag:$0x0] =	sbarrier.arrive $0xFFFF  }
0x1bb: {  	_ =	strace $0x9000004A  }
0x1bc: {  	s0 =	stileid.u32;
	[bflag:$0x2] =	sbarrier.arrive $0xFFFF  }
0x1bd: {  	p0 =	sne.s32 s0, $0x0;
	s0 =	rddreg [dreg:$0x4]  }
0x1be: {  	s0 =	sadd.s32 @!p0 $0x100000, s0  }
0x1bf: {  	[sflag:s0] =	ssyncadd.tile.s32 @!p0 $0x1;
	_ =	shalt  }
.Lfunc_end2:
_tile_overlayer_lowered:
.L_overlay_start_2:
0x1c0: {  	(tag) =	ssettag $0x2  }
0x1c1: {  	s0 =	rddreg [dreg:$0x0];
	s2 =	stileid.u32  }
0x1c2: {  	s1 =	rddreg [dreg:$0x1];
	p0 =	sne.s32 s2, $0x0  }
0x1c3: {  	s3 =	rddreg [dreg:$0x2];
	[bflag:$0x3] =	sbarrier.arrive $0xFFFF;
	s2 =	simm.s32 @!p0 $0x1C04  }
0x1c4: {  	[timem:s3], [sflag:s2] =	dma.local @!p0 [hbm:s0], s1  }
0x1c5: {  	s0 =	simm.s32 @!p0 $0x4  }
0x1c6: {  	_ =	swait.ge @!p0 [sflag:s0], s1  }
0x1c7: {  	s1 =	ssub.s32 @!p0 $0x0, s1;
	[sflag:s0] =	ssyncset.done @!p0 $0x0  }
0x1c8: {  	[sflag:s0] =	ssyncadd.s32 @!p0 s1  }
0x1c9: {  	[bflag:$0x3] =	sbarrier.arrive $0xFFFF  }
0x1ca: {  	_ =	shalt  }

</sc_bundles>
